<compile_context>
chip_gen: v7x
topology: tpu7x:2x2x1
jax: 0.10.2.dev20260603
libtpu: 0.0.44.dev20260713+nightly
codegen_flags: <defaults>
</compile_context>

<pallas_src>
import functools

import jax
import jax.numpy as jnp
from jax import lax
from jax.experimental import pallas as pl
from jax.experimental.pallas import tpu as pltpu
from jax.experimental.pallas import tpu_sc as plsc

DIM = 1024
NUM_WORKERS = 32
CHUNK = 16
NBUF = 6


def _gather_kernel_body(n_chunks, positions_hbm, pe_hbm, out_hbm,
                        idx_v, bufs, gsems, wsems):
    wid = lax.axis_index("s") * 2 + lax.axis_index("c")
    pltpu.sync_copy(positions_hbm.at[wid], idx_v)

    def start_gather(c):
        return pltpu.async_copy(
            pe_hbm.at[idx_v.at[c]], bufs[c % NBUF], gsems[c % NBUF])

    def start_write(c):
        row0 = (wid * n_chunks + c) * CHUNK
        return pltpu.async_copy(
            bufs[c % NBUF], out_hbm.at[pl.ds(row0, CHUNK)], wsems[c % NBUF])

    LEAD = NBUF - 2
    gh = {}
    wh = {}
    for c in range(min(LEAD, n_chunks)):
        gh[c] = start_gather(c)
    for c in range(n_chunks):
        nxt = c + LEAD
        if nxt < n_chunks:
            if nxt - NBUF >= 0:
                wh.pop(nxt - NBUF).wait()
            gh[nxt] = start_gather(nxt)
        gh.pop(c).wait()
        wh[c] = start_write(c)
    for c in sorted(wh):
        wh.pop(c).wait()


def kernel(positions, pe):
    batch, seq_len = positions.shape
    total = batch * seq_len
    assert total % (NUM_WORKERS * CHUNK) == 0
    n_chunks = total // (NUM_WORKERS * CHUNK)

    mesh = plsc.VectorSubcoreMesh(core_axis_name="c", subcore_axis_name="s")
    k = functools.partial(
        pl.kernel,
        mesh=mesh,
        out_type=jax.ShapeDtypeStruct((total, DIM), jnp.float32),
        scratch_types=[
            pltpu.VMEM((n_chunks, CHUNK), jnp.int32),
            [pltpu.VMEM((CHUNK, DIM), jnp.float32) for _ in range(NBUF)],
            [pltpu.SemaphoreType.DMA for _ in range(NBUF)],
            [pltpu.SemaphoreType.DMA for _ in range(NBUF)],
        ],
    )(functools.partial(_gather_kernel_body, n_chunks))

    flat_idx = positions.reshape(NUM_WORKERS, n_chunks, CHUNK)
    out = k(flat_idx, pe)
    return out.reshape(batch, seq_len, DIM)

# --- scband reference (transcript-rebuilt; emitter-appended) ---
"""Pipeline reference for scband-sinusoidal-positional-encoding-67242007986968 (READ-ONLY COPY).

The authoritative reference and input builder live on the scoring server;
editing this copy changes nothing except your own understanding.
"""

import math
import jax, jax.numpy as jnp
import numpy as np

DIM = 1024
MAX_LEN = 8192
BATCH = 4
SEQ_LEN = 4096


def _build_pe(dim: int, max_len: int) -> jnp.ndarray:
    position = jnp.arange(max_len, dtype=jnp.float32)[:, None]
    div_term = jnp.exp(jnp.arange(0, dim, 2, dtype=jnp.float32) * (-math.log(10000.0) / dim))
    pe = jnp.zeros((max_len, dim), dtype=jnp.float32)
    pe = pe.at[:, 0::2].set(jnp.sin(position * div_term))
    pe = pe.at[:, 1::2].set(jnp.cos(position * div_term))
    return pe


def setup_inputs(seed: int = 0) -> dict:
    key = jax.random.key(seed)
    positions = jax.random.randint(key, (BATCH, SEQ_LEN), 0, MAX_LEN, dtype=jnp.int32)
    pe = _build_pe(DIM, MAX_LEN)
    return {"positions": positions, "pe": pe}


def reference(positions, pe):
    # Faithful to SinusoidalPositionalEncoding.forward: pe[positions]
    # Works for both 1-D (seq_len,) and 2-D (batch, seq_len) position tensors.
    return jnp.take(pe, positions, axis=0)

if __name__ == "__main__":
    import jax
    _d = setup_inputs()
    print(jax.jit(kernel)(*tuple(_d.values())))

</pallas_src>

<mosaic_0001>
#map = affine_map<(d0, d1) -> (0, 0, 0)>
#map1 = affine_map<(d0, d1) -> (0, 0)>
module attributes {stable_mosaic.version = 14 : i64} {
  func.func @_gather_kernel_body(%arg0: i32, %arg1: i32, %arg2: memref<32x32x16xi32, #tpu.memory_space<hbm>>, %arg3: memref<8192x1024xf32, #tpu.memory_space<hbm>>, %arg4: memref<16384x1024xf32, #tpu.memory_space<hbm>>, %arg5: memref<32x16xi32, #tpu.memory_space<vmem>>, %arg6: memref<16x1024xf32, #tpu.memory_space<vmem>>, %arg7: memref<16x1024xf32, #tpu.memory_space<vmem>>, %arg8: memref<16x1024xf32, #tpu.memory_space<vmem>>, %arg9: memref<16x1024xf32, #tpu.memory_space<vmem>>, %arg10: memref<16x1024xf32, #tpu.memory_space<vmem>>, %arg11: memref<16x1024xf32, #tpu.memory_space<vmem>>, %arg12: memref<!tpu.dma_semaphore, #tpu.memory_space<semaphore_mem>>, %arg13: memref<!tpu.dma_semaphore, #tpu.memory_space<semaphore_mem>>, %arg14: memref<!tpu.dma_semaphore, #tpu.memory_space<semaphore_mem>>, %arg15: memref<!tpu.dma_semaphore, #tpu.memory_space<semaphore_mem>>, %arg16: memref<!tpu.dma_semaphore, #tpu.memory_space<semaphore_mem>>, %arg17: memref<!tpu.dma_semaphore, #tpu.memory_space<semaphore_mem>>, %arg18: memref<!tpu.dma_semaphore, #tpu.memory_space<semaphore_mem>>, %arg19: memref<!tpu.dma_semaphore, #tpu.memory_space<semaphore_mem>>, %arg20: memref<!tpu.dma_semaphore, #tpu.memory_space<semaphore_mem>>, %arg21: memref<!tpu.dma_semaphore, #tpu.memory_space<semaphore_mem>>, %arg22: memref<!tpu.dma_semaphore, #tpu.memory_space<semaphore_mem>>, %arg23: memref<!tpu.dma_semaphore, #tpu.memory_space<semaphore_mem>>) attributes {dimension_semantics = [#tpu.dimension_semantics<core_parallel>, #tpu.dimension_semantics<subcore_parallel>], iteration_bounds = array<i64: 2, 16>, scalar_prefetch = 0 : i64, scratch_operands = 19 : i64, tpu.core_type = #tpu.core_type<sc_vector_subcore>, window_params = [{transform_indices = #map}, {transform_indices = #map1}, {transform_indices = #map1}]} {
    %mul3A = arith.constant 2 : i32
    %mul3A_0 = arith.muli %arg1, %mul3A : i32
    %add3A = arith.addi %mul3A_0, %arg0 : i32
    "tpu.region"() ({
      %run_scoped3A = tpu.sem_alloc : memref<!tpu.dma_semaphore, #tpu.memory_space<semaphore_mem>>
      %dma_start3A_895 = arith.constant 0 : i32
      %dma_start3A_896 = arith.constant 0 : i32
      %dma_start3A_897 = tpu.memref_slice %arg2[%add3A, %dma_start3A_895, %dma_start3A_896] : memref<32x32x16xi32, #tpu.memory_space<hbm>> -> memref<1x32x16xi32, #tpu.memory_space<hbm>>
      %dma_start3A_898 = tpu.memref_squeeze %dma_start3A_897 : memref<1x32x16xi32, #tpu.memory_space<hbm>> -> memref<32x16xi32, #tpu.memory_space<hbm>>
      %dma_start3A_899 = arith.constant 0 : i32
      %dma_start3A_900 = arith.constant 0 : i32
      %dma_start3A_901 = tpu.memref_slice %arg2[%add3A, %dma_start3A_899, %dma_start3A_900] : memref<32x32x16xi32, #tpu.memory_space<hbm>> -> memref<1x32x16xi32, #tpu.memory_space<hbm>>
      %dma_start3A_902 = tpu.memref_squeeze %dma_start3A_901 : memref<1x32x16xi32, #tpu.memory_space<hbm>> -> memref<32x16xi32, #tpu.memory_space<hbm>>
      tpu.enqueue_dma source(%dma_start3A_902 : memref<32x16xi32, #tpu.memory_space<hbm>>) target(%arg5 : memref<32x16xi32, #tpu.memory_space<vmem>>) target_semaphore(%run_scoped3A : memref<!tpu.dma_semaphore, #tpu.memory_space<semaphore_mem>>)
      %dma_wait3A_903 = arith.constant 0 : i32
      %dma_wait3A_904 = arith.constant 0 : i32
      %dma_wait3A_905 = tpu.memref_slice %arg2[%add3A, %dma_wait3A_903, %dma_wait3A_904] : memref<32x32x16xi32, #tpu.memory_space<hbm>> -> memref<1x32x16xi32, #tpu.memory_space<hbm>>
      %dma_wait3A_906 = tpu.memref_squeeze %dma_wait3A_905 : memref<1x32x16xi32, #tpu.memory_space<hbm>> -> memref<32x16xi32, #tpu.memory_space<hbm>>
      %dma_wait3A_907 = arith.constant 0 : i32
      %dma_wait3A_908 = arith.constant 0 : i32
      %dma_wait3A_909 = tpu.memref_slice %arg2[%add3A, %dma_wait3A_907, %dma_wait3A_908] : memref<32x32x16xi32, #tpu.memory_space<hbm>> -> memref<1x32x16xi32, #tpu.memory_space<hbm>>
      %dma_wait3A_910 = tpu.memref_squeeze %dma_wait3A_909 : memref<1x32x16xi32, #tpu.memory_space<hbm>> -> memref<32x16xi32, #tpu.memory_space<hbm>>
      tpu.wait_dma2 semaphore(%run_scoped3A : memref<!tpu.dma_semaphore, #tpu.memory_space<semaphore_mem>>) src(%dma_wait3A_910 : memref<32x16xi32, #tpu.memory_space<hbm>>) dst(%arg5 : memref<32x16xi32, #tpu.memory_space<vmem>>)
      tpu.yield
    }) : () -> ()
    %dma_start3A = arith.constant 0 : i32
    %dma_start3A_1 = arith.constant 0 : i32
    %dma_start3A_2 = tpu.memref_slice %arg5[%dma_start3A, %dma_start3A_1] : memref<32x16xi32, #tpu.memory_space<vmem>> -> memref<1x16xi32, #tpu.memory_space<vmem>>
    %dma_start3A_3 = tpu.memref_squeeze %dma_start3A_2 : memref<1x16xi32, #tpu.memory_space<vmem>> -> memref<16xi32, #tpu.memory_space<vmem>>
    %dma_start3A_4 = arith.constant 0 : i32
    %dma_start3A_5 = arith.constant 0 : i32
    %dma_start3A_6 = tpu.memref_slice %arg3[%dma_start3A_4, %dma_start3A_5] : memref<8192x1024xf32, #tpu.memory_space<hbm>> -> memref<8192x1024xf32, #tpu.memory_space<hbm>>
    tpu.enqueue_indirect_dma source(%dma_start3A_6 : memref<8192x1024xf32, #tpu.memory_space<hbm>>) target(%arg6 : memref<16x1024xf32, #tpu.memory_space<vmem>>) offsets(%dma_start3A_3 : memref<16xi32, #tpu.memory_space<vmem>>) semaphore(%arg12 : memref<!tpu.dma_semaphore, #tpu.memory_space<semaphore_mem>>)
    %dma_start3A_7 = arith.constant 1 : i32
    %dma_start3A_8 = arith.constant 0 : i32
    %dma_start3A_9 = tpu.memref_slice %arg5[%dma_start3A_7, %dma_start3A_8] : memref<32x16xi32, #tpu.memory_space<vmem>> -> memref<1x16xi32, #tpu.memory_space<vmem>>
    %dma_start3A_10 = tpu.memref_squeeze %dma_start3A_9 : memref<1x16xi32, #tpu.memory_space<vmem>> -> memref<16xi32, #tpu.memory_space<vmem>>
    %dma_start3A_11 = arith.constant 0 : i32
    %dma_start3A_12 = arith.constant 0 : i32
    %dma_start3A_13 = tpu.memref_slice %arg3[%dma_start3A_11, %dma_start3A_12] : memref<8192x1024xf32, #tpu.memory_space<hbm>> -> memref<8192x1024xf32, #tpu.memory_space<hbm>>
    tpu.enqueue_indirect_dma source(%dma_start3A_13 : memref<8192x1024xf32, #tpu.memory_space<hbm>>) target(%arg7 : memref<16x1024xf32, #tpu.memory_space<vmem>>) offsets(%dma_start3A_10 : memref<16xi32, #tpu.memory_space<vmem>>) semaphore(%arg13 : memref<!tpu.dma_semaphore, #tpu.memory_space<semaphore_mem>>)
    %dma_start3A_14 = arith.constant 2 : i32
    %dma_start3A_15 = arith.constant 0 : i32
    %dma_start3A_16 = tpu.memref_slice %arg5[%dma_start3A_14, %dma_start3A_15] : memref<32x16xi32, #tpu.memory_space<vmem>> -> memref<1x16xi32, #tpu.memory_space<vmem>>
    %dma_start3A_17 = tpu.memref_squeeze %dma_start3A_16 : memref<1x16xi32, #tpu.memory_space<vmem>> -> memref<16xi32, #tpu.memory_space<vmem>>
    %dma_start3A_18 = arith.constant 0 : i32
    %dma_start3A_19 = arith.constant 0 : i32
    %dma_start3A_20 = tpu.memref_slice %arg3[%dma_start3A_18, %dma_start3A_19] : memref<8192x1024xf32, #tpu.memory_space<hbm>> -> memref<8192x1024xf32, #tpu.memory_space<hbm>>
    tpu.enqueue_indirect_dma source(%dma_start3A_20 : memref<8192x1024xf32, #tpu.memory_space<hbm>>) target(%arg8 : memref<16x1024xf32, #tpu.memory_space<vmem>>) offsets(%dma_start3A_17 : memref<16xi32, #tpu.memory_space<vmem>>) semaphore(%arg14 : memref<!tpu.dma_semaphore, #tpu.memory_space<semaphore_mem>>)
    %dma_start3A_21 = arith.constant 3 : i32
    %dma_start3A_22 = arith.constant 0 : i32
    %dma_start3A_23 = tpu.memref_slice %arg5[%dma_start3A_21, %dma_start3A_22] : memref<32x16xi32, #tpu.memory_space<vmem>> -> memref<1x16xi32, #tpu.memory_space<vmem>>
    %dma_start3A_24 = tpu.memref_squeeze %dma_start3A_23 : memref<1x16xi32, #tpu.memory_space<vmem>> -> memref<16xi32, #tpu.memory_space<vmem>>
    %dma_start3A_25 = arith.constant 0 : i32
    %dma_start3A_26 = arith.constant 0 : i32
    %dma_start3A_27 = tpu.memref_slice %arg3[%dma_start3A_25, %dma_start3A_26] : memref<8192x1024xf32, #tpu.memory_space<hbm>> -> memref<8192x1024xf32, #tpu.memory_space<hbm>>
    tpu.enqueue_indirect_dma source(%dma_start3A_27 : memref<8192x1024xf32, #tpu.memory_space<hbm>>) target(%arg9 : memref<16x1024xf32, #tpu.memory_space<vmem>>) offsets(%dma_start3A_24 : memref<16xi32, #tpu.memory_space<vmem>>) semaphore(%arg15 : memref<!tpu.dma_semaphore, #tpu.memory_space<semaphore_mem>>)
    %dma_start3A_28 = arith.constant 4 : i32
    %dma_start3A_29 = arith.constant 0 : i32
    %dma_start3A_30 = tpu.memref_slice %arg5[%dma_start3A_28, %dma_start3A_29] : memref<32x16xi32, #tpu.memory_space<vmem>> -> memref<1x16xi32, #tpu.memory_space<vmem>>
    %dma_start3A_31 = tpu.memref_squeeze %dma_start3A_30 : memref<1x16xi32, #tpu.memory_space<vmem>> -> memref<16xi32, #tpu.memory_space<vmem>>
    %dma_start3A_32 = arith.constant 0 : i32
    %dma_start3A_33 = arith.constant 0 : i32
    %dma_start3A_34 = tpu.memref_slice %arg3[%dma_start3A_32, %dma_start3A_33] : memref<8192x1024xf32, #tpu.memory_space<hbm>> -> memref<8192x1024xf32, #tpu.memory_space<hbm>>
    tpu.enqueue_indirect_dma source(%dma_start3A_34 : memref<8192x1024xf32, #tpu.memory_space<hbm>>) target(%arg10 : memref<16x1024xf32, #tpu.memory_space<vmem>>) offsets(%dma_start3A_31 : memref<16xi32, #tpu.memory_space<vmem>>) semaphore(%arg16 : memref<!tpu.dma_semaphore, #tpu.memory_space<semaphore_mem>>)
    %dma_wait3A = arith.constant 0 : i32
    %dma_wait3A_35 = arith.constant 0 : i32
    %dma_wait3A_36 = tpu.memref_slice %arg5[%dma_wait3A, %dma_wait3A_35] : memref<32x16xi32, #tpu.memory_space<vmem>> -> memref<1x16xi32, #tpu.memory_space<vmem>>
    %dma_wait3A_37 = tpu.memref_squeeze %dma_wait3A_36 : memref<1x16xi32, #tpu.memory_space<vmem>> -> memref<16xi32, #tpu.memory_space<vmem>>
    %dma_wait3A_38 = arith.constant 0 : i32
    %dma_wait3A_39 = arith.constant 0 : i32
    %dma_wait3A_40 = tpu.memref_slice %arg3[%dma_wait3A_38, %dma_wait3A_39] : memref<8192x1024xf32, #tpu.memory_space<hbm>> -> memref<8192x1024xf32, #tpu.memory_space<hbm>>
    tpu.wait_indirect_dma semaphore(%arg12 : memref<!tpu.dma_semaphore, #tpu.memory_space<semaphore_mem>>) src(%dma_wait3A_40 : memref<8192x1024xf32, #tpu.memory_space<hbm>>) dst(%arg6 : memref<16x1024xf32, #tpu.memory_space<vmem>>)
    %mul3A_41 = arith.constant 32 : i32
    %mul3A_42 = arith.muli %add3A, %mul3A_41 : i32
    %add3A_43 = arith.constant 0 : i32
    %add3A_44 = arith.addi %mul3A_42, %add3A_43 : i32
    %mul3A_45 = arith.constant 16 : i32
    %mul3A_46 = arith.muli %add3A_44, %mul3A_45 : i32
    %dma_start3A_47 = arith.constant 0 : i32
    %dma_start3A_48 = tpu.memref_slice %arg4[%mul3A_46, %dma_start3A_47] : memref<16384x1024xf32, #tpu.memory_space<hbm>> -> memref<16x1024xf32, #tpu.memory_space<hbm>>
    %dma_start3A_49 = arith.constant 0 : i32
    %dma_start3A_50 = tpu.memref_slice %arg4[%mul3A_46, %dma_start3A_49] : memref<16384x1024xf32, #tpu.memory_space<hbm>> -> memref<16x1024xf32, #tpu.memory_space<hbm>>
    tpu.enqueue_dma source(%arg6 : memref<16x1024xf32, #tpu.memory_space<vmem>>) target(%dma_start3A_50 : memref<16x1024xf32, #tpu.memory_space<hbm>>) target_semaphore(%arg18 : memref<!tpu.dma_semaphore, #tpu.memory_space<semaphore_mem>>)
    %dma_start3A_51 = arith.constant 5 : i32
    %dma_start3A_52 = arith.constant 0 : i32
    %dma_start3A_53 = tpu.memref_slice %arg5[%dma_start3A_51, %dma_start3A_52] : memref<32x16xi32, #tpu.memory_space<vmem>> -> memref<1x16xi32, #tpu.memory_space<vmem>>
    %dma_start3A_54 = tpu.memref_squeeze %dma_start3A_53 : memref<1x16xi32, #tpu.memory_space<vmem>> -> memref<16xi32, #tpu.memory_space<vmem>>
    %dma_start3A_55 = arith.constant 0 : i32
    %dma_start3A_56 = arith.constant 0 : i32
    %dma_start3A_57 = tpu.memref_slice %arg3[%dma_start3A_55, %dma_start3A_56] : memref<8192x1024xf32, #tpu.memory_space<hbm>> -> memref<8192x1024xf32, #tpu.memory_space<hbm>>
    tpu.enqueue_indirect_dma source(%dma_start3A_57 : memref<8192x1024xf32, #tpu.memory_space<hbm>>) target(%arg11 : memref<16x1024xf32, #tpu.memory_space<vmem>>) offsets(%dma_start3A_54 : memref<16xi32, #tpu.memory_space<vmem>>) semaphore(%arg17 : memref<!tpu.dma_semaphore, #tpu.memory_space<semaphore_mem>>)
    %dma_wait3A_58 = arith.constant 1 : i32
    %dma_wait3A_59 = arith.constant 0 : i32
    %dma_wait3A_60 = tpu.memref_slice %arg5[%dma_wait3A_58, %dma_wait3A_59] : memref<32x16xi32, #tpu.memory_space<vmem>> -> memref<1x16xi32, #tpu.memory_space<vmem>>
    %dma_wait3A_61 = tpu.memref_squeeze %dma_wait3A_60 : memref<1x16xi32, #tpu.memory_space<vmem>> -> memref<16xi32, #tpu.memory_space<vmem>>
    %dma_wait3A_62 = arith.constant 0 : i32
    %dma_wait3A_63 = arith.constant 0 : i32
    %dma_wait3A_64 = tpu.memref_slice %arg3[%dma_wait3A_62, %dma_wait3A_63] : memref<8192x1024xf32, #tpu.memory_space<hbm>> -> memref<8192x1024xf32, #tpu.memory_space<hbm>>
    tpu.wait_indirect_dma semaphore(%arg13 : memref<!tpu.dma_semaphore, #tpu.memory_space<semaphore_mem>>) src(%dma_wait3A_64 : memref<8192x1024xf32, #tpu.memory_space<hbm>>) dst(%arg7 : memref<16x1024xf32, #tpu.memory_space<vmem>>)
    %mul3A_65 = arith.constant 32 : i32
    %mul3A_66 = arith.muli %add3A, %mul3A_65 : i32
    %add3A_67 = arith.constant 1 : i32
    %add3A_68 = arith.addi %mul3A_66, %add3A_67 : i32
    %mul3A_69 = arith.constant 16 : i32
    %mul3A_70 = arith.muli %add3A_68, %mul3A_69 : i32
    %dma_start3A_71 = arith.constant 0 : i32
    %dma_start3A_72 = tpu.memref_slice %arg4[%mul3A_70, %dma_start3A_71] : memref<16384x1024xf32, #tpu.memory_space<hbm>> -> memref<16x1024xf32, #tpu.memory_space<hbm>>
    %dma_start3A_73 = arith.constant 0 : i32
    %dma_start3A_74 = tpu.memref_slice %arg4[%mul3A_70, %dma_start3A_73] : memref<16384x1024xf32, #tpu.memory_space<hbm>> -> memref<16x1024xf32, #tpu.memory_space<hbm>>
    tpu.enqueue_dma source(%arg7 : memref<16x1024xf32, #tpu.memory_space<vmem>>) target(%dma_start3A_74 : memref<16x1024xf32, #tpu.memory_space<hbm>>) target_semaphore(%arg19 : memref<!tpu.dma_semaphore, #tpu.memory_space<semaphore_mem>>)
    %dma_wait3A_75 = arith.constant 0 : i32
    %dma_wait3A_76 = tpu.memref_slice %arg4[%mul3A_46, %dma_wait3A_75] : memref<16384x1024xf32, #tpu.memory_space<hbm>> -> memref<16x1024xf32, #tpu.memory_space<hbm>>
    %dma_wait3A_77 = arith.constant 0 : i32
    %dma_wait3A_78 = tpu.memref_slice %arg4[%mul3A_46, %dma_wait3A_77] : memref<16384x1024xf32, #tpu.memory_space<hbm>> -> memref<16x1024xf32, #tpu.memory_space<hbm>>
    tpu.wait_dma2 semaphore(%arg18 : memref<!tpu.dma_semaphore, #tpu.memory_space<semaphore_mem>>) src(%arg6 : memref<16x1024xf32, #tpu.memory_space<vmem>>) dst(%dma_wait3A_78 : memref<16x1024xf32, #tpu.memory_space<hbm>>)
    %dma_start3A_79 = arith.constant 6 : i32
    %dma_start3A_80 = arith.constant 0 : i32
    %dma_start3A_81 = tpu.memref_slice %arg5[%dma_start3A_79, %dma_start3A_80] : memref<32x16xi32, #tpu.memory_space<vmem>> -> memref<1x16xi32, #tpu.memory_space<vmem>>
    %dma_start3A_82 = tpu.memref_squeeze %dma_start3A_81 : memref<1x16xi32, #tpu.memory_space<vmem>> -> memref<16xi32, #tpu.memory_space<vmem>>
    %dma_start3A_83 = arith.constant 0 : i32
    %dma_start3A_84 = arith.constant 0 : i32
    %dma_start3A_85 = tpu.memref_slice %arg3[%dma_start3A_83, %dma_start3A_84] : memref<8192x1024xf32, #tpu.memory_space<hbm>> -> memref<8192x1024xf32, #tpu.memory_space<hbm>>
    tpu.enqueue_indirect_dma source(%dma_start3A_85 : memref<8192x1024xf32, #tpu.memory_space<hbm>>) target(%arg6 : memref<16x1024xf32, #tpu.memory_space<vmem>>) offsets(%dma_start3A_82 : memref<16xi32, #tpu.memory_space<vmem>>) semaphore(%arg12 : memref<!tpu.dma_semaphore, #tpu.memory_space<semaphore_mem>>)
    %dma_wait3A_86 = arith.constant 2 : i32
    %dma_wait3A_87 = arith.constant 0 : i32
    %dma_wait3A_88 = tpu.memref_slice %arg5[%dma_wait3A_86, %dma_wait3A_87] : memref<32x16xi32, #tpu.memory_space<vmem>> -> memref<1x16xi32, #tpu.memory_space<vmem>>
    %dma_wait3A_89 = tpu.memref_squeeze %dma_wait3A_88 : memref<1x16xi32, #tpu.memory_space<vmem>> -> memref<16xi32, #tpu.memory_space<vmem>>
    %dma_wait3A_90 = arith.constant 0 : i32
    %dma_wait3A_91 = arith.constant 0 : i32
    %dma_wait3A_92 = tpu.memref_slice %arg3[%dma_wait3A_90, %dma_wait3A_91] : memref<8192x1024xf32, #tpu.memory_space<hbm>> -> memref<8192x1024xf32, #tpu.memory_space<hbm>>
    tpu.wait_indirect_dma semaphore(%arg14 : memref<!tpu.dma_semaphore, #tpu.memory_space<semaphore_mem>>) src(%dma_wait3A_92 : memref<8192x1024xf32, #tpu.memory_space<hbm>>) dst(%arg8 : memref<16x1024xf32, #tpu.memory_space<vmem>>)
    %mul3A_93 = arith.constant 32 : i32
    %mul3A_94 = arith.muli %add3A, %mul3A_93 : i32
    %add3A_95 = arith.constant 2 : i32
    %add3A_96 = arith.addi %mul3A_94, %add3A_95 : i32
    %mul3A_97 = arith.constant 16 : i32
    %mul3A_98 = arith.muli %add3A_96, %mul3A_97 : i32
    %dma_start3A_99 = arith.constant 0 : i32
    %dma_start3A_100 = tpu.memref_slice %arg4[%mul3A_98, %dma_start3A_99] : memref<16384x1024xf32, #tpu.memory_space<hbm>> -> memref<16x1024xf32, #tpu.memory_space<hbm>>
    %dma_start3A_101 = arith.constant 0 : i32
    %dma_start3A_102 = tpu.memref_slice %arg4[%mul3A_98, %dma_start3A_101] : memref<16384x1024xf32, #tpu.memory_space<hbm>> -> memref<16x1024xf32, #tpu.memory_space<hbm>>
    tpu.enqueue_dma source(%arg8 : memref<16x1024xf32, #tpu.memory_space<vmem>>) target(%dma_start3A_102 : memref<16x1024xf32, #tpu.memory_space<hbm>>) target_semaphore(%arg20 : memref<!tpu.dma_semaphore, #tpu.memory_space<semaphore_mem>>)
    %dma_wait3A_103 = arith.constant 0 : i32
    %dma_wait3A_104 = tpu.memref_slice %arg4[%mul3A_70, %dma_wait3A_103] : memref<16384x1024xf32, #tpu.memory_space<hbm>> -> memref<16x1024xf32, #tpu.memory_space<hbm>>
    %dma_wait3A_105 = arith.constant 0 : i32
    %dma_wait3A_106 = tpu.memref_slice %arg4[%mul3A_70, %dma_wait3A_105] : memref<16384x1024xf32, #tpu.memory_space<hbm>> -> memref<16x1024xf32, #tpu.memory_space<hbm>>
    tpu.wait_dma2 semaphore(%arg19 : memref<!tpu.dma_semaphore, #tpu.memory_space<semaphore_mem>>) src(%arg7 : memref<16x1024xf32, #tpu.memory_space<vmem>>) dst(%dma_wait3A_106 : memref<16x1024xf32, #tpu.memory_space<hbm>>)
    %dma_start3A_107 = arith.constant 7 : i32
    %dma_start3A_108 = arith.constant 0 : i32
    %dma_start3A_109 = tpu.memref_slice %arg5[%dma_start3A_107, %dma_start3A_108] : memref<32x16xi32, #tpu.memory_space<vmem>> -> memref<1x16xi32, #tpu.memory_space<vmem>>
    %dma_start3A_110 = tpu.memref_squeeze %dma_start3A_109 : memref<1x16xi32, #tpu.memory_space<vmem>> -> memref<16xi32, #tpu.memory_space<vmem>>
    %dma_start3A_111 = arith.constant 0 : i32
    %dma_start3A_112 = arith.constant 0 : i32
    %dma_start3A_113 = tpu.memref_slice %arg3[%dma_start3A_111, %dma_start3A_112] : memref<8192x1024xf32, #tpu.memory_space<hbm>> -> memref<8192x1024xf32, #tpu.memory_space<hbm>>
    tpu.enqueue_indirect_dma source(%dma_start3A_113 : memref<8192x1024xf32, #tpu.memory_space<hbm>>) target(%arg7 : memref<16x1024xf32, #tpu.memory_space<vmem>>) offsets(%dma_start3A_110 : memref<16xi32, #tpu.memory_space<vmem>>) semaphore(%arg13 : memref<!tpu.dma_semaphore, #tpu.memory_space<semaphore_mem>>)
    %dma_wait3A_114 = arith.constant 3 : i32
    %dma_wait3A_115 = arith.constant 0 : i32
    %dma_wait3A_116 = tpu.memref_slice %arg5[%dma_wait3A_114, %dma_wait3A_115] : memref<32x16xi32, #tpu.memory_space<vmem>> -> memref<1x16xi32, #tpu.memory_space<vmem>>
    %dma_wait3A_117 = tpu.memref_squeeze %dma_wait3A_116 : memref<1x16xi32, #tpu.memory_space<vmem>> -> memref<16xi32, #tpu.memory_space<vmem>>
    %dma_wait3A_118 = arith.constant 0 : i32
    %dma_wait3A_119 = arith.constant 0 : i32
    %dma_wait3A_120 = tpu.memref_slice %arg3[%dma_wait3A_118, %dma_wait3A_119] : memref<8192x1024xf32, #tpu.memory_space<hbm>> -> memref<8192x1024xf32, #tpu.memory_space<hbm>>
    tpu.wait_indirect_dma semaphore(%arg15 : memref<!tpu.dma_semaphore, #tpu.memory_space<semaphore_mem>>) src(%dma_wait3A_120 : memref<8192x1024xf32, #tpu.memory_space<hbm>>) dst(%arg9 : memref<16x1024xf32, #tpu.memory_space<vmem>>)
    %mul3A_121 = arith.constant 32 : i32
    %mul3A_122 = arith.muli %add3A, %mul3A_121 : i32
    %add3A_123 = arith.constant 3 : i32
    %add3A_124 = arith.addi %mul3A_122, %add3A_123 : i32
    %mul3A_125 = arith.constant 16 : i32
    %mul3A_126 = arith.muli %add3A_124, %mul3A_125 : i32
    %dma_start3A_127 = arith.constant 0 : i32
    %dma_start3A_128 = tpu.memref_slice %arg4[%mul3A_126, %dma_start3A_127] : memref<16384x1024xf32, #tpu.memory_space<hbm>> -> memref<16x1024xf32, #tpu.memory_space<hbm>>
    %dma_start3A_129 = arith.constant 0 : i32
    %dma_start3A_130 = tpu.memref_slice %arg4[%mul3A_126, %dma_start3A_129] : memref<16384x1024xf32, #tpu.memory_space<hbm>> -> memref<16x1024xf32, #tpu.memory_space<hbm>>
    tpu.enqueue_dma source(%arg9 : memref<16x1024xf32, #tpu.memory_space<vmem>>) target(%dma_start3A_130 : memref<16x1024xf32, #tpu.memory_space<hbm>>) target_semaphore(%arg21 : memref<!tpu.dma_semaphore, #tpu.memory_space<semaphore_mem>>)
    %dma_wait3A_131 = arith.constant 0 : i32
    %dma_wait3A_132 = tpu.memref_slice %arg4[%mul3A_98, %dma_wait3A_131] : memref<16384x1024xf32, #tpu.memory_space<hbm>> -> memref<16x1024xf32, #tpu.memory_space<hbm>>
    %dma_wait3A_133 = arith.constant 0 : i32
    %dma_wait3A_134 = tpu.memref_slice %arg4[%mul3A_98, %dma_wait3A_133] : memref<16384x1024xf32, #tpu.memory_space<hbm>> -> memref<16x1024xf32, #tpu.memory_space<hbm>>
    tpu.wait_dma2 semaphore(%arg20 : memref<!tpu.dma_semaphore, #tpu.memory_space<semaphore_mem>>) src(%arg8 : memref<16x1024xf32, #tpu.memory_space<vmem>>) dst(%dma_wait3A_134 : memref<16x1024xf32, #tpu.memory_space<hbm>>)
    %dma_start3A_135 = arith.constant 8 : i32
    %dma_start3A_136 = arith.constant 0 : i32
    %dma_start3A_137 = tpu.memref_slice %arg5[%dma_start3A_135, %dma_start3A_136] : memref<32x16xi32, #tpu.memory_space<vmem>> -> memref<1x16xi32, #tpu.memory_space<vmem>>
    %dma_start3A_138 = tpu.memref_squeeze %dma_start3A_137 : memref<1x16xi32, #tpu.memory_space<vmem>> -> memref<16xi32, #tpu.memory_space<vmem>>
    %dma_start3A_139 = arith.constant 0 : i32
    %dma_start3A_140 = arith.constant 0 : i32
    %dma_start3A_141 = tpu.memref_slice %arg3[%dma_start3A_139, %dma_start3A_140] : memref<8192x1024xf32, #tpu.memory_space<hbm>> -> memref<8192x1024xf32, #tpu.memory_space<hbm>>
    tpu.enqueue_indirect_dma source(%dma_start3A_141 : memref<8192x1024xf32, #tpu.memory_space<hbm>>) target(%arg8 : memref<16x1024xf32, #tpu.memory_space<vmem>>) offsets(%dma_start3A_138 : memref<16xi32, #tpu.memory_space<vmem>>) semaphore(%arg14 : memref<!tpu.dma_semaphore, #tpu.memory_space<semaphore_mem>>)
    %dma_wait3A_142 = arith.constant 4 : i32
    %dma_wait3A_143 = arith.constant 0 : i32
    %dma_wait3A_144 = tpu.memref_slice %arg5[%dma_wait3A_142, %dma_wait3A_143] : memref<32x16xi32, #tpu.memory_space<vmem>> -> memref<1x16xi32, #tpu.memory_space<vmem>>
    %dma_wait3A_145 = tpu.memref_squeeze %dma_wait3A_144 : memref<1x16xi32, #tpu.memory_space<vmem>> -> memref<16xi32, #tpu.memory_space<vmem>>
    %dma_wait3A_146 = arith.constant 0 : i32
    %dma_wait3A_147 = arith.constant 0 : i32
    %dma_wait3A_148 = tpu.memref_slice %arg3[%dma_wait3A_146, %dma_wait3A_147] : memref<8192x1024xf32, #tpu.memory_space<hbm>> -> memref<8192x1024xf32, #tpu.memory_space<hbm>>
    tpu.wait_indirect_dma semaphore(%arg16 : memref<!tpu.dma_semaphore, #tpu.memory_space<semaphore_mem>>) src(%dma_wait3A_148 : memref<8192x1024xf32, #tpu.memory_space<hbm>>) dst(%arg10 : memref<16x1024xf32, #tpu.memory_space<vmem>>)
    %mul3A_149 = arith.constant 32 : i32
    %mul3A_150 = arith.muli %add3A, %mul3A_149 : i32
    %add3A_151 = arith.constant 4 : i32
    %add3A_152 = arith.addi %mul3A_150, %add3A_151 : i32
    %mul3A_153 = arith.constant 16 : i32
    %mul3A_154 = arith.muli %add3A_152, %mul3A_153 : i32
    %dma_start3A_155 = arith.constant 0 : i32
    %dma_start3A_156 = tpu.memref_slice %arg4[%mul3A_154, %dma_start3A_155] : memref<16384x1024xf32, #tpu.memory_space<hbm>> -> memref<16x1024xf32, #tpu.memory_space<hbm>>
    %dma_start3A_157 = arith.constant 0 : i32
    %dma_start3A_158 = tpu.memref_slice %arg4[%mul3A_154, %dma_start3A_157] : memref<16384x1024xf32, #tpu.memory_space<hbm>> -> memref<16x1024xf32, #tpu.memory_space<hbm>>
    tpu.enqueue_dma source(%arg10 : memref<16x1024xf32, #tpu.memory_space<vmem>>) target(%dma_start3A_158 : memref<16x1024xf32, #tpu.memory_space<hbm>>) target_semaphore(%arg22 : memref<!tpu.dma_semaphore, #tpu.memory_space<semaphore_mem>>)
    %dma_wait3A_159 = arith.constant 0 : i32
    %dma_wait3A_160 = tpu.memref_slice %arg4[%mul3A_126, %dma_wait3A_159] : memref<16384x1024xf32, #tpu.memory_space<hbm>> -> memref<16x1024xf32, #tpu.memory_space<hbm>>
    %dma_wait3A_161 = arith.constant 0 : i32
    %dma_wait3A_162 = tpu.memref_slice %arg4[%mul3A_126, %dma_wait3A_161] : memref<16384x1024xf32, #tpu.memory_space<hbm>> -> memref<16x1024xf32, #tpu.memory_space<hbm>>
    tpu.wait_dma2 semaphore(%arg21 : memref<!tpu.dma_semaphore, #tpu.memory_space<semaphore_mem>>) src(%arg9 : memref<16x1024xf32, #tpu.memory_space<vmem>>) dst(%dma_wait3A_162 : memref<16x1024xf32, #tpu.memory_space<hbm>>)
    %dma_start3A_163 = arith.constant 9 : i32
    %dma_start3A_164 = arith.constant 0 : i32
    %dma_start3A_165 = tpu.memref_slice %arg5[%dma_start3A_163, %dma_start3A_164] : memref<32x16xi32, #tpu.memory_space<vmem>> -> memref<1x16xi32, #tpu.memory_space<vmem>>
    %dma_start3A_166 = tpu.memref_squeeze %dma_start3A_165 : memref<1x16xi32, #tpu.memory_space<vmem>> -> memref<16xi32, #tpu.memory_space<vmem>>
    %dma_start3A_167 = arith.constant 0 : i32
    %dma_start3A_168 = arith.constant 0 : i32
    %dma_start3A_169 = tpu.memref_slice %arg3[%dma_start3A_167, %dma_start3A_168] : memref<8192x1024xf32, #tpu.memory_space<hbm>> -> memref<8192x1024xf32, #tpu.memory_space<hbm>>
    tpu.enqueue_indirect_dma source(%dma_start3A_169 : memref<8192x1024xf32, #tpu.memory_space<hbm>>) target(%arg9 : memref<16x1024xf32, #tpu.memory_space<vmem>>) offsets(%dma_start3A_166 : memref<16xi32, #tpu.memory_space<vmem>>) semaphore(%arg15 : memref<!tpu.dma_semaphore, #tpu.memory_space<semaphore_mem>>)
    %dma_wait3A_170 = arith.constant 5 : i32
    %dma_wait3A_171 = arith.constant 0 : i32
    %dma_wait3A_172 = tpu.memref_slice %arg5[%dma_wait3A_170, %dma_wait3A_171] : memref<32x16xi32, #tpu.memory_space<vmem>> -> memref<1x16xi32, #tpu.memory_space<vmem>>
    %dma_wait3A_173 = tpu.memref_squeeze %dma_wait3A_172 : memref<1x16xi32, #tpu.memory_space<vmem>> -> memref<16xi32, #tpu.memory_space<vmem>>
    %dma_wait3A_174 = arith.constant 0 : i32
    %dma_wait3A_175 = arith.constant 0 : i32
    %dma_wait3A_176 = tpu.memref_slice %arg3[%dma_wait3A_174, %dma_wait3A_175] : memref<8192x1024xf32, #tpu.memory_space<hbm>> -> memref<8192x1024xf32, #tpu.memory_space<hbm>>
    tpu.wait_indirect_dma semaphore(%arg17 : memref<!tpu.dma_semaphore, #tpu.memory_space<semaphore_mem>>) src(%dma_wait3A_176 : memref<8192x1024xf32, #tpu.memory_space<hbm>>) dst(%arg11 : memref<16x1024xf32, #tpu.memory_space<vmem>>)
    %mul3A_177 = arith.constant 32 : i32
    %mul3A_178 = arith.muli %add3A, %mul3A_177 : i32
    %add3A_179 = arith.constant 5 : i32
    %add3A_180 = arith.addi %mul3A_178, %add3A_179 : i32
    %mul3A_181 = arith.constant 16 : i32
    %mul3A_182 = arith.muli %add3A_180, %mul3A_181 : i32
    %dma_start3A_183 = arith.constant 0 : i32
    %dma_start3A_184 = tpu.memref_slice %arg4[%mul3A_182, %dma_start3A_183] : memref<16384x1024xf32, #tpu.memory_space<hbm>> -> memref<16x1024xf32, #tpu.memory_space<hbm>>
    %dma_start3A_185 = arith.constant 0 : i32
    %dma_start3A_186 = tpu.memref_slice %arg4[%mul3A_182, %dma_start3A_185] : memref<16384x1024xf32, #tpu.memory_space<hbm>> -> memref<16x1024xf32, #tpu.memory_space<hbm>>
    tpu.enqueue_dma source(%arg11 : memref<16x1024xf32, #tpu.memory_space<vmem>>) target(%dma_start3A_186 : memref<16x1024xf32, #tpu.memory_space<hbm>>) target_semaphore(%arg23 : memref<!tpu.dma_semaphore, #tpu.memory_space<semaphore_mem>>)
    %dma_wait3A_187 = arith.constant 0 : i32
    %dma_wait3A_188 = tpu.memref_slice %arg4[%mul3A_154, %dma_wait3A_187] : memref<16384x1024xf32, #tpu.memory_space<hbm>> -> memref<16x1024xf32, #tpu.memory_space<hbm>>
    %dma_wait3A_189 = arith.constant 0 : i32
    %dma_wait3A_190 = tpu.memref_slice %arg4[%mul3A_154, %dma_wait3A_189] : memref<16384x1024xf32, #tpu.memory_space<hbm>> -> memref<16x1024xf32, #tpu.memory_space<hbm>>
    tpu.wait_dma2 semaphore(%arg22 : memref<!tpu.dma_semaphore, #tpu.memory_space<semaphore_mem>>) src(%arg10 : memref<16x1024xf32, #tpu.memory_space<vmem>>) dst(%dma_wait3A_190 : memref<16x1024xf32, #tpu.memory_space<hbm>>)
    %dma_start3A_191 = arith.constant 10 : i32
    %dma_start3A_192 = arith.constant 0 : i32
    %dma_start3A_193 = tpu.memref_slice %arg5[%dma_start3A_191, %dma_start3A_192] : memref<32x16xi32, #tpu.memory_space<vmem>> -> memref<1x16xi32, #tpu.memory_space<vmem>>
    %dma_start3A_194 = tpu.memref_squeeze %dma_start3A_193 : memref<1x16xi32, #tpu.memory_space<vmem>> -> memref<16xi32, #tpu.memory_space<vmem>>
    %dma_start3A_195 = arith.constant 0 : i32
    %dma_start3A_196 = arith.constant 0 : i32
    %dma_start3A_197 = tpu.memref_slice %arg3[%dma_start3A_195, %dma_start3A_196] : memref<8192x1024xf32, #tpu.memory_space<hbm>> -> memref<8192x1024xf32, #tpu.memory_space<hbm>>
    tpu.enqueue_indirect_dma source(%dma_start3A_197 : memref<8192x1024xf32, #tpu.memory_space<hbm>>) target(%arg10 : memref<16x1024xf32, #tpu.memory_space<vmem>>) offsets(%dma_start3A_194 : memref<16xi32, #tpu.memory_space<vmem>>) semaphore(%arg16 : memref<!tpu.dma_semaphore, #tpu.memory_space<semaphore_mem>>)
    %dma_wait3A_198 = arith.constant 6 : i32
    %dma_wait3A_199 = arith.constant 0 : i32
    %dma_wait3A_200 = tpu.memref_slice %arg5[%dma_wait3A_198, %dma_wait3A_199] : memref<32x16xi32, #tpu.memory_space<vmem>> -> memref<1x16xi32, #tpu.memory_space<vmem>>
    %dma_wait3A_201 = tpu.memref_squeeze %dma_wait3A_200 : memref<1x16xi32, #tpu.memory_space<vmem>> -> memref<16xi32, #tpu.memory_space<vmem>>
    %dma_wait3A_202 = arith.constant 0 : i32
    %dma_wait3A_203 = arith.constant 0 : i32
    %dma_wait3A_204 = tpu.memref_slice %arg3[%dma_wait3A_202, %dma_wait3A_203] : memref<8192x1024xf32, #tpu.memory_space<hbm>> -> memref<8192x1024xf32, #tpu.memory_space<hbm>>
    tpu.wait_indirect_dma semaphore(%arg12 : memref<!tpu.dma_semaphore, #tpu.memory_space<semaphore_mem>>) src(%dma_wait3A_204 : memref<8192x1024xf32, #tpu.memory_space<hbm>>) dst(%arg6 : memref<16x1024xf32, #tpu.memory_space<vmem>>)
    %mul3A_205 = arith.constant 32 : i32
    %mul3A_206 = arith.muli %add3A, %mul3A_205 : i32
    %add3A_207 = arith.constant 6 : i32
    %add3A_208 = arith.addi %mul3A_206, %add3A_207 : i32
    %mul3A_209 = arith.constant 16 : i32
    %mul3A_210 = arith.muli %add3A_208, %mul3A_209 : i32
    %dma_start3A_211 = arith.constant 0 : i32
    %dma_start3A_212 = tpu.memref_slice %arg4[%mul3A_210, %dma_start3A_211] : memref<16384x1024xf32, #tpu.memory_space<hbm>> -> memref<16x1024xf32, #tpu.memory_space<hbm>>
    %dma_start3A_213 = arith.constant 0 : i32
    %dma_start3A_214 = tpu.memref_slice %arg4[%mul3A_210, %dma_start3A_213] : memref<16384x1024xf32, #tpu.memory_space<hbm>> -> memref<16x1024xf32, #tpu.memory_space<hbm>>
    tpu.enqueue_dma source(%arg6 : memref<16x1024xf32, #tpu.memory_space<vmem>>) target(%dma_start3A_214 : memref<16x1024xf32, #tpu.memory_space<hbm>>) target_semaphore(%arg18 : memref<!tpu.dma_semaphore, #tpu.memory_space<semaphore_mem>>)
    %dma_wait3A_215 = arith.constant 0 : i32
    %dma_wait3A_216 = tpu.memref_slice %arg4[%mul3A_182, %dma_wait3A_215] : memref<16384x1024xf32, #tpu.memory_space<hbm>> -> memref<16x1024xf32, #tpu.memory_space<hbm>>
    %dma_wait3A_217 = arith.constant 0 : i32
    %dma_wait3A_218 = tpu.memref_slice %arg4[%mul3A_182, %dma_wait3A_217] : memref<16384x1024xf32, #tpu.memory_space<hbm>> -> memref<16x1024xf32, #tpu.memory_space<hbm>>
    tpu.wait_dma2 semaphore(%arg23 : memref<!tpu.dma_semaphore, #tpu.memory_space<semaphore_mem>>) src(%arg11 : memref<16x1024xf32, #tpu.memory_space<vmem>>) dst(%dma_wait3A_218 : memref<16x1024xf32, #tpu.memory_space<hbm>>)
    %dma_start3A_219 = arith.constant 11 : i32
    %dma_start3A_220 = arith.constant 0 : i32
    %dma_start3A_221 = tpu.memref_slice %arg5[%dma_start3A_219, %dma_start3A_220] : memref<32x16xi32, #tpu.memory_space<vmem>> -> memref<1x16xi32, #tpu.memory_space<vmem>>
    %dma_start3A_222 = tpu.memref_squeeze %dma_start3A_221 : memref<1x16xi32, #tpu.memory_space<vmem>> -> memref<16xi32, #tpu.memory_space<vmem>>
    %dma_start3A_223 = arith.constant 0 : i32
    %dma_start3A_224 = arith.constant 0 : i32
    %dma_start3A_225 = tpu.memref_slice %arg3[%dma_start3A_223, %dma_start3A_224] : memref<8192x1024xf32, #tpu.memory_space<hbm>> -> memref<8192x1024xf32, #tpu.memory_space<hbm>>
    tpu.enqueue_indirect_dma source(%dma_start3A_225 : memref<8192x1024xf32, #tpu.memory_space<hbm>>) target(%arg11 : memref<16x1024xf32, #tpu.memory_space<vmem>>) offsets(%dma_start3A_222 : memref<16xi32, #tpu.memory_space<vmem>>) semaphore(%arg17 : memref<!tpu.dma_semaphore, #tpu.memory_space<semaphore_mem>>)
    %dma_wait3A_226 = arith.constant 7 : i32
    %dma_wait3A_227 = arith.constant 0 : i32
    %dma_wait3A_228 = tpu.memref_slice %arg5[%dma_wait3A_226, %dma_wait3A_227] : memref<32x16xi32, #tpu.memory_space<vmem>> -> memref<1x16xi32, #tpu.memory_space<vmem>>
    %dma_wait3A_229 = tpu.memref_squeeze %dma_wait3A_228 : memref<1x16xi32, #tpu.memory_space<vmem>> -> memref<16xi32, #tpu.memory_space<vmem>>
    %dma_wait3A_230 = arith.constant 0 : i32
    %dma_wait3A_231 = arith.constant 0 : i32
    %dma_wait3A_232 = tpu.memref_slice %arg3[%dma_wait3A_230, %dma_wait3A_231] : memref<8192x1024xf32, #tpu.memory_space<hbm>> -> memref<8192x1024xf32, #tpu.memory_space<hbm>>
    tpu.wait_indirect_dma semaphore(%arg13 : memref<!tpu.dma_semaphore, #tpu.memory_space<semaphore_mem>>) src(%dma_wait3A_232 : memref<8192x1024xf32, #tpu.memory_space<hbm>>) dst(%arg7 : memref<16x1024xf32, #tpu.memory_space<vmem>>)
    %mul3A_233 = arith.constant 32 : i32
    %mul3A_234 = arith.muli %add3A, %mul3A_233 : i32
    %add3A_235 = arith.constant 7 : i32
    %add3A_236 = arith.addi %mul3A_234, %add3A_235 : i32
    %mul3A_237 = arith.constant 16 : i32
    %mul3A_238 = arith.muli %add3A_236, %mul3A_237 : i32
    %dma_start3A_239 = arith.constant 0 : i32
    %dma_start3A_240 = tpu.memref_slice %arg4[%mul3A_238, %dma_start3A_239] : memref<16384x1024xf32, #tpu.memory_space<hbm>> -> memref<16x1024xf32, #tpu.memory_space<hbm>>
    %dma_start3A_241 = arith.constant 0 : i32
    %dma_start3A_242 = tpu.memref_slice %arg4[%mul3A_238, %dma_start3A_241] : memref<16384x1024xf32, #tpu.memory_space<hbm>> -> memref<16x1024xf32, #tpu.memory_space<hbm>>
    tpu.enqueue_dma source(%arg7 : memref<16x1024xf32, #tpu.memory_space<vmem>>) target(%dma_start3A_242 : memref<16x1024xf32, #tpu.memory_space<hbm>>) target_semaphore(%arg19 : memref<!tpu.dma_semaphore, #tpu.memory_space<semaphore_mem>>)
    %dma_wait3A_243 = arith.constant 0 : i32
    %dma_wait3A_244 = tpu.memref_slice %arg4[%mul3A_210, %dma_wait3A_243] : memref<16384x1024xf32, #tpu.memory_space<hbm>> -> memref<16x1024xf32, #tpu.memory_space<hbm>>
    %dma_wait3A_245 = arith.constant 0 : i32
    %dma_wait3A_246 = tpu.memref_slice %arg4[%mul3A_210, %dma_wait3A_245] : memref<16384x1024xf32, #tpu.memory_space<hbm>> -> memref<16x1024xf32, #tpu.memory_space<hbm>>
    tpu.wait_dma2 semaphore(%arg18 : memref<!tpu.dma_semaphore, #tpu.memory_space<semaphore_mem>>) src(%arg6 : memref<16x1024xf32, #tpu.memory_space<vmem>>) dst(%dma_wait3A_246 : memref<16x1024xf32, #tpu.memory_space<hbm>>)
    %dma_start3A_247 = arith.constant 12 : i32
    %dma_start3A_248 = arith.constant 0 : i32
    %dma_start3A_249 = tpu.memref_slice %arg5[%dma_start3A_247, %dma_start3A_248] : memref<32x16xi32, #tpu.memory_space<vmem>> -> memref<1x16xi32, #tpu.memory_space<vmem>>
    %dma_start3A_250 = tpu.memref_squeeze %dma_start3A_249 : memref<1x16xi32, #tpu.memory_space<vmem>> -> memref<16xi32, #tpu.memory_space<vmem>>
    %dma_start3A_251 = arith.constant 0 : i32
    %dma_start3A_252 = arith.constant 0 : i32
    %dma_start3A_253 = tpu.memref_slice %arg3[%dma_start3A_251, %dma_start3A_252] : memref<8192x1024xf32, #tpu.memory_space<hbm>> -> memref<8192x1024xf32, #tpu.memory_space<hbm>>
    tpu.enqueue_indirect_dma source(%dma_start3A_253 : memref<8192x1024xf32, #tpu.memory_space<hbm>>) target(%arg6 : memref<16x1024xf32, #tpu.memory_space<vmem>>) offsets(%dma_start3A_250 : memref<16xi32, #tpu.memory_space<vmem>>) semaphore(%arg12 : memref<!tpu.dma_semaphore, #tpu.memory_space<semaphore_mem>>)
    %dma_wait3A_254 = arith.constant 8 : i32
    %dma_wait3A_255 = arith.constant 0 : i32
    %dma_wait3A_256 = tpu.memref_slice %arg5[%dma_wait3A_254, %dma_wait3A_255] : memref<32x16xi32, #tpu.memory_space<vmem>> -> memref<1x16xi32, #tpu.memory_space<vmem>>
    %dma_wait3A_257 = tpu.memref_squeeze %dma_wait3A_256 : memref<1x16xi32, #tpu.memory_space<vmem>> -> memref<16xi32, #tpu.memory_space<vmem>>
    %dma_wait3A_258 = arith.constant 0 : i32
    %dma_wait3A_259 = arith.constant 0 : i32
    %dma_wait3A_260 = tpu.memref_slice %arg3[%dma_wait3A_258, %dma_wait3A_259] : memref<8192x1024xf32, #tpu.memory_space<hbm>> -> memref<8192x1024xf32, #tpu.memory_space<hbm>>
    tpu.wait_indirect_dma semaphore(%arg14 : memref<!tpu.dma_semaphore, #tpu.memory_space<semaphore_mem>>) src(%dma_wait3A_260 : memref<8192x1024xf32, #tpu.memory_space<hbm>>) dst(%arg8 : memref<16x1024xf32, #tpu.memory_space<vmem>>)
    %mul3A_261 = arith.constant 32 : i32
    %mul3A_262 = arith.muli %add3A, %mul3A_261 : i32
    %add3A_263 = arith.constant 8 : i32
    %add3A_264 = arith.addi %mul3A_262, %add3A_263 : i32
    %mul3A_265 = arith.constant 16 : i32
    %mul3A_266 = arith.muli %add3A_264, %mul3A_265 : i32
    %dma_start3A_267 = arith.constant 0 : i32
    %dma_start3A_268 = tpu.memref_slice %arg4[%mul3A_266, %dma_start3A_267] : memref<16384x1024xf32, #tpu.memory_space<hbm>> -> memref<16x1024xf32, #tpu.memory_space<hbm>>
    %dma_start3A_269 = arith.constant 0 : i32
    %dma_start3A_270 = tpu.memref_slice %arg4[%mul3A_266, %dma_start3A_269] : memref<16384x1024xf32, #tpu.memory_space<hbm>> -> memref<16x1024xf32, #tpu.memory_space<hbm>>
    tpu.enqueue_dma source(%arg8 : memref<16x1024xf32, #tpu.memory_space<vmem>>) target(%dma_start3A_270 : memref<16x1024xf32, #tpu.memory_space<hbm>>) target_semaphore(%arg20 : memref<!tpu.dma_semaphore, #tpu.memory_space<semaphore_mem>>)
    %dma_wait3A_271 = arith.constant 0 : i32
    %dma_wait3A_272 = tpu.memref_slice %arg4[%mul3A_238, %dma_wait3A_271] : memref<16384x1024xf32, #tpu.memory_space<hbm>> -> memref<16x1024xf32, #tpu.memory_space<hbm>>
    %dma_wait3A_273 = arith.constant 0 : i32
    %dma_wait3A_274 = tpu.memref_slice %arg4[%mul3A_238, %dma_wait3A_273] : memref<16384x1024xf32, #tpu.memory_space<hbm>> -> memref<16x1024xf32, #tpu.memory_space<hbm>>
    tpu.wait_dma2 semaphore(%arg19 : memref<!tpu.dma_semaphore, #tpu.memory_space<semaphore_mem>>) src(%arg7 : memref<16x1024xf32, #tpu.memory_space<vmem>>) dst(%dma_wait3A_274 : memref<16x1024xf32, #tpu.memory_space<hbm>>)
    %dma_start3A_275 = arith.constant 13 : i32
    %dma_start3A_276 = arith.constant 0 : i32
    %dma_start3A_277 = tpu.memref_slice %arg5[%dma_start3A_275, %dma_start3A_276] : memref<32x16xi32, #tpu.memory_space<vmem>> -> memref<1x16xi32, #tpu.memory_space<vmem>>
    %dma_start3A_278 = tpu.memref_squeeze %dma_start3A_277 : memref<1x16xi32, #tpu.memory_space<vmem>> -> memref<16xi32, #tpu.memory_space<vmem>>
    %dma_start3A_279 = arith.constant 0 : i32
    %dma_start3A_280 = arith.constant 0 : i32
    %dma_start3A_281 = tpu.memref_slice %arg3[%dma_start3A_279, %dma_start3A_280] : memref<8192x1024xf32, #tpu.memory_space<hbm>> -> memref<8192x1024xf32, #tpu.memory_space<hbm>>
    tpu.enqueue_indirect_dma source(%dma_start3A_281 : memref<8192x1024xf32, #tpu.memory_space<hbm>>) target(%arg7 : memref<16x1024xf32, #tpu.memory_space<vmem>>) offsets(%dma_start3A_278 : memref<16xi32, #tpu.memory_space<vmem>>) semaphore(%arg13 : memref<!tpu.dma_semaphore, #tpu.memory_space<semaphore_mem>>)
    %dma_wait3A_282 = arith.constant 9 : i32
    %dma_wait3A_283 = arith.constant 0 : i32
    %dma_wait3A_284 = tpu.memref_slice %arg5[%dma_wait3A_282, %dma_wait3A_283] : memref<32x16xi32, #tpu.memory_space<vmem>> -> memref<1x16xi32, #tpu.memory_space<vmem>>
    %dma_wait3A_285 = tpu.memref_squeeze %dma_wait3A_284 : memref<1x16xi32, #tpu.memory_space<vmem>> -> memref<16xi32, #tpu.memory_space<vmem>>
    %dma_wait3A_286 = arith.constant 0 : i32
    %dma_wait3A_287 = arith.constant 0 : i32
    %dma_wait3A_288 = tpu.memref_slice %arg3[%dma_wait3A_286, %dma_wait3A_287] : memref<8192x1024xf32, #tpu.memory_space<hbm>> -> memref<8192x1024xf32, #tpu.memory_space<hbm>>
    tpu.wait_indirect_dma semaphore(%arg15 : memref<!tpu.dma_semaphore, #tpu.memory_space<semaphore_mem>>) src(%dma_wait3A_288 : memref<8192x1024xf32, #tpu.memory_space<hbm>>) dst(%arg9 : memref<16x1024xf32, #tpu.memory_space<vmem>>)
    %mul3A_289 = arith.constant 32 : i32
    %mul3A_290 = arith.muli %add3A, %mul3A_289 : i32
    %add3A_291 = arith.constant 9 : i32
    %add3A_292 = arith.addi %mul3A_290, %add3A_291 : i32
    %mul3A_293 = arith.constant 16 : i32
    %mul3A_294 = arith.muli %add3A_292, %mul3A_293 : i32
    %dma_start3A_295 = arith.constant 0 : i32
    %dma_start3A_296 = tpu.memref_slice %arg4[%mul3A_294, %dma_start3A_295] : memref<16384x1024xf32, #tpu.memory_space<hbm>> -> memref<16x1024xf32, #tpu.memory_space<hbm>>
    %dma_start3A_297 = arith.constant 0 : i32
    %dma_start3A_298 = tpu.memref_slice %arg4[%mul3A_294, %dma_start3A_297] : memref<16384x1024xf32, #tpu.memory_space<hbm>> -> memref<16x1024xf32, #tpu.memory_space<hbm>>
    tpu.enqueue_dma source(%arg9 : memref<16x1024xf32, #tpu.memory_space<vmem>>) target(%dma_start3A_298 : memref<16x1024xf32, #tpu.memory_space<hbm>>) target_semaphore(%arg21 : memref<!tpu.dma_semaphore, #tpu.memory_space<semaphore_mem>>)
    %dma_wait3A_299 = arith.constant 0 : i32
    %dma_wait3A_300 = tpu.memref_slice %arg4[%mul3A_266, %dma_wait3A_299] : memref<16384x1024xf32, #tpu.memory_space<hbm>> -> memref<16x1024xf32, #tpu.memory_space<hbm>>
    %dma_wait3A_301 = arith.constant 0 : i32
    %dma_wait3A_302 = tpu.memref_slice %arg4[%mul3A_266, %dma_wait3A_301] : memref<16384x1024xf32, #tpu.memory_space<hbm>> -> memref<16x1024xf32, #tpu.memory_space<hbm>>
    tpu.wait_dma2 semaphore(%arg20 : memref<!tpu.dma_semaphore, #tpu.memory_space<semaphore_mem>>) src(%arg8 : memref<16x1024xf32, #tpu.memory_space<vmem>>) dst(%dma_wait3A_302 : memref<16x1024xf32, #tpu.memory_space<hbm>>)
    %dma_start3A_303 = arith.constant 14 : i32
    %dma_start3A_304 = arith.constant 0 : i32
    %dma_start3A_305 = tpu.memref_slice %arg5[%dma_start3A_303, %dma_start3A_304] : memref<32x16xi32, #tpu.memory_space<vmem>> -> memref<1x16xi32, #tpu.memory_space<vmem>>
    %dma_start3A_306 = tpu.memref_squeeze %dma_start3A_305 : memref<1x16xi32, #tpu.memory_space<vmem>> -> memref<16xi32, #tpu.memory_space<vmem>>
    %dma_start3A_307 = arith.constant 0 : i32
    %dma_start3A_308 = arith.constant 0 : i32
    %dma_start3A_309 = tpu.memref_slice %arg3[%dma_start3A_307, %dma_start3A_308] : memref<8192x1024xf32, #tpu.memory_space<hbm>> -> memref<8192x1024xf32, #tpu.memory_space<hbm>>
    tpu.enqueue_indirect_dma source(%dma_start3A_309 : memref<8192x1024xf32, #tpu.memory_space<hbm>>) target(%arg8 : memref<16x1024xf32, #tpu.memory_space<vmem>>) offsets(%dma_start3A_306 : memref<16xi32, #tpu.memory_space<vmem>>) semaphore(%arg14 : memref<!tpu.dma_semaphore, #tpu.memory_space<semaphore_mem>>)
    %dma_wait3A_310 = arith.constant 10 : i32
    %dma_wait3A_311 = arith.constant 0 : i32
    %dma_wait3A_312 = tpu.memref_slice %arg5[%dma_wait3A_310, %dma_wait3A_311] : memref<32x16xi32, #tpu.memory_space<vmem>> -> memref<1x16xi32, #tpu.memory_space<vmem>>
    %dma_wait3A_313 = tpu.memref_squeeze %dma_wait3A_312 : memref<1x16xi32, #tpu.memory_space<vmem>> -> memref<16xi32, #tpu.memory_space<vmem>>
    %dma_wait3A_314 = arith.constant 0 : i32
    %dma_wait3A_315 = arith.constant 0 : i32
    %dma_wait3A_316 = tpu.memref_slice %arg3[%dma_wait3A_314, %dma_wait3A_315] : memref<8192x1024xf32, #tpu.memory_space<hbm>> -> memref<8192x1024xf32, #tpu.memory_space<hbm>>
    tpu.wait_indirect_dma semaphore(%arg16 : memref<!tpu.dma_semaphore, #tpu.memory_space<semaphore_mem>>) src(%dma_wait3A_316 : memref<8192x1024xf32, #tpu.memory_space<hbm>>) dst(%arg10 : memref<16x1024xf32, #tpu.memory_space<vmem>>)
    %mul3A_317 = arith.constant 32 : i32
    %mul3A_318 = arith.muli %add3A, %mul3A_317 : i32
    %add3A_319 = arith.constant 10 : i32
    %add3A_320 = arith.addi %mul3A_318, %add3A_319 : i32
    %mul3A_321 = arith.constant 16 : i32
    %mul3A_322 = arith.muli %add3A_320, %mul3A_321 : i32
    %dma_start3A_323 = arith.constant 0 : i32
    %dma_start3A_324 = tpu.memref_slice %arg4[%mul3A_322, %dma_start3A_323] : memref<16384x1024xf32, #tpu.memory_space<hbm>> -> memref<16x1024xf32, #tpu.memory_space<hbm>>
    %dma_start3A_325 = arith.constant 0 : i32
    %dma_start3A_326 = tpu.memref_slice %arg4[%mul3A_322, %dma_start3A_325] : memref<16384x1024xf32, #tpu.memory_space<hbm>> -> memref<16x1024xf32, #tpu.memory_space<hbm>>
    tpu.enqueue_dma source(%arg10 : memref<16x1024xf32, #tpu.memory_space<vmem>>) target(%dma_start3A_326 : memref<16x1024xf32, #tpu.memory_space<hbm>>) target_semaphore(%arg22 : memref<!tpu.dma_semaphore, #tpu.memory_space<semaphore_mem>>)
    %dma_wait3A_327 = arith.constant 0 : i32
    %dma_wait3A_328 = tpu.memref_slice %arg4[%mul3A_294, %dma_wait3A_327] : memref<16384x1024xf32, #tpu.memory_space<hbm>> -> memref<16x1024xf32, #tpu.memory_space<hbm>>
    %dma_wait3A_329 = arith.constant 0 : i32
    %dma_wait3A_330 = tpu.memref_slice %arg4[%mul3A_294, %dma_wait3A_329] : memref<16384x1024xf32, #tpu.memory_space<hbm>> -> memref<16x1024xf32, #tpu.memory_space<hbm>>
    tpu.wait_dma2 semaphore(%arg21 : memref<!tpu.dma_semaphore, #tpu.memory_space<semaphore_mem>>) src(%arg9 : memref<16x1024xf32, #tpu.memory_space<vmem>>) dst(%dma_wait3A_330 : memref<16x1024xf32, #tpu.memory_space<hbm>>)
    %dma_start3A_331 = arith.constant 15 : i32
    %dma_start3A_332 = arith.constant 0 : i32
    %dma_start3A_333 = tpu.memref_slice %arg5[%dma_start3A_331, %dma_start3A_332] : memref<32x16xi32, #tpu.memory_space<vmem>> -> memref<1x16xi32, #tpu.memory_space<vmem>>
    %dma_start3A_334 = tpu.memref_squeeze %dma_start3A_333 : memref<1x16xi32, #tpu.memory_space<vmem>> -> memref<16xi32, #tpu.memory_space<vmem>>
    %dma_start3A_335 = arith.constant 0 : i32
    %dma_start3A_336 = arith.constant 0 : i32
    %dma_start3A_337 = tpu.memref_slice %arg3[%dma_start3A_335, %dma_start3A_336] : memref<8192x1024xf32, #tpu.memory_space<hbm>> -> memref<8192x1024xf32, #tpu.memory_space<hbm>>
    tpu.enqueue_indirect_dma source(%dma_start3A_337 : memref<8192x1024xf32, #tpu.memory_space<hbm>>) target(%arg9 : memref<16x1024xf32, #tpu.memory_space<vmem>>) offsets(%dma_start3A_334 : memref<16xi32, #tpu.memory_space<vmem>>) semaphore(%arg15 : memref<!tpu.dma_semaphore, #tpu.memory_space<semaphore_mem>>)
    %dma_wait3A_338 = arith.constant 11 : i32
    %dma_wait3A_339 = arith.constant 0 : i32
    %dma_wait3A_340 = tpu.memref_slice %arg5[%dma_wait3A_338, %dma_wait3A_339] : memref<32x16xi32, #tpu.memory_space<vmem>> -> memref<1x16xi32, #tpu.memory_space<vmem>>
    %dma_wait3A_341 = tpu.memref_squeeze %dma_wait3A_340 : memref<1x16xi32, #tpu.memory_space<vmem>> -> memref<16xi32, #tpu.memory_space<vmem>>
    %dma_wait3A_342 = arith.constant 0 : i32
    %dma_wait3A_343 = arith.constant 0 : i32
    %dma_wait3A_344 = tpu.memref_slice %arg3[%dma_wait3A_342, %dma_wait3A_343] : memref<8192x1024xf32, #tpu.memory_space<hbm>> -> memref<8192x1024xf32, #tpu.memory_space<hbm>>
    tpu.wait_indirect_dma semaphore(%arg17 : memref<!tpu.dma_semaphore, #tpu.memory_space<semaphore_mem>>) src(%dma_wait3A_344 : memref<8192x1024xf32, #tpu.memory_space<hbm>>) dst(%arg11 : memref<16x1024xf32, #tpu.memory_space<vmem>>)
    %mul3A_345 = arith.constant 32 : i32
    %mul3A_346 = arith.muli %add3A, %mul3A_345 : i32
    %add3A_347 = arith.constant 11 : i32
    %add3A_348 = arith.addi %mul3A_346, %add3A_347 : i32
    %mul3A_349 = arith.constant 16 : i32
    %mul3A_350 = arith.muli %add3A_348, %mul3A_349 : i32
    %dma_start3A_351 = arith.constant 0 : i32
    %dma_start3A_352 = tpu.memref_slice %arg4[%mul3A_350, %dma_start3A_351] : memref<16384x1024xf32, #tpu.memory_space<hbm>> -> memref<16x1024xf32, #tpu.memory_space<hbm>>
    %dma_start3A_353 = arith.constant 0 : i32
    %dma_start3A_354 = tpu.memref_slice %arg4[%mul3A_350, %dma_start3A_353] : memref<16384x1024xf32, #tpu.memory_space<hbm>> -> memref<16x1024xf32, #tpu.memory_space<hbm>>
    tpu.enqueue_dma source(%arg11 : memref<16x1024xf32, #tpu.memory_space<vmem>>) target(%dma_start3A_354 : memref<16x1024xf32, #tpu.memory_space<hbm>>) target_semaphore(%arg23 : memref<!tpu.dma_semaphore, #tpu.memory_space<semaphore_mem>>)
    %dma_wait3A_355 = arith.constant 0 : i32
    %dma_wait3A_356 = tpu.memref_slice %arg4[%mul3A_322, %dma_wait3A_355] : memref<16384x1024xf32, #tpu.memory_space<hbm>> -> memref<16x1024xf32, #tpu.memory_space<hbm>>
    %dma_wait3A_357 = arith.constant 0 : i32
    %dma_wait3A_358 = tpu.memref_slice %arg4[%mul3A_322, %dma_wait3A_357] : memref<16384x1024xf32, #tpu.memory_space<hbm>> -> memref<16x1024xf32, #tpu.memory_space<hbm>>
    tpu.wait_dma2 semaphore(%arg22 : memref<!tpu.dma_semaphore, #tpu.memory_space<semaphore_mem>>) src(%arg10 : memref<16x1024xf32, #tpu.memory_space<vmem>>) dst(%dma_wait3A_358 : memref<16x1024xf32, #tpu.memory_space<hbm>>)
    %dma_start3A_359 = arith.constant 16 : i32
    %dma_start3A_360 = arith.constant 0 : i32
    %dma_start3A_361 = tpu.memref_slice %arg5[%dma_start3A_359, %dma_start3A_360] : memref<32x16xi32, #tpu.memory_space<vmem>> -> memref<1x16xi32, #tpu.memory_space<vmem>>
    %dma_start3A_362 = tpu.memref_squeeze %dma_start3A_361 : memref<1x16xi32, #tpu.memory_space<vmem>> -> memref<16xi32, #tpu.memory_space<vmem>>
    %dma_start3A_363 = arith.constant 0 : i32
    %dma_start3A_364 = arith.constant 0 : i32
    %dma_start3A_365 = tpu.memref_slice %arg3[%dma_start3A_363, %dma_start3A_364] : memref<8192x1024xf32, #tpu.memory_space<hbm>> -> memref<8192x1024xf32, #tpu.memory_space<hbm>>
    tpu.enqueue_indirect_dma source(%dma_start3A_365 : memref<8192x1024xf32, #tpu.memory_space<hbm>>) target(%arg10 : memref<16x1024xf32, #tpu.memory_space<vmem>>) offsets(%dma_start3A_362 : memref<16xi32, #tpu.memory_space<vmem>>) semaphore(%arg16 : memref<!tpu.dma_semaphore, #tpu.memory_space<semaphore_mem>>)
    %dma_wait3A_366 = arith.constant 12 : i32
    %dma_wait3A_367 = arith.constant 0 : i32
    %dma_wait3A_368 = tpu.memref_slice %arg5[%dma_wait3A_366, %dma_wait3A_367] : memref<32x16xi32, #tpu.memory_space<vmem>> -> memref<1x16xi32, #tpu.memory_space<vmem>>
    %dma_wait3A_369 = tpu.memref_squeeze %dma_wait3A_368 : memref<1x16xi32, #tpu.memory_space<vmem>> -> memref<16xi32, #tpu.memory_space<vmem>>
    %dma_wait3A_370 = arith.constant 0 : i32
    %dma_wait3A_371 = arith.constant 0 : i32
    %dma_wait3A_372 = tpu.memref_slice %arg3[%dma_wait3A_370, %dma_wait3A_371] : memref<8192x1024xf32, #tpu.memory_space<hbm>> -> memref<8192x1024xf32, #tpu.memory_space<hbm>>
    tpu.wait_indirect_dma semaphore(%arg12 : memref<!tpu.dma_semaphore, #tpu.memory_space<semaphore_mem>>) src(%dma_wait3A_372 : memref<8192x1024xf32, #tpu.memory_space<hbm>>) dst(%arg6 : memref<16x1024xf32, #tpu.memory_space<vmem>>)
    %mul3A_373 = arith.constant 32 : i32
    %mul3A_374 = arith.muli %add3A, %mul3A_373 : i32
    %add3A_375 = arith.constant 12 : i32
    %add3A_376 = arith.addi %mul3A_374, %add3A_375 : i32
    %mul3A_377 = arith.constant 16 : i32
    %mul3A_378 = arith.muli %add3A_376, %mul3A_377 : i32
    %dma_start3A_379 = arith.constant 0 : i32
    %dma_start3A_380 = tpu.memref_slice %arg4[%mul3A_378, %dma_start3A_379] : memref<16384x1024xf32, #tpu.memory_space<hbm>> -> memref<16x1024xf32, #tpu.memory_space<hbm>>
    %dma_start3A_381 = arith.constant 0 : i32
    %dma_start3A_382 = tpu.memref_slice %arg4[%mul3A_378, %dma_start3A_381] : memref<16384x1024xf32, #tpu.memory_space<hbm>> -> memref<16x1024xf32, #tpu.memory_space<hbm>>
    tpu.enqueue_dma source(%arg6 : memref<16x1024xf32, #tpu.memory_space<vmem>>) target(%dma_start3A_382 : memref<16x1024xf32, #tpu.memory_space<hbm>>) target_semaphore(%arg18 : memref<!tpu.dma_semaphore, #tpu.memory_space<semaphore_mem>>)
    %dma_wait3A_383 = arith.constant 0 : i32
    %dma_wait3A_384 = tpu.memref_slice %arg4[%mul3A_350, %dma_wait3A_383] : memref<16384x1024xf32, #tpu.memory_space<hbm>> -> memref<16x1024xf32, #tpu.memory_space<hbm>>
    %dma_wait3A_385 = arith.constant 0 : i32
    %dma_wait3A_386 = tpu.memref_slice %arg4[%mul3A_350, %dma_wait3A_385] : memref<16384x1024xf32, #tpu.memory_space<hbm>> -> memref<16x1024xf32, #tpu.memory_space<hbm>>
    tpu.wait_dma2 semaphore(%arg23 : memref<!tpu.dma_semaphore, #tpu.memory_space<semaphore_mem>>) src(%arg11 : memref<16x1024xf32, #tpu.memory_space<vmem>>) dst(%dma_wait3A_386 : memref<16x1024xf32, #tpu.memory_space<hbm>>)
    %dma_start3A_387 = arith.constant 17 : i32
    %dma_start3A_388 = arith.constant 0 : i32
    %dma_start3A_389 = tpu.memref_slice %arg5[%dma_start3A_387, %dma_start3A_388] : memref<32x16xi32, #tpu.memory_space<vmem>> -> memref<1x16xi32, #tpu.memory_space<vmem>>
    %dma_start3A_390 = tpu.memref_squeeze %dma_start3A_389 : memref<1x16xi32, #tpu.memory_space<vmem>> -> memref<16xi32, #tpu.memory_space<vmem>>
    %dma_start3A_391 = arith.constant 0 : i32
    %dma_start3A_392 = arith.constant 0 : i32
    %dma_start3A_393 = tpu.memref_slice %arg3[%dma_start3A_391, %dma_start3A_392] : memref<8192x1024xf32, #tpu.memory_space<hbm>> -> memref<8192x1024xf32, #tpu.memory_space<hbm>>
    tpu.enqueue_indirect_dma source(%dma_start3A_393 : memref<8192x1024xf32, #tpu.memory_space<hbm>>) target(%arg11 : memref<16x1024xf32, #tpu.memory_space<vmem>>) offsets(%dma_start3A_390 : memref<16xi32, #tpu.memory_space<vmem>>) semaphore(%arg17 : memref<!tpu.dma_semaphore, #tpu.memory_space<semaphore_mem>>)
    %dma_wait3A_394 = arith.constant 13 : i32
    %dma_wait3A_395 = arith.constant 0 : i32
    %dma_wait3A_396 = tpu.memref_slice %arg5[%dma_wait3A_394, %dma_wait3A_395] : memref<32x16xi32, #tpu.memory_space<vmem>> -> memref<1x16xi32, #tpu.memory_space<vmem>>
    %dma_wait3A_397 = tpu.memref_squeeze %dma_wait3A_396 : memref<1x16xi32, #tpu.memory_space<vmem>> -> memref<16xi32, #tpu.memory_space<vmem>>
    %dma_wait3A_398 = arith.constant 0 : i32
    %dma_wait3A_399 = arith.constant 0 : i32
    %dma_wait3A_400 = tpu.memref_slice %arg3[%dma_wait3A_398, %dma_wait3A_399] : memref<8192x1024xf32, #tpu.memory_space<hbm>> -> memref<8192x1024xf32, #tpu.memory_space<hbm>>
    tpu.wait_indirect_dma semaphore(%arg13 : memref<!tpu.dma_semaphore, #tpu.memory_space<semaphore_mem>>) src(%dma_wait3A_400 : memref<8192x1024xf32, #tpu.memory_space<hbm>>) dst(%arg7 : memref<16x1024xf32, #tpu.memory_space<vmem>>)
    %mul3A_401 = arith.constant 32 : i32
    %mul3A_402 = arith.muli %add3A, %mul3A_401 : i32
    %add3A_403 = arith.constant 13 : i32
    %add3A_404 = arith.addi %mul3A_402, %add3A_403 : i32
    %mul3A_405 = arith.constant 16 : i32
    %mul3A_406 = arith.muli %add3A_404, %mul3A_405 : i32
    %dma_start3A_407 = arith.constant 0 : i32
    %dma_start3A_408 = tpu.memref_slice %arg4[%mul3A_406, %dma_start3A_407] : memref<16384x1024xf32, #tpu.memory_space<hbm>> -> memref<16x1024xf32, #tpu.memory_space<hbm>>
    %dma_start3A_409 = arith.constant 0 : i32
    %dma_start3A_410 = tpu.memref_slice %arg4[%mul3A_406, %dma_start3A_409] : memref<16384x1024xf32, #tpu.memory_space<hbm>> -> memref<16x1024xf32, #tpu.memory_space<hbm>>
    tpu.enqueue_dma source(%arg7 : memref<16x1024xf32, #tpu.memory_space<vmem>>) target(%dma_start3A_410 : memref<16x1024xf32, #tpu.memory_space<hbm>>) target_semaphore(%arg19 : memref<!tpu.dma_semaphore, #tpu.memory_space<semaphore_mem>>)
    %dma_wait3A_411 = arith.constant 0 : i32
    %dma_wait3A_412 = tpu.memref_slice %arg4[%mul3A_378, %dma_wait3A_411] : memref<16384x1024xf32, #tpu.memory_space<hbm>> -> memref<16x1024xf32, #tpu.memory_space<hbm>>
    %dma_wait3A_413 = arith.constant 0 : i32
    %dma_wait3A_414 = tpu.memref_slice %arg4[%mul3A_378, %dma_wait3A_413] : memref<16384x1024xf32, #tpu.memory_space<hbm>> -> memref<16x1024xf32, #tpu.memory_space<hbm>>
    tpu.wait_dma2 semaphore(%arg18 : memref<!tpu.dma_semaphore, #tpu.memory_space<semaphore_mem>>) src(%arg6 : memref<16x1024xf32, #tpu.memory_space<vmem>>) dst(%dma_wait3A_414 : memref<16x1024xf32, #tpu.memory_space<hbm>>)
    %dma_start3A_415 = arith.constant 18 : i32
    %dma_start3A_416 = arith.constant 0 : i32
    %dma_start3A_417 = tpu.memref_slice %arg5[%dma_start3A_415, %dma_start3A_416] : memref<32x16xi32, #tpu.memory_space<vmem>> -> memref<1x16xi32, #tpu.memory_space<vmem>>
    %dma_start3A_418 = tpu.memref_squeeze %dma_start3A_417 : memref<1x16xi32, #tpu.memory_space<vmem>> -> memref<16xi32, #tpu.memory_space<vmem>>
    %dma_start3A_419 = arith.constant 0 : i32
    %dma_start3A_420 = arith.constant 0 : i32
    %dma_start3A_421 = tpu.memref_slice %arg3[%dma_start3A_419, %dma_start3A_420] : memref<8192x1024xf32, #tpu.memory_space<hbm>> -> memref<8192x1024xf32, #tpu.memory_space<hbm>>
    tpu.enqueue_indirect_dma source(%dma_start3A_421 : memref<8192x1024xf32, #tpu.memory_space<hbm>>) target(%arg6 : memref<16x1024xf32, #tpu.memory_space<vmem>>) offsets(%dma_start3A_418 : memref<16xi32, #tpu.memory_space<vmem>>) semaphore(%arg12 : memref<!tpu.dma_semaphore, #tpu.memory_space<semaphore_mem>>)
    %dma_wait3A_422 = arith.constant 14 : i32
    %dma_wait3A_423 = arith.constant 0 : i32
    %dma_wait3A_424 = tpu.memref_slice %arg5[%dma_wait3A_422, %dma_wait3A_423] : memref<32x16xi32, #tpu.memory_space<vmem>> -> memref<1x16xi32, #tpu.memory_space<vmem>>
    %dma_wait3A_425 = tpu.memref_squeeze %dma_wait3A_424 : memref<1x16xi32, #tpu.memory_space<vmem>> -> memref<16xi32, #tpu.memory_space<vmem>>
    %dma_wait3A_426 = arith.constant 0 : i32
    %dma_wait3A_427 = arith.constant 0 : i32
    %dma_wait3A_428 = tpu.memref_slice %arg3[%dma_wait3A_426, %dma_wait3A_427] : memref<8192x1024xf32, #tpu.memory_space<hbm>> -> memref<8192x1024xf32, #tpu.memory_space<hbm>>
    tpu.wait_indirect_dma semaphore(%arg14 : memref<!tpu.dma_semaphore, #tpu.memory_space<semaphore_mem>>) src(%dma_wait3A_428 : memref<8192x1024xf32, #tpu.memory_space<hbm>>) dst(%arg8 : memref<16x1024xf32, #tpu.memory_space<vmem>>)
    %mul3A_429 = arith.constant 32 : i32
    %mul3A_430 = arith.muli %add3A, %mul3A_429 : i32
    %add3A_431 = arith.constant 14 : i32
    %add3A_432 = arith.addi %mul3A_430, %add3A_431 : i32
    %mul3A_433 = arith.constant 16 : i32
    %mul3A_434 = arith.muli %add3A_432, %mul3A_433 : i32
    %dma_start3A_435 = arith.constant 0 : i32
    %dma_start3A_436 = tpu.memref_slice %arg4[%mul3A_434, %dma_start3A_435] : memref<16384x1024xf32, #tpu.memory_space<hbm>> -> memref<16x1024xf32, #tpu.memory_space<hbm>>
    %dma_start3A_437 = arith.constant 0 : i32
    %dma_start3A_438 = tpu.memref_slice %arg4[%mul3A_434, %dma_start3A_437] : memref<16384x1024xf32, #tpu.memory_space<hbm>> -> memref<16x1024xf32, #tpu.memory_space<hbm>>
    tpu.enqueue_dma source(%arg8 : memref<16x1024xf32, #tpu.memory_space<vmem>>) target(%dma_start3A_438 : memref<16x1024xf32, #tpu.memory_space<hbm>>) target_semaphore(%arg20 : memref<!tpu.dma_semaphore, #tpu.memory_space<semaphore_mem>>)
    %dma_wait3A_439 = arith.constant 0 : i32
    %dma_wait3A_440 = tpu.memref_slice %arg4[%mul3A_406, %dma_wait3A_439] : memref<16384x1024xf32, #tpu.memory_space<hbm>> -> memref<16x1024xf32, #tpu.memory_space<hbm>>
    %dma_wait3A_441 = arith.constant 0 : i32
    %dma_wait3A_442 = tpu.memref_slice %arg4[%mul3A_406, %dma_wait3A_441] : memref<16384x1024xf32, #tpu.memory_space<hbm>> -> memref<16x1024xf32, #tpu.memory_space<hbm>>
    tpu.wait_dma2 semaphore(%arg19 : memref<!tpu.dma_semaphore, #tpu.memory_space<semaphore_mem>>) src(%arg7 : memref<16x1024xf32, #tpu.memory_space<vmem>>) dst(%dma_wait3A_442 : memref<16x1024xf32, #tpu.memory_space<hbm>>)
    %dma_start3A_443 = arith.constant 19 : i32
    %dma_start3A_444 = arith.constant 0 : i32
    %dma_start3A_445 = tpu.memref_slice %arg5[%dma_start3A_443, %dma_start3A_444] : memref<32x16xi32, #tpu.memory_space<vmem>> -> memref<1x16xi32, #tpu.memory_space<vmem>>
    %dma_start3A_446 = tpu.memref_squeeze %dma_start3A_445 : memref<1x16xi32, #tpu.memory_space<vmem>> -> memref<16xi32, #tpu.memory_space<vmem>>
    %dma_start3A_447 = arith.constant 0 : i32
    %dma_start3A_448 = arith.constant 0 : i32
    %dma_start3A_449 = tpu.memref_slice %arg3[%dma_start3A_447, %dma_start3A_448] : memref<8192x1024xf32, #tpu.memory_space<hbm>> -> memref<8192x1024xf32, #tpu.memory_space<hbm>>
    tpu.enqueue_indirect_dma source(%dma_start3A_449 : memref<8192x1024xf32, #tpu.memory_space<hbm>>) target(%arg7 : memref<16x1024xf32, #tpu.memory_space<vmem>>) offsets(%dma_start3A_446 : memref<16xi32, #tpu.memory_space<vmem>>) semaphore(%arg13 : memref<!tpu.dma_semaphore, #tpu.memory_space<semaphore_mem>>)
    %dma_wait3A_450 = arith.constant 15 : i32
    %dma_wait3A_451 = arith.constant 0 : i32
    %dma_wait3A_452 = tpu.memref_slice %arg5[%dma_wait3A_450, %dma_wait3A_451] : memref<32x16xi32, #tpu.memory_space<vmem>> -> memref<1x16xi32, #tpu.memory_space<vmem>>
    %dma_wait3A_453 = tpu.memref_squeeze %dma_wait3A_452 : memref<1x16xi32, #tpu.memory_space<vmem>> -> memref<16xi32, #tpu.memory_space<vmem>>
    %dma_wait3A_454 = arith.constant 0 : i32
    %dma_wait3A_455 = arith.constant 0 : i32
    %dma_wait3A_456 = tpu.memref_slice %arg3[%dma_wait3A_454, %dma_wait3A_455] : memref<8192x1024xf32, #tpu.memory_space<hbm>> -> memref<8192x1024xf32, #tpu.memory_space<hbm>>
    tpu.wait_indirect_dma semaphore(%arg15 : memref<!tpu.dma_semaphore, #tpu.memory_space<semaphore_mem>>) src(%dma_wait3A_456 : memref<8192x1024xf32, #tpu.memory_space<hbm>>) dst(%arg9 : memref<16x1024xf32, #tpu.memory_space<vmem>>)
    %mul3A_457 = arith.constant 32 : i32
    %mul3A_458 = arith.muli %add3A, %mul3A_457 : i32
    %add3A_459 = arith.constant 15 : i32
    %add3A_460 = arith.addi %mul3A_458, %add3A_459 : i32
    %mul3A_461 = arith.constant 16 : i32
    %mul3A_462 = arith.muli %add3A_460, %mul3A_461 : i32
    %dma_start3A_463 = arith.constant 0 : i32
    %dma_start3A_464 = tpu.memref_slice %arg4[%mul3A_462, %dma_start3A_463] : memref<16384x1024xf32, #tpu.memory_space<hbm>> -> memref<16x1024xf32, #tpu.memory_space<hbm>>
    %dma_start3A_465 = arith.constant 0 : i32
    %dma_start3A_466 = tpu.memref_slice %arg4[%mul3A_462, %dma_start3A_465] : memref<16384x1024xf32, #tpu.memory_space<hbm>> -> memref<16x1024xf32, #tpu.memory_space<hbm>>
    tpu.enqueue_dma source(%arg9 : memref<16x1024xf32, #tpu.memory_space<vmem>>) target(%dma_start3A_466 : memref<16x1024xf32, #tpu.memory_space<hbm>>) target_semaphore(%arg21 : memref<!tpu.dma_semaphore, #tpu.memory_space<semaphore_mem>>)
    %dma_wait3A_467 = arith.constant 0 : i32
    %dma_wait3A_468 = tpu.memref_slice %arg4[%mul3A_434, %dma_wait3A_467] : memref<16384x1024xf32, #tpu.memory_space<hbm>> -> memref<16x1024xf32, #tpu.memory_space<hbm>>
    %dma_wait3A_469 = arith.constant 0 : i32
    %dma_wait3A_470 = tpu.memref_slice %arg4[%mul3A_434, %dma_wait3A_469] : memref<16384x1024xf32, #tpu.memory_space<hbm>> -> memref<16x1024xf32, #tpu.memory_space<hbm>>
    tpu.wait_dma2 semaphore(%arg20 : memref<!tpu.dma_semaphore, #tpu.memory_space<semaphore_mem>>) src(%arg8 : memref<16x1024xf32, #tpu.memory_space<vmem>>) dst(%dma_wait3A_470 : memref<16x1024xf32, #tpu.memory_space<hbm>>)
    %dma_start3A_471 = arith.constant 20 : i32
    %dma_start3A_472 = arith.constant 0 : i32
    %dma_start3A_473 = tpu.memref_slice %arg5[%dma_start3A_471, %dma_start3A_472] : memref<32x16xi32, #tpu.memory_space<vmem>> -> memref<1x16xi32, #tpu.memory_space<vmem>>
    %dma_start3A_474 = tpu.memref_squeeze %dma_start3A_473 : memref<1x16xi32, #tpu.memory_space<vmem>> -> memref<16xi32, #tpu.memory_space<vmem>>
    %dma_start3A_475 = arith.constant 0 : i32
    %dma_start3A_476 = arith.constant 0 : i32
    %dma_start3A_477 = tpu.memref_slice %arg3[%dma_start3A_475, %dma_start3A_476] : memref<8192x1024xf32, #tpu.memory_space<hbm>> -> memref<8192x1024xf32, #tpu.memory_space<hbm>>
    tpu.enqueue_indirect_dma source(%dma_start3A_477 : memref<8192x1024xf32, #tpu.memory_space<hbm>>) target(%arg8 : memref<16x1024xf32, #tpu.memory_space<vmem>>) offsets(%dma_start3A_474 : memref<16xi32, #tpu.memory_space<vmem>>) semaphore(%arg14 : memref<!tpu.dma_semaphore, #tpu.memory_space<semaphore_mem>>)
    %dma_wait3A_478 = arith.constant 16 : i32
    %dma_wait3A_479 = arith.constant 0 : i32
    %dma_wait3A_480 = tpu.memref_slice %arg5[%dma_wait3A_478, %dma_wait3A_479] : memref<32x16xi32, #tpu.memory_space<vmem>> -> memref<1x16xi32, #tpu.memory_space<vmem>>
    %dma_wait3A_481 = tpu.memref_squeeze %dma_wait3A_480 : memref<1x16xi32, #tpu.memory_space<vmem>> -> memref<16xi32, #tpu.memory_space<vmem>>
    %dma_wait3A_482 = arith.constant 0 : i32
    %dma_wait3A_483 = arith.constant 0 : i32
    %dma_wait3A_484 = tpu.memref_slice %arg3[%dma_wait3A_482, %dma_wait3A_483] : memref<8192x1024xf32, #tpu.memory_space<hbm>> -> memref<8192x1024xf32, #tpu.memory_space<hbm>>
    tpu.wait_indirect_dma semaphore(%arg16 : memref<!tpu.dma_semaphore, #tpu.memory_space<semaphore_mem>>) src(%dma_wait3A_484 : memref<8192x1024xf32, #tpu.memory_space<hbm>>) dst(%arg10 : memref<16x1024xf32, #tpu.memory_space<vmem>>)
    %mul3A_485 = arith.constant 32 : i32
    %mul3A_486 = arith.muli %add3A, %mul3A_485 : i32
    %add3A_487 = arith.constant 16 : i32
    %add3A_488 = arith.addi %mul3A_486, %add3A_487 : i32
    %mul3A_489 = arith.constant 16 : i32
    %mul3A_490 = arith.muli %add3A_488, %mul3A_489 : i32
    %dma_start3A_491 = arith.constant 0 : i32
    %dma_start3A_492 = tpu.memref_slice %arg4[%mul3A_490, %dma_start3A_491] : memref<16384x1024xf32, #tpu.memory_space<hbm>> -> memref<16x1024xf32, #tpu.memory_space<hbm>>
    %dma_start3A_493 = arith.constant 0 : i32
    %dma_start3A_494 = tpu.memref_slice %arg4[%mul3A_490, %dma_start3A_493] : memref<16384x1024xf32, #tpu.memory_space<hbm>> -> memref<16x1024xf32, #tpu.memory_space<hbm>>
    tpu.enqueue_dma source(%arg10 : memref<16x1024xf32, #tpu.memory_space<vmem>>) target(%dma_start3A_494 : memref<16x1024xf32, #tpu.memory_space<hbm>>) target_semaphore(%arg22 : memref<!tpu.dma_semaphore, #tpu.memory_space<semaphore_mem>>)
    %dma_wait3A_495 = arith.constant 0 : i32
    %dma_wait3A_496 = tpu.memref_slice %arg4[%mul3A_462, %dma_wait3A_495] : memref<16384x1024xf32, #tpu.memory_space<hbm>> -> memref<16x1024xf32, #tpu.memory_space<hbm>>
    %dma_wait3A_497 = arith.constant 0 : i32
    %dma_wait3A_498 = tpu.memref_slice %arg4[%mul3A_462, %dma_wait3A_497] : memref<16384x1024xf32, #tpu.memory_space<hbm>> -> memref<16x1024xf32, #tpu.memory_space<hbm>>
    tpu.wait_dma2 semaphore(%arg21 : memref<!tpu.dma_semaphore, #tpu.memory_space<semaphore_mem>>) src(%arg9 : memref<16x1024xf32, #tpu.memory_space<vmem>>) dst(%dma_wait3A_498 : memref<16x1024xf32, #tpu.memory_space<hbm>>)
    %dma_start3A_499 = arith.constant 21 : i32
    %dma_start3A_500 = arith.constant 0 : i32
    %dma_start3A_501 = tpu.memref_slice %arg5[%dma_start3A_499, %dma_start3A_500] : memref<32x16xi32, #tpu.memory_space<vmem>> -> memref<1x16xi32, #tpu.memory_space<vmem>>
    %dma_start3A_502 = tpu.memref_squeeze %dma_start3A_501 : memref<1x16xi32, #tpu.memory_space<vmem>> -> memref<16xi32, #tpu.memory_space<vmem>>
    %dma_start3A_503 = arith.constant 0 : i32
    %dma_start3A_504 = arith.constant 0 : i32
    %dma_start3A_505 = tpu.memref_slice %arg3[%dma_start3A_503, %dma_start3A_504] : memref<8192x1024xf32, #tpu.memory_space<hbm>> -> memref<8192x1024xf32, #tpu.memory_space<hbm>>
    tpu.enqueue_indirect_dma source(%dma_start3A_505 : memref<8192x1024xf32, #tpu.memory_space<hbm>>) target(%arg9 : memref<16x1024xf32, #tpu.memory_space<vmem>>) offsets(%dma_start3A_502 : memref<16xi32, #tpu.memory_space<vmem>>) semaphore(%arg15 : memref<!tpu.dma_semaphore, #tpu.memory_space<semaphore_mem>>)
    %dma_wait3A_506 = arith.constant 17 : i32
    %dma_wait3A_507 = arith.constant 0 : i32
    %dma_wait3A_508 = tpu.memref_slice %arg5[%dma_wait3A_506, %dma_wait3A_507] : memref<32x16xi32, #tpu.memory_space<vmem>> -> memref<1x16xi32, #tpu.memory_space<vmem>>
    %dma_wait3A_509 = tpu.memref_squeeze %dma_wait3A_508 : memref<1x16xi32, #tpu.memory_space<vmem>> -> memref<16xi32, #tpu.memory_space<vmem>>
    %dma_wait3A_510 = arith.constant 0 : i32
    %dma_wait3A_511 = arith.constant 0 : i32
    %dma_wait3A_512 = tpu.memref_slice %arg3[%dma_wait3A_510, %dma_wait3A_511] : memref<8192x1024xf32, #tpu.memory_space<hbm>> -> memref<8192x1024xf32, #tpu.memory_space<hbm>>
    tpu.wait_indirect_dma semaphore(%arg17 : memref<!tpu.dma_semaphore, #tpu.memory_space<semaphore_mem>>) src(%dma_wait3A_512 : memref<8192x1024xf32, #tpu.memory_space<hbm>>) dst(%arg11 : memref<16x1024xf32, #tpu.memory_space<vmem>>)
    %mul3A_513 = arith.constant 32 : i32
    %mul3A_514 = arith.muli %add3A, %mul3A_513 : i32
    %add3A_515 = arith.constant 17 : i32
    %add3A_516 = arith.addi %mul3A_514, %add3A_515 : i32
    %mul3A_517 = arith.constant 16 : i32
    %mul3A_518 = arith.muli %add3A_516, %mul3A_517 : i32
    %dma_start3A_519 = arith.constant 0 : i32
    %dma_start3A_520 = tpu.memref_slice %arg4[%mul3A_518, %dma_start3A_519] : memref<16384x1024xf32, #tpu.memory_space<hbm>> -> memref<16x1024xf32, #tpu.memory_space<hbm>>
    %dma_start3A_521 = arith.constant 0 : i32
    %dma_start3A_522 = tpu.memref_slice %arg4[%mul3A_518, %dma_start3A_521] : memref<16384x1024xf32, #tpu.memory_space<hbm>> -> memref<16x1024xf32, #tpu.memory_space<hbm>>
    tpu.enqueue_dma source(%arg11 : memref<16x1024xf32, #tpu.memory_space<vmem>>) target(%dma_start3A_522 : memref<16x1024xf32, #tpu.memory_space<hbm>>) target_semaphore(%arg23 : memref<!tpu.dma_semaphore, #tpu.memory_space<semaphore_mem>>)
    %dma_wait3A_523 = arith.constant 0 : i32
    %dma_wait3A_524 = tpu.memref_slice %arg4[%mul3A_490, %dma_wait3A_523] : memref<16384x1024xf32, #tpu.memory_space<hbm>> -> memref<16x1024xf32, #tpu.memory_space<hbm>>
    %dma_wait3A_525 = arith.constant 0 : i32
    %dma_wait3A_526 = tpu.memref_slice %arg4[%mul3A_490, %dma_wait3A_525] : memref<16384x1024xf32, #tpu.memory_space<hbm>> -> memref<16x1024xf32, #tpu.memory_space<hbm>>
    tpu.wait_dma2 semaphore(%arg22 : memref<!tpu.dma_semaphore, #tpu.memory_space<semaphore_mem>>) src(%arg10 : memref<16x1024xf32, #tpu.memory_space<vmem>>) dst(%dma_wait3A_526 : memref<16x1024xf32, #tpu.memory_space<hbm>>)
    %dma_start3A_527 = arith.constant 22 : i32
    %dma_start3A_528 = arith.constant 0 : i32
    %dma_start3A_529 = tpu.memref_slice %arg5[%dma_start3A_527, %dma_start3A_528] : memref<32x16xi32, #tpu.memory_space<vmem>> -> memref<1x16xi32, #tpu.memory_space<vmem>>
    %dma_start3A_530 = tpu.memref_squeeze %dma_start3A_529 : memref<1x16xi32, #tpu.memory_space<vmem>> -> memref<16xi32, #tpu.memory_space<vmem>>
    %dma_start3A_531 = arith.constant 0 : i32
    %dma_start3A_532 = arith.constant 0 : i32
    %dma_start3A_533 = tpu.memref_slice %arg3[%dma_start3A_531, %dma_start3A_532] : memref<8192x1024xf32, #tpu.memory_space<hbm>> -> memref<8192x1024xf32, #tpu.memory_space<hbm>>
    tpu.enqueue_indirect_dma source(%dma_start3A_533 : memref<8192x1024xf32, #tpu.memory_space<hbm>>) target(%arg10 : memref<16x1024xf32, #tpu.memory_space<vmem>>) offsets(%dma_start3A_530 : memref<16xi32, #tpu.memory_space<vmem>>) semaphore(%arg16 : memref<!tpu.dma_semaphore, #tpu.memory_space<semaphore_mem>>)
    %dma_wait3A_534 = arith.constant 18 : i32
    %dma_wait3A_535 = arith.constant 0 : i32
    %dma_wait3A_536 = tpu.memref_slice %arg5[%dma_wait3A_534, %dma_wait3A_535] : memref<32x16xi32, #tpu.memory_space<vmem>> -> memref<1x16xi32, #tpu.memory_space<vmem>>
    %dma_wait3A_537 = tpu.memref_squeeze %dma_wait3A_536 : memref<1x16xi32, #tpu.memory_space<vmem>> -> memref<16xi32, #tpu.memory_space<vmem>>
    %dma_wait3A_538 = arith.constant 0 : i32
    %dma_wait3A_539 = arith.constant 0 : i32
    %dma_wait3A_540 = tpu.memref_slice %arg3[%dma_wait3A_538, %dma_wait3A_539] : memref<8192x1024xf32, #tpu.memory_space<hbm>> -> memref<8192x1024xf32, #tpu.memory_space<hbm>>
    tpu.wait_indirect_dma semaphore(%arg12 : memref<!tpu.dma_semaphore, #tpu.memory_space<semaphore_mem>>) src(%dma_wait3A_540 : memref<8192x1024xf32, #tpu.memory_space<hbm>>) dst(%arg6 : memref<16x1024xf32, #tpu.memory_space<vmem>>)
    %mul3A_541 = arith.constant 32 : i32
    %mul3A_542 = arith.muli %add3A, %mul3A_541 : i32
    %add3A_543 = arith.constant 18 : i32
    %add3A_544 = arith.addi %mul3A_542, %add3A_543 : i32
    %mul3A_545 = arith.constant 16 : i32
    %mul3A_546 = arith.muli %add3A_544, %mul3A_545 : i32
    %dma_start3A_547 = arith.constant 0 : i32
    %dma_start3A_548 = tpu.memref_slice %arg4[%mul3A_546, %dma_start3A_547] : memref<16384x1024xf32, #tpu.memory_space<hbm>> -> memref<16x1024xf32, #tpu.memory_space<hbm>>
    %dma_start3A_549 = arith.constant 0 : i32
    %dma_start3A_550 = tpu.memref_slice %arg4[%mul3A_546, %dma_start3A_549] : memref<16384x1024xf32, #tpu.memory_space<hbm>> -> memref<16x1024xf32, #tpu.memory_space<hbm>>
    tpu.enqueue_dma source(%arg6 : memref<16x1024xf32, #tpu.memory_space<vmem>>) target(%dma_start3A_550 : memref<16x1024xf32, #tpu.memory_space<hbm>>) target_semaphore(%arg18 : memref<!tpu.dma_semaphore, #tpu.memory_space<semaphore_mem>>)
    %dma_wait3A_551 = arith.constant 0 : i32
    %dma_wait3A_552 = tpu.memref_slice %arg4[%mul3A_518, %dma_wait3A_551] : memref<16384x1024xf32, #tpu.memory_space<hbm>> -> memref<16x1024xf32, #tpu.memory_space<hbm>>
    %dma_wait3A_553 = arith.constant 0 : i32
    %dma_wait3A_554 = tpu.memref_slice %arg4[%mul3A_518, %dma_wait3A_553] : memref<16384x1024xf32, #tpu.memory_space<hbm>> -> memref<16x1024xf32, #tpu.memory_space<hbm>>
    tpu.wait_dma2 semaphore(%arg23 : memref<!tpu.dma_semaphore, #tpu.memory_space<semaphore_mem>>) src(%arg11 : memref<16x1024xf32, #tpu.memory_space<vmem>>) dst(%dma_wait3A_554 : memref<16x1024xf32, #tpu.memory_space<hbm>>)
    %dma_start3A_555 = arith.constant 23 : i32
    %dma_start3A_556 = arith.constant 0 : i32
    %dma_start3A_557 = tpu.memref_slice %arg5[%dma_start3A_555, %dma_start3A_556] : memref<32x16xi32, #tpu.memory_space<vmem>> -> memref<1x16xi32, #tpu.memory_space<vmem>>
    %dma_start3A_558 = tpu.memref_squeeze %dma_start3A_557 : memref<1x16xi32, #tpu.memory_space<vmem>> -> memref<16xi32, #tpu.memory_space<vmem>>
    %dma_start3A_559 = arith.constant 0 : i32
    %dma_start3A_560 = arith.constant 0 : i32
    %dma_start3A_561 = tpu.memref_slice %arg3[%dma_start3A_559, %dma_start3A_560] : memref<8192x1024xf32, #tpu.memory_space<hbm>> -> memref<8192x1024xf32, #tpu.memory_space<hbm>>
    tpu.enqueue_indirect_dma source(%dma_start3A_561 : memref<8192x1024xf32, #tpu.memory_space<hbm>>) target(%arg11 : memref<16x1024xf32, #tpu.memory_space<vmem>>) offsets(%dma_start3A_558 : memref<16xi32, #tpu.memory_space<vmem>>) semaphore(%arg17 : memref<!tpu.dma_semaphore, #tpu.memory_space<semaphore_mem>>)
    %dma_wait3A_562 = arith.constant 19 : i32
    %dma_wait3A_563 = arith.constant 0 : i32
    %dma_wait3A_564 = tpu.memref_slice %arg5[%dma_wait3A_562, %dma_wait3A_563] : memref<32x16xi32, #tpu.memory_space<vmem>> -> memref<1x16xi32, #tpu.memory_space<vmem>>
    %dma_wait3A_565 = tpu.memref_squeeze %dma_wait3A_564 : memref<1x16xi32, #tpu.memory_space<vmem>> -> memref<16xi32, #tpu.memory_space<vmem>>
    %dma_wait3A_566 = arith.constant 0 : i32
    %dma_wait3A_567 = arith.constant 0 : i32
    %dma_wait3A_568 = tpu.memref_slice %arg3[%dma_wait3A_566, %dma_wait3A_567] : memref<8192x1024xf32, #tpu.memory_space<hbm>> -> memref<8192x1024xf32, #tpu.memory_space<hbm>>
    tpu.wait_indirect_dma semaphore(%arg13 : memref<!tpu.dma_semaphore, #tpu.memory_space<semaphore_mem>>) src(%dma_wait3A_568 : memref<8192x1024xf32, #tpu.memory_space<hbm>>) dst(%arg7 : memref<16x1024xf32, #tpu.memory_space<vmem>>)
    %mul3A_569 = arith.constant 32 : i32
    %mul3A_570 = arith.muli %add3A, %mul3A_569 : i32
    %add3A_571 = arith.constant 19 : i32
    %add3A_572 = arith.addi %mul3A_570, %add3A_571 : i32
    %mul3A_573 = arith.constant 16 : i32
    %mul3A_574 = arith.muli %add3A_572, %mul3A_573 : i32
    %dma_start3A_575 = arith.constant 0 : i32
    %dma_start3A_576 = tpu.memref_slice %arg4[%mul3A_574, %dma_start3A_575] : memref<16384x1024xf32, #tpu.memory_space<hbm>> -> memref<16x1024xf32, #tpu.memory_space<hbm>>
    %dma_start3A_577 = arith.constant 0 : i32
    %dma_start3A_578 = tpu.memref_slice %arg4[%mul3A_574, %dma_start3A_577] : memref<16384x1024xf32, #tpu.memory_space<hbm>> -> memref<16x1024xf32, #tpu.memory_space<hbm>>
    tpu.enqueue_dma source(%arg7 : memref<16x1024xf32, #tpu.memory_space<vmem>>) target(%dma_start3A_578 : memref<16x1024xf32, #tpu.memory_space<hbm>>) target_semaphore(%arg19 : memref<!tpu.dma_semaphore, #tpu.memory_space<semaphore_mem>>)
    %dma_wait3A_579 = arith.constant 0 : i32
    %dma_wait3A_580 = tpu.memref_slice %arg4[%mul3A_546, %dma_wait3A_579] : memref<16384x1024xf32, #tpu.memory_space<hbm>> -> memref<16x1024xf32, #tpu.memory_space<hbm>>
    %dma_wait3A_581 = arith.constant 0 : i32
    %dma_wait3A_582 = tpu.memref_slice %arg4[%mul3A_546, %dma_wait3A_581] : memref<16384x1024xf32, #tpu.memory_space<hbm>> -> memref<16x1024xf32, #tpu.memory_space<hbm>>
    tpu.wait_dma2 semaphore(%arg18 : memref<!tpu.dma_semaphore, #tpu.memory_space<semaphore_mem>>) src(%arg6 : memref<16x1024xf32, #tpu.memory_space<vmem>>) dst(%dma_wait3A_582 : memref<16x1024xf32, #tpu.memory_space<hbm>>)
    %dma_start3A_583 = arith.constant 24 : i32
    %dma_start3A_584 = arith.constant 0 : i32
    %dma_start3A_585 = tpu.memref_slice %arg5[%dma_start3A_583, %dma_start3A_584] : memref<32x16xi32, #tpu.memory_space<vmem>> -> memref<1x16xi32, #tpu.memory_space<vmem>>
    %dma_start3A_586 = tpu.memref_squeeze %dma_start3A_585 : memref<1x16xi32, #tpu.memory_space<vmem>> -> memref<16xi32, #tpu.memory_space<vmem>>
    %dma_start3A_587 = arith.constant 0 : i32
    %dma_start3A_588 = arith.constant 0 : i32
    %dma_start3A_589 = tpu.memref_slice %arg3[%dma_start3A_587, %dma_start3A_588] : memref<8192x1024xf32, #tpu.memory_space<hbm>> -> memref<8192x1024xf32, #tpu.memory_space<hbm>>
    tpu.enqueue_indirect_dma source(%dma_start3A_589 : memref<8192x1024xf32, #tpu.memory_space<hbm>>) target(%arg6 : memref<16x1024xf32, #tpu.memory_space<vmem>>) offsets(%dma_start3A_586 : memref<16xi32, #tpu.memory_space<vmem>>) semaphore(%arg12 : memref<!tpu.dma_semaphore, #tpu.memory_space<semaphore_mem>>)
    %dma_wait3A_590 = arith.constant 20 : i32
    %dma_wait3A_591 = arith.constant 0 : i32
    %dma_wait3A_592 = tpu.memref_slice %arg5[%dma_wait3A_590, %dma_wait3A_591] : memref<32x16xi32, #tpu.memory_space<vmem>> -> memref<1x16xi32, #tpu.memory_space<vmem>>
    %dma_wait3A_593 = tpu.memref_squeeze %dma_wait3A_592 : memref<1x16xi32, #tpu.memory_space<vmem>> -> memref<16xi32, #tpu.memory_space<vmem>>
    %dma_wait3A_594 = arith.constant 0 : i32
    %dma_wait3A_595 = arith.constant 0 : i32
    %dma_wait3A_596 = tpu.memref_slice %arg3[%dma_wait3A_594, %dma_wait3A_595] : memref<8192x1024xf32, #tpu.memory_space<hbm>> -> memref<8192x1024xf32, #tpu.memory_space<hbm>>
    tpu.wait_indirect_dma semaphore(%arg14 : memref<!tpu.dma_semaphore, #tpu.memory_space<semaphore_mem>>) src(%dma_wait3A_596 : memref<8192x1024xf32, #tpu.memory_space<hbm>>) dst(%arg8 : memref<16x1024xf32, #tpu.memory_space<vmem>>)
    %mul3A_597 = arith.constant 32 : i32
    %mul3A_598 = arith.muli %add3A, %mul3A_597 : i32
    %add3A_599 = arith.constant 20 : i32
    %add3A_600 = arith.addi %mul3A_598, %add3A_599 : i32
    %mul3A_601 = arith.constant 16 : i32
    %mul3A_602 = arith.muli %add3A_600, %mul3A_601 : i32
    %dma_start3A_603 = arith.constant 0 : i32
    %dma_start3A_604 = tpu.memref_slice %arg4[%mul3A_602, %dma_start3A_603] : memref<16384x1024xf32, #tpu.memory_space<hbm>> -> memref<16x1024xf32, #tpu.memory_space<hbm>>
    %dma_start3A_605 = arith.constant 0 : i32
    %dma_start3A_606 = tpu.memref_slice %arg4[%mul3A_602, %dma_start3A_605] : memref<16384x1024xf32, #tpu.memory_space<hbm>> -> memref<16x1024xf32, #tpu.memory_space<hbm>>
    tpu.enqueue_dma source(%arg8 : memref<16x1024xf32, #tpu.memory_space<vmem>>) target(%dma_start3A_606 : memref<16x1024xf32, #tpu.memory_space<hbm>>) target_semaphore(%arg20 : memref<!tpu.dma_semaphore, #tpu.memory_space<semaphore_mem>>)
    %dma_wait3A_607 = arith.constant 0 : i32
    %dma_wait3A_608 = tpu.memref_slice %arg4[%mul3A_574, %dma_wait3A_607] : memref<16384x1024xf32, #tpu.memory_space<hbm>> -> memref<16x1024xf32, #tpu.memory_space<hbm>>
    %dma_wait3A_609 = arith.constant 0 : i32
    %dma_wait3A_610 = tpu.memref_slice %arg4[%mul3A_574, %dma_wait3A_609] : memref<16384x1024xf32, #tpu.memory_space<hbm>> -> memref<16x1024xf32, #tpu.memory_space<hbm>>
    tpu.wait_dma2 semaphore(%arg19 : memref<!tpu.dma_semaphore, #tpu.memory_space<semaphore_mem>>) src(%arg7 : memref<16x1024xf32, #tpu.memory_space<vmem>>) dst(%dma_wait3A_610 : memref<16x1024xf32, #tpu.memory_space<hbm>>)
    %dma_start3A_611 = arith.constant 25 : i32
    %dma_start3A_612 = arith.constant 0 : i32
    %dma_start3A_613 = tpu.memref_slice %arg5[%dma_start3A_611, %dma_start3A_612] : memref<32x16xi32, #tpu.memory_space<vmem>> -> memref<1x16xi32, #tpu.memory_space<vmem>>
    %dma_start3A_614 = tpu.memref_squeeze %dma_start3A_613 : memref<1x16xi32, #tpu.memory_space<vmem>> -> memref<16xi32, #tpu.memory_space<vmem>>
    %dma_start3A_615 = arith.constant 0 : i32
    %dma_start3A_616 = arith.constant 0 : i32
    %dma_start3A_617 = tpu.memref_slice %arg3[%dma_start3A_615, %dma_start3A_616] : memref<8192x1024xf32, #tpu.memory_space<hbm>> -> memref<8192x1024xf32, #tpu.memory_space<hbm>>
    tpu.enqueue_indirect_dma source(%dma_start3A_617 : memref<8192x1024xf32, #tpu.memory_space<hbm>>) target(%arg7 : memref<16x1024xf32, #tpu.memory_space<vmem>>) offsets(%dma_start3A_614 : memref<16xi32, #tpu.memory_space<vmem>>) semaphore(%arg13 : memref<!tpu.dma_semaphore, #tpu.memory_space<semaphore_mem>>)
    %dma_wait3A_618 = arith.constant 21 : i32
    %dma_wait3A_619 = arith.constant 0 : i32
    %dma_wait3A_620 = tpu.memref_slice %arg5[%dma_wait3A_618, %dma_wait3A_619] : memref<32x16xi32, #tpu.memory_space<vmem>> -> memref<1x16xi32, #tpu.memory_space<vmem>>
    %dma_wait3A_621 = tpu.memref_squeeze %dma_wait3A_620 : memref<1x16xi32, #tpu.memory_space<vmem>> -> memref<16xi32, #tpu.memory_space<vmem>>
    %dma_wait3A_622 = arith.constant 0 : i32
    %dma_wait3A_623 = arith.constant 0 : i32
    %dma_wait3A_624 = tpu.memref_slice %arg3[%dma_wait3A_622, %dma_wait3A_623] : memref<8192x1024xf32, #tpu.memory_space<hbm>> -> memref<8192x1024xf32, #tpu.memory_space<hbm>>
    tpu.wait_indirect_dma semaphore(%arg15 : memref<!tpu.dma_semaphore, #tpu.memory_space<semaphore_mem>>) src(%dma_wait3A_624 : memref<8192x1024xf32, #tpu.memory_space<hbm>>) dst(%arg9 : memref<16x1024xf32, #tpu.memory_space<vmem>>)
    %mul3A_625 = arith.constant 32 : i32
    %mul3A_626 = arith.muli %add3A, %mul3A_625 : i32
    %add3A_627 = arith.constant 21 : i32
    %add3A_628 = arith.addi %mul3A_626, %add3A_627 : i32
    %mul3A_629 = arith.constant 16 : i32
    %mul3A_630 = arith.muli %add3A_628, %mul3A_629 : i32
    %dma_start3A_631 = arith.constant 0 : i32
    %dma_start3A_632 = tpu.memref_slice %arg4[%mul3A_630, %dma_start3A_631] : memref<16384x1024xf32, #tpu.memory_space<hbm>> -> memref<16x1024xf32, #tpu.memory_space<hbm>>
    %dma_start3A_633 = arith.constant 0 : i32
    %dma_start3A_634 = tpu.memref_slice %arg4[%mul3A_630, %dma_start3A_633] : memref<16384x1024xf32, #tpu.memory_space<hbm>> -> memref<16x1024xf32, #tpu.memory_space<hbm>>
    tpu.enqueue_dma source(%arg9 : memref<16x1024xf32, #tpu.memory_space<vmem>>) target(%dma_start3A_634 : memref<16x1024xf32, #tpu.memory_space<hbm>>) target_semaphore(%arg21 : memref<!tpu.dma_semaphore, #tpu.memory_space<semaphore_mem>>)
    %dma_wait3A_635 = arith.constant 0 : i32
    %dma_wait3A_636 = tpu.memref_slice %arg4[%mul3A_602, %dma_wait3A_635] : memref<16384x1024xf32, #tpu.memory_space<hbm>> -> memref<16x1024xf32, #tpu.memory_space<hbm>>
    %dma_wait3A_637 = arith.constant 0 : i32
    %dma_wait3A_638 = tpu.memref_slice %arg4[%mul3A_602, %dma_wait3A_637] : memref<16384x1024xf32, #tpu.memory_space<hbm>> -> memref<16x1024xf32, #tpu.memory_space<hbm>>
    tpu.wait_dma2 semaphore(%arg20 : memref<!tpu.dma_semaphore, #tpu.memory_space<semaphore_mem>>) src(%arg8 : memref<16x1024xf32, #tpu.memory_space<vmem>>) dst(%dma_wait3A_638 : memref<16x1024xf32, #tpu.memory_space<hbm>>)
    %dma_start3A_639 = arith.constant 26 : i32
    %dma_start3A_640 = arith.constant 0 : i32
    %dma_start3A_641 = tpu.memref_slice %arg5[%dma_start3A_639, %dma_start3A_640] : memref<32x16xi32, #tpu.memory_space<vmem>> -> memref<1x16xi32, #tpu.memory_space<vmem>>
    %dma_start3A_642 = tpu.memref_squeeze %dma_start3A_641 : memref<1x16xi32, #tpu.memory_space<vmem>> -> memref<16xi32, #tpu.memory_space<vmem>>
    %dma_start3A_643 = arith.constant 0 : i32
    %dma_start3A_644 = arith.constant 0 : i32
    %dma_start3A_645 = tpu.memref_slice %arg3[%dma_start3A_643, %dma_start3A_644] : memref<8192x1024xf32, #tpu.memory_space<hbm>> -> memref<8192x1024xf32, #tpu.memory_space<hbm>>
    tpu.enqueue_indirect_dma source(%dma_start3A_645 : memref<8192x1024xf32, #tpu.memory_space<hbm>>) target(%arg8 : memref<16x1024xf32, #tpu.memory_space<vmem>>) offsets(%dma_start3A_642 : memref<16xi32, #tpu.memory_space<vmem>>) semaphore(%arg14 : memref<!tpu.dma_semaphore, #tpu.memory_space<semaphore_mem>>)
    %dma_wait3A_646 = arith.constant 22 : i32
    %dma_wait3A_647 = arith.constant 0 : i32
    %dma_wait3A_648 = tpu.memref_slice %arg5[%dma_wait3A_646, %dma_wait3A_647] : memref<32x16xi32, #tpu.memory_space<vmem>> -> memref<1x16xi32, #tpu.memory_space<vmem>>
    %dma_wait3A_649 = tpu.memref_squeeze %dma_wait3A_648 : memref<1x16xi32, #tpu.memory_space<vmem>> -> memref<16xi32, #tpu.memory_space<vmem>>
    %dma_wait3A_650 = arith.constant 0 : i32
    %dma_wait3A_651 = arith.constant 0 : i32
    %dma_wait3A_652 = tpu.memref_slice %arg3[%dma_wait3A_650, %dma_wait3A_651] : memref<8192x1024xf32, #tpu.memory_space<hbm>> -> memref<8192x1024xf32, #tpu.memory_space<hbm>>
    tpu.wait_indirect_dma semaphore(%arg16 : memref<!tpu.dma_semaphore, #tpu.memory_space<semaphore_mem>>) src(%dma_wait3A_652 : memref<8192x1024xf32, #tpu.memory_space<hbm>>) dst(%arg10 : memref<16x1024xf32, #tpu.memory_space<vmem>>)
    %mul3A_653 = arith.constant 32 : i32
    %mul3A_654 = arith.muli %add3A, %mul3A_653 : i32
    %add3A_655 = arith.constant 22 : i32
    %add3A_656 = arith.addi %mul3A_654, %add3A_655 : i32
    %mul3A_657 = arith.constant 16 : i32
    %mul3A_658 = arith.muli %add3A_656, %mul3A_657 : i32
    %dma_start3A_659 = arith.constant 0 : i32
    %dma_start3A_660 = tpu.memref_slice %arg4[%mul3A_658, %dma_start3A_659] : memref<16384x1024xf32, #tpu.memory_space<hbm>> -> memref<16x1024xf32, #tpu.memory_space<hbm>>
    %dma_start3A_661 = arith.constant 0 : i32
    %dma_start3A_662 = tpu.memref_slice %arg4[%mul3A_658, %dma_start3A_661] : memref<16384x1024xf32, #tpu.memory_space<hbm>> -> memref<16x1024xf32, #tpu.memory_space<hbm>>
    tpu.enqueue_dma source(%arg10 : memref<16x1024xf32, #tpu.memory_space<vmem>>) target(%dma_start3A_662 : memref<16x1024xf32, #tpu.memory_space<hbm>>) target_semaphore(%arg22 : memref<!tpu.dma_semaphore, #tpu.memory_space<semaphore_mem>>)
    %dma_wait3A_663 = arith.constant 0 : i32
    %dma_wait3A_664 = tpu.memref_slice %arg4[%mul3A_630, %dma_wait3A_663] : memref<16384x1024xf32, #tpu.memory_space<hbm>> -> memref<16x1024xf32, #tpu.memory_space<hbm>>
    %dma_wait3A_665 = arith.constant 0 : i32
    %dma_wait3A_666 = tpu.memref_slice %arg4[%mul3A_630, %dma_wait3A_665] : memref<16384x1024xf32, #tpu.memory_space<hbm>> -> memref<16x1024xf32, #tpu.memory_space<hbm>>
    tpu.wait_dma2 semaphore(%arg21 : memref<!tpu.dma_semaphore, #tpu.memory_space<semaphore_mem>>) src(%arg9 : memref<16x1024xf32, #tpu.memory_space<vmem>>) dst(%dma_wait3A_666 : memref<16x1024xf32, #tpu.memory_space<hbm>>)
    %dma_start3A_667 = arith.constant 27 : i32
    %dma_start3A_668 = arith.constant 0 : i32
    %dma_start3A_669 = tpu.memref_slice %arg5[%dma_start3A_667, %dma_start3A_668] : memref<32x16xi32, #tpu.memory_space<vmem>> -> memref<1x16xi32, #tpu.memory_space<vmem>>
    %dma_start3A_670 = tpu.memref_squeeze %dma_start3A_669 : memref<1x16xi32, #tpu.memory_space<vmem>> -> memref<16xi32, #tpu.memory_space<vmem>>
    %dma_start3A_671 = arith.constant 0 : i32
    %dma_start3A_672 = arith.constant 0 : i32
    %dma_start3A_673 = tpu.memref_slice %arg3[%dma_start3A_671, %dma_start3A_672] : memref<8192x1024xf32, #tpu.memory_space<hbm>> -> memref<8192x1024xf32, #tpu.memory_space<hbm>>
    tpu.enqueue_indirect_dma source(%dma_start3A_673 : memref<8192x1024xf32, #tpu.memory_space<hbm>>) target(%arg9 : memref<16x1024xf32, #tpu.memory_space<vmem>>) offsets(%dma_start3A_670 : memref<16xi32, #tpu.memory_space<vmem>>) semaphore(%arg15 : memref<!tpu.dma_semaphore, #tpu.memory_space<semaphore_mem>>)
    %dma_wait3A_674 = arith.constant 23 : i32
    %dma_wait3A_675 = arith.constant 0 : i32
    %dma_wait3A_676 = tpu.memref_slice %arg5[%dma_wait3A_674, %dma_wait3A_675] : memref<32x16xi32, #tpu.memory_space<vmem>> -> memref<1x16xi32, #tpu.memory_space<vmem>>
    %dma_wait3A_677 = tpu.memref_squeeze %dma_wait3A_676 : memref<1x16xi32, #tpu.memory_space<vmem>> -> memref<16xi32, #tpu.memory_space<vmem>>
    %dma_wait3A_678 = arith.constant 0 : i32
    %dma_wait3A_679 = arith.constant 0 : i32
    %dma_wait3A_680 = tpu.memref_slice %arg3[%dma_wait3A_678, %dma_wait3A_679] : memref<8192x1024xf32, #tpu.memory_space<hbm>> -> memref<8192x1024xf32, #tpu.memory_space<hbm>>
    tpu.wait_indirect_dma semaphore(%arg17 : memref<!tpu.dma_semaphore, #tpu.memory_space<semaphore_mem>>) src(%dma_wait3A_680 : memref<8192x1024xf32, #tpu.memory_space<hbm>>) dst(%arg11 : memref<16x1024xf32, #tpu.memory_space<vmem>>)
    %mul3A_681 = arith.constant 32 : i32
    %mul3A_682 = arith.muli %add3A, %mul3A_681 : i32
    %add3A_683 = arith.constant 23 : i32
    %add3A_684 = arith.addi %mul3A_682, %add3A_683 : i32
    %mul3A_685 = arith.constant 16 : i32
    %mul3A_686 = arith.muli %add3A_684, %mul3A_685 : i32
    %dma_start3A_687 = arith.constant 0 : i32
    %dma_start3A_688 = tpu.memref_slice %arg4[%mul3A_686, %dma_start3A_687] : memref<16384x1024xf32, #tpu.memory_space<hbm>> -> memref<16x1024xf32, #tpu.memory_space<hbm>>
    %dma_start3A_689 = arith.constant 0 : i32
    %dma_start3A_690 = tpu.memref_slice %arg4[%mul3A_686, %dma_start3A_689] : memref<16384x1024xf32, #tpu.memory_space<hbm>> -> memref<16x1024xf32, #tpu.memory_space<hbm>>
    tpu.enqueue_dma source(%arg11 : memref<16x1024xf32, #tpu.memory_space<vmem>>) target(%dma_start3A_690 : memref<16x1024xf32, #tpu.memory_space<hbm>>) target_semaphore(%arg23 : memref<!tpu.dma_semaphore, #tpu.memory_space<semaphore_mem>>)
    %dma_wait3A_691 = arith.constant 0 : i32
    %dma_wait3A_692 = tpu.memref_slice %arg4[%mul3A_658, %dma_wait3A_691] : memref<16384x1024xf32, #tpu.memory_space<hbm>> -> memref<16x1024xf32, #tpu.memory_space<hbm>>
    %dma_wait3A_693 = arith.constant 0 : i32
    %dma_wait3A_694 = tpu.memref_slice %arg4[%mul3A_658, %dma_wait3A_693] : memref<16384x1024xf32, #tpu.memory_space<hbm>> -> memref<16x1024xf32, #tpu.memory_space<hbm>>
    tpu.wait_dma2 semaphore(%arg22 : memref<!tpu.dma_semaphore, #tpu.memory_space<semaphore_mem>>) src(%arg10 : memref<16x1024xf32, #tpu.memory_space<vmem>>) dst(%dma_wait3A_694 : memref<16x1024xf32, #tpu.memory_space<hbm>>)
    %dma_start3A_695 = arith.constant 28 : i32
    %dma_start3A_696 = arith.constant 0 : i32
    %dma_start3A_697 = tpu.memref_slice %arg5[%dma_start3A_695, %dma_start3A_696] : memref<32x16xi32, #tpu.memory_space<vmem>> -> memref<1x16xi32, #tpu.memory_space<vmem>>
    %dma_start3A_698 = tpu.memref_squeeze %dma_start3A_697 : memref<1x16xi32, #tpu.memory_space<vmem>> -> memref<16xi32, #tpu.memory_space<vmem>>
    %dma_start3A_699 = arith.constant 0 : i32
    %dma_start3A_700 = arith.constant 0 : i32
    %dma_start3A_701 = tpu.memref_slice %arg3[%dma_start3A_699, %dma_start3A_700] : memref<8192x1024xf32, #tpu.memory_space<hbm>> -> memref<8192x1024xf32, #tpu.memory_space<hbm>>
    tpu.enqueue_indirect_dma source(%dma_start3A_701 : memref<8192x1024xf32, #tpu.memory_space<hbm>>) target(%arg10 : memref<16x1024xf32, #tpu.memory_space<vmem>>) offsets(%dma_start3A_698 : memref<16xi32, #tpu.memory_space<vmem>>) semaphore(%arg16 : memref<!tpu.dma_semaphore, #tpu.memory_space<semaphore_mem>>)
    %dma_wait3A_702 = arith.constant 24 : i32
    %dma_wait3A_703 = arith.constant 0 : i32
    %dma_wait3A_704 = tpu.memref_slice %arg5[%dma_wait3A_702, %dma_wait3A_703] : memref<32x16xi32, #tpu.memory_space<vmem>> -> memref<1x16xi32, #tpu.memory_space<vmem>>
    %dma_wait3A_705 = tpu.memref_squeeze %dma_wait3A_704 : memref<1x16xi32, #tpu.memory_space<vmem>> -> memref<16xi32, #tpu.memory_space<vmem>>
    %dma_wait3A_706 = arith.constant 0 : i32
    %dma_wait3A_707 = arith.constant 0 : i32
    %dma_wait3A_708 = tpu.memref_slice %arg3[%dma_wait3A_706, %dma_wait3A_707] : memref<8192x1024xf32, #tpu.memory_space<hbm>> -> memref<8192x1024xf32, #tpu.memory_space<hbm>>
    tpu.wait_indirect_dma semaphore(%arg12 : memref<!tpu.dma_semaphore, #tpu.memory_space<semaphore_mem>>) src(%dma_wait3A_708 : memref<8192x1024xf32, #tpu.memory_space<hbm>>) dst(%arg6 : memref<16x1024xf32, #tpu.memory_space<vmem>>)
    %mul3A_709 = arith.constant 32 : i32
    %mul3A_710 = arith.muli %add3A, %mul3A_709 : i32
    %add3A_711 = arith.constant 24 : i32
    %add3A_712 = arith.addi %mul3A_710, %add3A_711 : i32
    %mul3A_713 = arith.constant 16 : i32
    %mul3A_714 = arith.muli %add3A_712, %mul3A_713 : i32
    %dma_start3A_715 = arith.constant 0 : i32
    %dma_start3A_716 = tpu.memref_slice %arg4[%mul3A_714, %dma_start3A_715] : memref<16384x1024xf32, #tpu.memory_space<hbm>> -> memref<16x1024xf32, #tpu.memory_space<hbm>>
    %dma_start3A_717 = arith.constant 0 : i32
    %dma_start3A_718 = tpu.memref_slice %arg4[%mul3A_714, %dma_start3A_717] : memref<16384x1024xf32, #tpu.memory_space<hbm>> -> memref<16x1024xf32, #tpu.memory_space<hbm>>
    tpu.enqueue_dma source(%arg6 : memref<16x1024xf32, #tpu.memory_space<vmem>>) target(%dma_start3A_718 : memref<16x1024xf32, #tpu.memory_space<hbm>>) target_semaphore(%arg18 : memref<!tpu.dma_semaphore, #tpu.memory_space<semaphore_mem>>)
    %dma_wait3A_719 = arith.constant 0 : i32
    %dma_wait3A_720 = tpu.memref_slice %arg4[%mul3A_686, %dma_wait3A_719] : memref<16384x1024xf32, #tpu.memory_space<hbm>> -> memref<16x1024xf32, #tpu.memory_space<hbm>>
    %dma_wait3A_721 = arith.constant 0 : i32
    %dma_wait3A_722 = tpu.memref_slice %arg4[%mul3A_686, %dma_wait3A_721] : memref<16384x1024xf32, #tpu.memory_space<hbm>> -> memref<16x1024xf32, #tpu.memory_space<hbm>>
    tpu.wait_dma2 semaphore(%arg23 : memref<!tpu.dma_semaphore, #tpu.memory_space<semaphore_mem>>) src(%arg11 : memref<16x1024xf32, #tpu.memory_space<vmem>>) dst(%dma_wait3A_722 : memref<16x1024xf32, #tpu.memory_space<hbm>>)
    %dma_start3A_723 = arith.constant 29 : i32
    %dma_start3A_724 = arith.constant 0 : i32
    %dma_start3A_725 = tpu.memref_slice %arg5[%dma_start3A_723, %dma_start3A_724] : memref<32x16xi32, #tpu.memory_space<vmem>> -> memref<1x16xi32, #tpu.memory_space<vmem>>
    %dma_start3A_726 = tpu.memref_squeeze %dma_start3A_725 : memref<1x16xi32, #tpu.memory_space<vmem>> -> memref<16xi32, #tpu.memory_space<vmem>>
    %dma_start3A_727 = arith.constant 0 : i32
    %dma_start3A_728 = arith.constant 0 : i32
    %dma_start3A_729 = tpu.memref_slice %arg3[%dma_start3A_727, %dma_start3A_728] : memref<8192x1024xf32, #tpu.memory_space<hbm>> -> memref<8192x1024xf32, #tpu.memory_space<hbm>>
    tpu.enqueue_indirect_dma source(%dma_start3A_729 : memref<8192x1024xf32, #tpu.memory_space<hbm>>) target(%arg11 : memref<16x1024xf32, #tpu.memory_space<vmem>>) offsets(%dma_start3A_726 : memref<16xi32, #tpu.memory_space<vmem>>) semaphore(%arg17 : memref<!tpu.dma_semaphore, #tpu.memory_space<semaphore_mem>>)
    %dma_wait3A_730 = arith.constant 25 : i32
    %dma_wait3A_731 = arith.constant 0 : i32
    %dma_wait3A_732 = tpu.memref_slice %arg5[%dma_wait3A_730, %dma_wait3A_731] : memref<32x16xi32, #tpu.memory_space<vmem>> -> memref<1x16xi32, #tpu.memory_space<vmem>>
    %dma_wait3A_733 = tpu.memref_squeeze %dma_wait3A_732 : memref<1x16xi32, #tpu.memory_space<vmem>> -> memref<16xi32, #tpu.memory_space<vmem>>
    %dma_wait3A_734 = arith.constant 0 : i32
    %dma_wait3A_735 = arith.constant 0 : i32
    %dma_wait3A_736 = tpu.memref_slice %arg3[%dma_wait3A_734, %dma_wait3A_735] : memref<8192x1024xf32, #tpu.memory_space<hbm>> -> memref<8192x1024xf32, #tpu.memory_space<hbm>>
    tpu.wait_indirect_dma semaphore(%arg13 : memref<!tpu.dma_semaphore, #tpu.memory_space<semaphore_mem>>) src(%dma_wait3A_736 : memref<8192x1024xf32, #tpu.memory_space<hbm>>) dst(%arg7 : memref<16x1024xf32, #tpu.memory_space<vmem>>)
    %mul3A_737 = arith.constant 32 : i32
    %mul3A_738 = arith.muli %add3A, %mul3A_737 : i32
    %add3A_739 = arith.constant 25 : i32
    %add3A_740 = arith.addi %mul3A_738, %add3A_739 : i32
    %mul3A_741 = arith.constant 16 : i32
    %mul3A_742 = arith.muli %add3A_740, %mul3A_741 : i32
    %dma_start3A_743 = arith.constant 0 : i32
    %dma_start3A_744 = tpu.memref_slice %arg4[%mul3A_742, %dma_start3A_743] : memref<16384x1024xf32, #tpu.memory_space<hbm>> -> memref<16x1024xf32, #tpu.memory_space<hbm>>
    %dma_start3A_745 = arith.constant 0 : i32
    %dma_start3A_746 = tpu.memref_slice %arg4[%mul3A_742, %dma_start3A_745] : memref<16384x1024xf32, #tpu.memory_space<hbm>> -> memref<16x1024xf32, #tpu.memory_space<hbm>>
    tpu.enqueue_dma source(%arg7 : memref<16x1024xf32, #tpu.memory_space<vmem>>) target(%dma_start3A_746 : memref<16x1024xf32, #tpu.memory_space<hbm>>) target_semaphore(%arg19 : memref<!tpu.dma_semaphore, #tpu.memory_space<semaphore_mem>>)
    %dma_wait3A_747 = arith.constant 0 : i32
    %dma_wait3A_748 = tpu.memref_slice %arg4[%mul3A_714, %dma_wait3A_747] : memref<16384x1024xf32, #tpu.memory_space<hbm>> -> memref<16x1024xf32, #tpu.memory_space<hbm>>
    %dma_wait3A_749 = arith.constant 0 : i32
    %dma_wait3A_750 = tpu.memref_slice %arg4[%mul3A_714, %dma_wait3A_749] : memref<16384x1024xf32, #tpu.memory_space<hbm>> -> memref<16x1024xf32, #tpu.memory_space<hbm>>
    tpu.wait_dma2 semaphore(%arg18 : memref<!tpu.dma_semaphore, #tpu.memory_space<semaphore_mem>>) src(%arg6 : memref<16x1024xf32, #tpu.memory_space<vmem>>) dst(%dma_wait3A_750 : memref<16x1024xf32, #tpu.memory_space<hbm>>)
    %dma_start3A_751 = arith.constant 30 : i32
    %dma_start3A_752 = arith.constant 0 : i32
    %dma_start3A_753 = tpu.memref_slice %arg5[%dma_start3A_751, %dma_start3A_752] : memref<32x16xi32, #tpu.memory_space<vmem>> -> memref<1x16xi32, #tpu.memory_space<vmem>>
    %dma_start3A_754 = tpu.memref_squeeze %dma_start3A_753 : memref<1x16xi32, #tpu.memory_space<vmem>> -> memref<16xi32, #tpu.memory_space<vmem>>
    %dma_start3A_755 = arith.constant 0 : i32
    %dma_start3A_756 = arith.constant 0 : i32
    %dma_start3A_757 = tpu.memref_slice %arg3[%dma_start3A_755, %dma_start3A_756] : memref<8192x1024xf32, #tpu.memory_space<hbm>> -> memref<8192x1024xf32, #tpu.memory_space<hbm>>
    tpu.enqueue_indirect_dma source(%dma_start3A_757 : memref<8192x1024xf32, #tpu.memory_space<hbm>>) target(%arg6 : memref<16x1024xf32, #tpu.memory_space<vmem>>) offsets(%dma_start3A_754 : memref<16xi32, #tpu.memory_space<vmem>>) semaphore(%arg12 : memref<!tpu.dma_semaphore, #tpu.memory_space<semaphore_mem>>)
    %dma_wait3A_758 = arith.constant 26 : i32
    %dma_wait3A_759 = arith.constant 0 : i32
    %dma_wait3A_760 = tpu.memref_slice %arg5[%dma_wait3A_758, %dma_wait3A_759] : memref<32x16xi32, #tpu.memory_space<vmem>> -> memref<1x16xi32, #tpu.memory_space<vmem>>
    %dma_wait3A_761 = tpu.memref_squeeze %dma_wait3A_760 : memref<1x16xi32, #tpu.memory_space<vmem>> -> memref<16xi32, #tpu.memory_space<vmem>>
    %dma_wait3A_762 = arith.constant 0 : i32
    %dma_wait3A_763 = arith.constant 0 : i32
    %dma_wait3A_764 = tpu.memref_slice %arg3[%dma_wait3A_762, %dma_wait3A_763] : memref<8192x1024xf32, #tpu.memory_space<hbm>> -> memref<8192x1024xf32, #tpu.memory_space<hbm>>
    tpu.wait_indirect_dma semaphore(%arg14 : memref<!tpu.dma_semaphore, #tpu.memory_space<semaphore_mem>>) src(%dma_wait3A_764 : memref<8192x1024xf32, #tpu.memory_space<hbm>>) dst(%arg8 : memref<16x1024xf32, #tpu.memory_space<vmem>>)
    %mul3A_765 = arith.constant 32 : i32
    %mul3A_766 = arith.muli %add3A, %mul3A_765 : i32
    %add3A_767 = arith.constant 26 : i32
    %add3A_768 = arith.addi %mul3A_766, %add3A_767 : i32
    %mul3A_769 = arith.constant 16 : i32
    %mul3A_770 = arith.muli %add3A_768, %mul3A_769 : i32
    %dma_start3A_771 = arith.constant 0 : i32
    %dma_start3A_772 = tpu.memref_slice %arg4[%mul3A_770, %dma_start3A_771] : memref<16384x1024xf32, #tpu.memory_space<hbm>> -> memref<16x1024xf32, #tpu.memory_space<hbm>>
    %dma_start3A_773 = arith.constant 0 : i32
    %dma_start3A_774 = tpu.memref_slice %arg4[%mul3A_770, %dma_start3A_773] : memref<16384x1024xf32, #tpu.memory_space<hbm>> -> memref<16x1024xf32, #tpu.memory_space<hbm>>
    tpu.enqueue_dma source(%arg8 : memref<16x1024xf32, #tpu.memory_space<vmem>>) target(%dma_start3A_774 : memref<16x1024xf32, #tpu.memory_space<hbm>>) target_semaphore(%arg20 : memref<!tpu.dma_semaphore, #tpu.memory_space<semaphore_mem>>)
    %dma_wait3A_775 = arith.constant 0 : i32
    %dma_wait3A_776 = tpu.memref_slice %arg4[%mul3A_742, %dma_wait3A_775] : memref<16384x1024xf32, #tpu.memory_space<hbm>> -> memref<16x1024xf32, #tpu.memory_space<hbm>>
    %dma_wait3A_777 = arith.constant 0 : i32
    %dma_wait3A_778 = tpu.memref_slice %arg4[%mul3A_742, %dma_wait3A_777] : memref<16384x1024xf32, #tpu.memory_space<hbm>> -> memref<16x1024xf32, #tpu.memory_space<hbm>>
    tpu.wait_dma2 semaphore(%arg19 : memref<!tpu.dma_semaphore, #tpu.memory_space<semaphore_mem>>) src(%arg7 : memref<16x1024xf32, #tpu.memory_space<vmem>>) dst(%dma_wait3A_778 : memref<16x1024xf32, #tpu.memory_space<hbm>>)
    %dma_start3A_779 = arith.constant 31 : i32
    %dma_start3A_780 = arith.constant 0 : i32
    %dma_start3A_781 = tpu.memref_slice %arg5[%dma_start3A_779, %dma_start3A_780] : memref<32x16xi32, #tpu.memory_space<vmem>> -> memref<1x16xi32, #tpu.memory_space<vmem>>
    %dma_start3A_782 = tpu.memref_squeeze %dma_start3A_781 : memref<1x16xi32, #tpu.memory_space<vmem>> -> memref<16xi32, #tpu.memory_space<vmem>>
    %dma_start3A_783 = arith.constant 0 : i32
    %dma_start3A_784 = arith.constant 0 : i32
    %dma_start3A_785 = tpu.memref_slice %arg3[%dma_start3A_783, %dma_start3A_784] : memref<8192x1024xf32, #tpu.memory_space<hbm>> -> memref<8192x1024xf32, #tpu.memory_space<hbm>>
    tpu.enqueue_indirect_dma source(%dma_start3A_785 : memref<8192x1024xf32, #tpu.memory_space<hbm>>) target(%arg7 : memref<16x1024xf32, #tpu.memory_space<vmem>>) offsets(%dma_start3A_782 : memref<16xi32, #tpu.memory_space<vmem>>) semaphore(%arg13 : memref<!tpu.dma_semaphore, #tpu.memory_space<semaphore_mem>>)
    %dma_wait3A_786 = arith.constant 27 : i32
    %dma_wait3A_787 = arith.constant 0 : i32
    %dma_wait3A_788 = tpu.memref_slice %arg5[%dma_wait3A_786, %dma_wait3A_787] : memref<32x16xi32, #tpu.memory_space<vmem>> -> memref<1x16xi32, #tpu.memory_space<vmem>>
    %dma_wait3A_789 = tpu.memref_squeeze %dma_wait3A_788 : memref<1x16xi32, #tpu.memory_space<vmem>> -> memref<16xi32, #tpu.memory_space<vmem>>
    %dma_wait3A_790 = arith.constant 0 : i32
    %dma_wait3A_791 = arith.constant 0 : i32
    %dma_wait3A_792 = tpu.memref_slice %arg3[%dma_wait3A_790, %dma_wait3A_791] : memref<8192x1024xf32, #tpu.memory_space<hbm>> -> memref<8192x1024xf32, #tpu.memory_space<hbm>>
    tpu.wait_indirect_dma semaphore(%arg15 : memref<!tpu.dma_semaphore, #tpu.memory_space<semaphore_mem>>) src(%dma_wait3A_792 : memref<8192x1024xf32, #tpu.memory_space<hbm>>) dst(%arg9 : memref<16x1024xf32, #tpu.memory_space<vmem>>)
    %mul3A_793 = arith.constant 32 : i32
    %mul3A_794 = arith.muli %add3A, %mul3A_793 : i32
    %add3A_795 = arith.constant 27 : i32
    %add3A_796 = arith.addi %mul3A_794, %add3A_795 : i32
    %mul3A_797 = arith.constant 16 : i32
    %mul3A_798 = arith.muli %add3A_796, %mul3A_797 : i32
    %dma_start3A_799 = arith.constant 0 : i32
    %dma_start3A_800 = tpu.memref_slice %arg4[%mul3A_798, %dma_start3A_799] : memref<16384x1024xf32, #tpu.memory_space<hbm>> -> memref<16x1024xf32, #tpu.memory_space<hbm>>
    %dma_start3A_801 = arith.constant 0 : i32
    %dma_start3A_802 = tpu.memref_slice %arg4[%mul3A_798, %dma_start3A_801] : memref<16384x1024xf32, #tpu.memory_space<hbm>> -> memref<16x1024xf32, #tpu.memory_space<hbm>>
    tpu.enqueue_dma source(%arg9 : memref<16x1024xf32, #tpu.memory_space<vmem>>) target(%dma_start3A_802 : memref<16x1024xf32, #tpu.memory_space<hbm>>) target_semaphore(%arg21 : memref<!tpu.dma_semaphore, #tpu.memory_space<semaphore_mem>>)
    %dma_wait3A_803 = arith.constant 28 : i32
    %dma_wait3A_804 = arith.constant 0 : i32
    %dma_wait3A_805 = tpu.memref_slice %arg5[%dma_wait3A_803, %dma_wait3A_804] : memref<32x16xi32, #tpu.memory_space<vmem>> -> memref<1x16xi32, #tpu.memory_space<vmem>>
    %dma_wait3A_806 = tpu.memref_squeeze %dma_wait3A_805 : memref<1x16xi32, #tpu.memory_space<vmem>> -> memref<16xi32, #tpu.memory_space<vmem>>
    %dma_wait3A_807 = arith.constant 0 : i32
    %dma_wait3A_808 = arith.constant 0 : i32
    %dma_wait3A_809 = tpu.memref_slice %arg3[%dma_wait3A_807, %dma_wait3A_808] : memref<8192x1024xf32, #tpu.memory_space<hbm>> -> memref<8192x1024xf32, #tpu.memory_space<hbm>>
    tpu.wait_indirect_dma semaphore(%arg16 : memref<!tpu.dma_semaphore, #tpu.memory_space<semaphore_mem>>) src(%dma_wait3A_809 : memref<8192x1024xf32, #tpu.memory_space<hbm>>) dst(%arg10 : memref<16x1024xf32, #tpu.memory_space<vmem>>)
    %mul3A_810 = arith.constant 32 : i32
    %mul3A_811 = arith.muli %add3A, %mul3A_810 : i32
    %add3A_812 = arith.constant 28 : i32
    %add3A_813 = arith.addi %mul3A_811, %add3A_812 : i32
    %mul3A_814 = arith.constant 16 : i32
    %mul3A_815 = arith.muli %add3A_813, %mul3A_814 : i32
    %dma_start3A_816 = arith.constant 0 : i32
    %dma_start3A_817 = tpu.memref_slice %arg4[%mul3A_815, %dma_start3A_816] : memref<16384x1024xf32, #tpu.memory_space<hbm>> -> memref<16x1024xf32, #tpu.memory_space<hbm>>
    %dma_start3A_818 = arith.constant 0 : i32
    %dma_start3A_819 = tpu.memref_slice %arg4[%mul3A_815, %dma_start3A_818] : memref<16384x1024xf32, #tpu.memory_space<hbm>> -> memref<16x1024xf32, #tpu.memory_space<hbm>>
    tpu.enqueue_dma source(%arg10 : memref<16x1024xf32, #tpu.memory_space<vmem>>) target(%dma_start3A_819 : memref<16x1024xf32, #tpu.memory_space<hbm>>) target_semaphore(%arg22 : memref<!tpu.dma_semaphore, #tpu.memory_space<semaphore_mem>>)
    %dma_wait3A_820 = arith.constant 29 : i32
    %dma_wait3A_821 = arith.constant 0 : i32
    %dma_wait3A_822 = tpu.memref_slice %arg5[%dma_wait3A_820, %dma_wait3A_821] : memref<32x16xi32, #tpu.memory_space<vmem>> -> memref<1x16xi32, #tpu.memory_space<vmem>>
    %dma_wait3A_823 = tpu.memref_squeeze %dma_wait3A_822 : memref<1x16xi32, #tpu.memory_space<vmem>> -> memref<16xi32, #tpu.memory_space<vmem>>
    %dma_wait3A_824 = arith.constant 0 : i32
    %dma_wait3A_825 = arith.constant 0 : i32
    %dma_wait3A_826 = tpu.memref_slice %arg3[%dma_wait3A_824, %dma_wait3A_825] : memref<8192x1024xf32, #tpu.memory_space<hbm>> -> memref<8192x1024xf32, #tpu.memory_space<hbm>>
    tpu.wait_indirect_dma semaphore(%arg17 : memref<!tpu.dma_semaphore, #tpu.memory_space<semaphore_mem>>) src(%dma_wait3A_826 : memref<8192x1024xf32, #tpu.memory_space<hbm>>) dst(%arg11 : memref<16x1024xf32, #tpu.memory_space<vmem>>)
    %mul3A_827 = arith.constant 32 : i32
    %mul3A_828 = arith.muli %add3A, %mul3A_827 : i32
    %add3A_829 = arith.constant 29 : i32
    %add3A_830 = arith.addi %mul3A_828, %add3A_829 : i32
    %mul3A_831 = arith.constant 16 : i32
    %mul3A_832 = arith.muli %add3A_830, %mul3A_831 : i32
    %dma_start3A_833 = arith.constant 0 : i32
    %dma_start3A_834 = tpu.memref_slice %arg4[%mul3A_832, %dma_start3A_833] : memref<16384x1024xf32, #tpu.memory_space<hbm>> -> memref<16x1024xf32, #tpu.memory_space<hbm>>
    %dma_start3A_835 = arith.constant 0 : i32
    %dma_start3A_836 = tpu.memref_slice %arg4[%mul3A_832, %dma_start3A_835] : memref<16384x1024xf32, #tpu.memory_space<hbm>> -> memref<16x1024xf32, #tpu.memory_space<hbm>>
    tpu.enqueue_dma source(%arg11 : memref<16x1024xf32, #tpu.memory_space<vmem>>) target(%dma_start3A_836 : memref<16x1024xf32, #tpu.memory_space<hbm>>) target_semaphore(%arg23 : memref<!tpu.dma_semaphore, #tpu.memory_space<semaphore_mem>>)
    %dma_wait3A_837 = arith.constant 30 : i32
    %dma_wait3A_838 = arith.constant 0 : i32
    %dma_wait3A_839 = tpu.memref_slice %arg5[%dma_wait3A_837, %dma_wait3A_838] : memref<32x16xi32, #tpu.memory_space<vmem>> -> memref<1x16xi32, #tpu.memory_space<vmem>>
    %dma_wait3A_840 = tpu.memref_squeeze %dma_wait3A_839 : memref<1x16xi32, #tpu.memory_space<vmem>> -> memref<16xi32, #tpu.memory_space<vmem>>
    %dma_wait3A_841 = arith.constant 0 : i32
    %dma_wait3A_842 = arith.constant 0 : i32
    %dma_wait3A_843 = tpu.memref_slice %arg3[%dma_wait3A_841, %dma_wait3A_842] : memref<8192x1024xf32, #tpu.memory_space<hbm>> -> memref<8192x1024xf32, #tpu.memory_space<hbm>>
    tpu.wait_indirect_dma semaphore(%arg12 : memref<!tpu.dma_semaphore, #tpu.memory_space<semaphore_mem>>) src(%dma_wait3A_843 : memref<8192x1024xf32, #tpu.memory_space<hbm>>) dst(%arg6 : memref<16x1024xf32, #tpu.memory_space<vmem>>)
    %mul3A_844 = arith.constant 32 : i32
    %mul3A_845 = arith.muli %add3A, %mul3A_844 : i32
    %add3A_846 = arith.constant 30 : i32
    %add3A_847 = arith.addi %mul3A_845, %add3A_846 : i32
    %mul3A_848 = arith.constant 16 : i32
    %mul3A_849 = arith.muli %add3A_847, %mul3A_848 : i32
    %dma_start3A_850 = arith.constant 0 : i32
    %dma_start3A_851 = tpu.memref_slice %arg4[%mul3A_849, %dma_start3A_850] : memref<16384x1024xf32, #tpu.memory_space<hbm>> -> memref<16x1024xf32, #tpu.memory_space<hbm>>
    %dma_start3A_852 = arith.constant 0 : i32
    %dma_start3A_853 = tpu.memref_slice %arg4[%mul3A_849, %dma_start3A_852] : memref<16384x1024xf32, #tpu.memory_space<hbm>> -> memref<16x1024xf32, #tpu.memory_space<hbm>>
    tpu.enqueue_dma source(%arg6 : memref<16x1024xf32, #tpu.memory_space<vmem>>) target(%dma_start3A_853 : memref<16x1024xf32, #tpu.memory_space<hbm>>) target_semaphore(%arg18 : memref<!tpu.dma_semaphore, #tpu.memory_space<semaphore_mem>>)
    %dma_wait3A_854 = arith.constant 31 : i32
    %dma_wait3A_855 = arith.constant 0 : i32
    %dma_wait3A_856 = tpu.memref_slice %arg5[%dma_wait3A_854, %dma_wait3A_855] : memref<32x16xi32, #tpu.memory_space<vmem>> -> memref<1x16xi32, #tpu.memory_space<vmem>>
    %dma_wait3A_857 = tpu.memref_squeeze %dma_wait3A_856 : memref<1x16xi32, #tpu.memory_space<vmem>> -> memref<16xi32, #tpu.memory_space<vmem>>
    %dma_wait3A_858 = arith.constant 0 : i32
    %dma_wait3A_859 = arith.constant 0 : i32
    %dma_wait3A_860 = tpu.memref_slice %arg3[%dma_wait3A_858, %dma_wait3A_859] : memref<8192x1024xf32, #tpu.memory_space<hbm>> -> memref<8192x1024xf32, #tpu.memory_space<hbm>>
    tpu.wait_indirect_dma semaphore(%arg13 : memref<!tpu.dma_semaphore, #tpu.memory_space<semaphore_mem>>) src(%dma_wait3A_860 : memref<8192x1024xf32, #tpu.memory_space<hbm>>) dst(%arg7 : memref<16x1024xf32, #tpu.memory_space<vmem>>)
    %mul3A_861 = arith.constant 32 : i32
    %mul3A_862 = arith.muli %add3A, %mul3A_861 : i32
    %add3A_863 = arith.constant 31 : i32
    %add3A_864 = arith.addi %mul3A_862, %add3A_863 : i32
    %mul3A_865 = arith.constant 16 : i32
    %mul3A_866 = arith.muli %add3A_864, %mul3A_865 : i32
    %dma_start3A_867 = arith.constant 0 : i32
    %dma_start3A_868 = tpu.memref_slice %arg4[%mul3A_866, %dma_start3A_867] : memref<16384x1024xf32, #tpu.memory_space<hbm>> -> memref<16x1024xf32, #tpu.memory_space<hbm>>
    %dma_start3A_869 = arith.constant 0 : i32
    %dma_start3A_870 = tpu.memref_slice %arg4[%mul3A_866, %dma_start3A_869] : memref<16384x1024xf32, #tpu.memory_space<hbm>> -> memref<16x1024xf32, #tpu.memory_space<hbm>>
    tpu.enqueue_dma source(%arg7 : memref<16x1024xf32, #tpu.memory_space<vmem>>) target(%dma_start3A_870 : memref<16x1024xf32, #tpu.memory_space<hbm>>) target_semaphore(%arg19 : memref<!tpu.dma_semaphore, #tpu.memory_space<semaphore_mem>>)
    %dma_wait3A_871 = arith.constant 0 : i32
    %dma_wait3A_872 = tpu.memref_slice %arg4[%mul3A_770, %dma_wait3A_871] : memref<16384x1024xf32, #tpu.memory_space<hbm>> -> memref<16x1024xf32, #tpu.memory_space<hbm>>
    %dma_wait3A_873 = arith.constant 0 : i32
    %dma_wait3A_874 = tpu.memref_slice %arg4[%mul3A_770, %dma_wait3A_873] : memref<16384x1024xf32, #tpu.memory_space<hbm>> -> memref<16x1024xf32, #tpu.memory_space<hbm>>
    tpu.wait_dma2 semaphore(%arg20 : memref<!tpu.dma_semaphore, #tpu.memory_space<semaphore_mem>>) src(%arg8 : memref<16x1024xf32, #tpu.memory_space<vmem>>) dst(%dma_wait3A_874 : memref<16x1024xf32, #tpu.memory_space<hbm>>)
    %dma_wait3A_875 = arith.constant 0 : i32
    %dma_wait3A_876 = tpu.memref_slice %arg4[%mul3A_798, %dma_wait3A_875] : memref<16384x1024xf32, #tpu.memory_space<hbm>> -> memref<16x1024xf32, #tpu.memory_space<hbm>>
    %dma_wait3A_877 = arith.constant 0 : i32
    %dma_wait3A_878 = tpu.memref_slice %arg4[%mul3A_798, %dma_wait3A_877] : memref<16384x1024xf32, #tpu.memory_space<hbm>> -> memref<16x1024xf32, #tpu.memory_space<hbm>>
    tpu.wait_dma2 semaphore(%arg21 : memref<!tpu.dma_semaphore, #tpu.memory_space<semaphore_mem>>) src(%arg9 : memref<16x1024xf32, #tpu.memory_space<vmem>>) dst(%dma_wait3A_878 : memref<16x1024xf32, #tpu.memory_space<hbm>>)
    %dma_wait3A_879 = arith.constant 0 : i32
    %dma_wait3A_880 = tpu.memref_slice %arg4[%mul3A_815, %dma_wait3A_879] : memref<16384x1024xf32, #tpu.memory_space<hbm>> -> memref<16x1024xf32, #tpu.memory_space<hbm>>
    %dma_wait3A_881 = arith.constant 0 : i32
    %dma_wait3A_882 = tpu.memref_slice %arg4[%mul3A_815, %dma_wait3A_881] : memref<16384x1024xf32, #tpu.memory_space<hbm>> -> memref<16x1024xf32, #tpu.memory_space<hbm>>
    tpu.wait_dma2 semaphore(%arg22 : memref<!tpu.dma_semaphore, #tpu.memory_space<semaphore_mem>>) src(%arg10 : memref<16x1024xf32, #tpu.memory_space<vmem>>) dst(%dma_wait3A_882 : memref<16x1024xf32, #tpu.memory_space<hbm>>)
    %dma_wait3A_883 = arith.constant 0 : i32
    %dma_wait3A_884 = tpu.memref_slice %arg4[%mul3A_832, %dma_wait3A_883] : memref<16384x1024xf32, #tpu.memory_space<hbm>> -> memref<16x1024xf32, #tpu.memory_space<hbm>>
    %dma_wait3A_885 = arith.constant 0 : i32
    %dma_wait3A_886 = tpu.memref_slice %arg4[%mul3A_832, %dma_wait3A_885] : memref<16384x1024xf32, #tpu.memory_space<hbm>> -> memref<16x1024xf32, #tpu.memory_space<hbm>>
    tpu.wait_dma2 semaphore(%arg23 : memref<!tpu.dma_semaphore, #tpu.memory_space<semaphore_mem>>) src(%arg11 : memref<16x1024xf32, #tpu.memory_space<vmem>>) dst(%dma_wait3A_886 : memref<16x1024xf32, #tpu.memory_space<hbm>>)
    %dma_wait3A_887 = arith.constant 0 : i32
    %dma_wait3A_888 = tpu.memref_slice %arg4[%mul3A_849, %dma_wait3A_887] : memref<16384x1024xf32, #tpu.memory_space<hbm>> -> memref<16x1024xf32, #tpu.memory_space<hbm>>
    %dma_wait3A_889 = arith.constant 0 : i32
    %dma_wait3A_890 = tpu.memref_slice %arg4[%mul3A_849, %dma_wait3A_889] : memref<16384x1024xf32, #tpu.memory_space<hbm>> -> memref<16x1024xf32, #tpu.memory_space<hbm>>
    tpu.wait_dma2 semaphore(%arg18 : memref<!tpu.dma_semaphore, #tpu.memory_space<semaphore_mem>>) src(%arg6 : memref<16x1024xf32, #tpu.memory_space<vmem>>) dst(%dma_wait3A_890 : memref<16x1024xf32, #tpu.memory_space<hbm>>)
    %dma_wait3A_891 = arith.constant 0 : i32
    %dma_wait3A_892 = tpu.memref_slice %arg4[%mul3A_866, %dma_wait3A_891] : memref<16384x1024xf32, #tpu.memory_space<hbm>> -> memref<16x1024xf32, #tpu.memory_space<hbm>>
    %dma_wait3A_893 = arith.constant 0 : i32
    %dma_wait3A_894 = tpu.memref_slice %arg4[%mul3A_866, %dma_wait3A_893] : memref<16384x1024xf32, #tpu.memory_space<hbm>> -> memref<16x1024xf32, #tpu.memory_space<hbm>>
    tpu.wait_dma2 semaphore(%arg19 : memref<!tpu.dma_semaphore, #tpu.memory_space<semaphore_mem>>) src(%arg7 : memref<16x1024xf32, #tpu.memory_space<vmem>>) dst(%dma_wait3A_894 : memref<16x1024xf32, #tpu.memory_space<hbm>>)
    return
  }
}

</mosaic_0001>

<sc_bundles>
// kernel: kernel.3.cloned.1.call-start
scs
__scs_entry_jumppad:
0x0: {  	(pc) =	sbr.rel $0x88, $3  }
0x1: {  	(tag) =	ssettag $0x0;
	lr =	simm.s32 $0x1  }
0x2: {  	[smem:$0x3F9F] =	sst lr;
	_ =	strace $0xD0000000  }
0x3: {  	_ = 	snop  }
0x4: {  	_ = 	snop  }
0x5: {  	_ = 	snop  }
0x6: {  	_ = 	snop  }
0x7: {  	_ = 	snop  }
__scs_overlays_trampoline_lowered:
0x8: {  	[smem:$0x3FAE] =	sst s0  }
0x9: {  	[smem:$0x3FAF] =	sst s1  }
0xa: {  	[smem:$0x3FB0] =	sst s2  }
0xb: {  	[smem:$0x3FB1] =	sst s3  }
0xc: {  	[smem:$0x3FB2] =	sst s4  }
0xd: {  	[smem:$0x3FB3] =	sst s5  }
0xe: {  	[smem:$0x3FB4] =	sst s6  }
0xf: {  	[smem:$0x3FB5] =	sst s7  }
0x10: {  	[smem:$0x3FB6] =	sst s8  }
0x11: {  	[smem:$0x3FB7] =	sst s9;
	s0 =	simm.s32 @!p0 $0x0  }
0x12: {  	s1 =	sld [smem:$0x3F9D];
	s0 =	simm.s32 @p0 $0x1  }
0x13: {  	[smem:$0x3FB8] =	sst s0;
	s0 =	simm.s32 @!p1 $0x0  }
0x14: {  	s2 =	sld [smem:$0x3F9C];
	s0 =	simm.s32 @p1 $0x1  }
0x15: {  	[smem:$0x3FB9] =	sst s0;
	s0 =	simm.s32 @!p2 $0x0  }
0x16: {  	s3 =	sld [smem:$0x3FDB];
	s0 =	simm.s32 @p2 $0x1  }
0x17: {  	s4 =	simm.s32 $0x1BF5;
	[smem:$0x3FBB] =	sst s0  }
0x18: {  	s0 =	sld [smem:$0x3F9E];
	_ =	swait.ge [sflag:s4], $0x0  }
0x19: {  	s7 =	sld [smem:$0x3F9F]  }
0x1a: {  	s8 =	sadd.s32 $0xFFFFE003, lr  }
0x1b: {  	s9 =	sadd.s32 $0xFFFFFEF7, lr;
	s5 =	simm.s32 $0xFFFFFFFF;
	p2 =	slt.u32 s8, $0xFFFFF086  }
0x1c: {  	p1 =	slt.u32 s9, $0xF7A;
	s5 =	simm.s32 @!p2 $0x0  }
0x1d: {  	s5 =	simm.s32 @p1 $0x1;
	p0 =	seq.s32 s7, s2  }
0x1e: {  	s7 =	smul.u32 @!p0 $0xF7A, s2;
	p2 =	seq.s32 @!p0 s5, $0x0  }
0x1f: {  	s9 =	smul.u32 $0xF7A, s1;
	s8 =	simm.s32 @!p0 $0x1BF5;
	p2 =	por !p2, p0  }
0x20: {  	[sflag:s8] =	ssyncset.s32 @!p0 $0xFFFFF086;
	s6 =	sadd.s32 @!p0 s3, s7;
	s7 =	simm.s32 @!p0 $0x108  }
0x21: {  	s3 =	sadd.s32 s3, s9;
	s6 =	sadd.s32 @!p0 $0x88, s6;
	s7 =	simm.s32 @p2 $0x1082  }
0x22: {  	[simem:s7], [sflag:s8] =	dma.local @!p0 [hbm:s6], $0xF7A  }
0x23: {  	s9 =	sor.u32 $0xD0000000, s2;
	s6 =	simm.s32 $0x108;
	_ =	swait.ge @!p0 [sflag:s8], $0x0  }
0x24: {  	s3 =	sadd.s32 $0x88, s3;
	s6 =	simm.s32 @!p1 $0x1082;
	[sflag:s4] =	ssyncset.s32 $0xFFFFF086  }
0x25: {  	[simem:s6], [sflag:s4] =	dma.local [hbm:s3], $0xF7A  }
0x26: {  	[smem:$0x3F9F] =	sst s1;
	(tag) =	ssettag s2;
	_ =	strace s9  }
0x27: {  	s1 =	sld [smem:$0x3FAF]  }
0x28: {  	s2 =	sld [smem:$0x3FB0]  }
0x29: {  	s4 =	sld [smem:$0x3FB2]  }
0x2a: {  	p0 =	seq.s32 s5, $0x0;
	s5 =	sld [smem:$0x3FB3]  }
0x2b: {  	s6 =	sld [smem:$0x3FB4]  }
0x2c: {  	s7 =	sld [smem:$0x3FB5]  }
0x2d: {  	s3 =	simm.s32 $0x108;
	s8 =	sld [smem:$0x3FB6]  }
0x2e: {  	s3 =	simm.s32 @!p0 $0x1082;
	s9 =	sld [smem:$0x3FB7]  }
0x2f: {  	lr =	sadd.s32 s0, s3;
	s0 =	sld [smem:$0x3FAE]  }
0x30: {  	s3 =	sld [smem:$0x3FB1]  }
0x31: {  	[smem:$0x3FBA] =	sst s10  }
0x32: {  	s10 =	sld [smem:$0x3FB8];
	_ =	sdelay $0x3  }
0x33: {  	p0 =	seq.s32 s10, $0x1;
	s10 =	sld [smem:$0x3FBA];
	_ =	sdelay $0x3  }
0x34: {  	[smem:$0x3FBA] =	sst s10  }
0x35: {  	s10 =	sld [smem:$0x3FB9];
	_ =	sdelay $0x3  }
0x36: {  	p1 =	seq.s32 s10, $0x1;
	s10 =	sld [smem:$0x3FBA];
	_ =	sdelay $0x3  }
0x37: {  	[smem:$0x3FBA] =	sst s10  }
0x38: {  	s10 =	sld [smem:$0x3FBB]  }
0x39: {  	_ = 	snop;
	(pc) =	sbr.ind lr, $3  }
0x3a: {  	_ = 	snop  }
0x3b: {  	_ = 	snop  }
0x3c: {  	p2 =	seq.s32 s10, $0x1;
	s10 =	sld [smem:$0x3FBA]  }
0x3d: {  	_ =	shalt  }
0x3e: {  	_ =	shalt  }
0x3f: {  	_ =	shalt  }
0x40: {  	_ =	shalt  }
0x41: {  	_ =	shalt  }
0x42: {  	_ =	shalt  }
0x43: {  	_ =	shalt  }
0x44: {  	_ =	shalt  }
0x45: {  	_ =	shalt  }
0x46: {  	_ =	shalt  }
0x47: {  	_ =	shalt  }
0x48: {  	_ =	shalt  }
0x49: {  	_ =	shalt  }
0x4a: {  	_ =	shalt  }
0x4b: {  	_ =	shalt  }
0x4c: {  	_ =	shalt  }
0x4d: {  	_ =	shalt  }
0x4e: {  	_ =	shalt  }
0x4f: {  	_ =	shalt  }
0x50: {  	_ =	shalt  }
0x51: {  	_ =	shalt  }
0x52: {  	_ =	shalt  }
0x53: {  	_ =	shalt  }
0x54: {  	_ =	shalt  }
0x55: {  	_ =	shalt  }
0x56: {  	_ =	shalt  }
0x57: {  	_ =	shalt  }
0x58: {  	_ =	shalt  }
0x59: {  	_ =	shalt  }
0x5a: {  	_ =	shalt  }
0x5b: {  	_ =	shalt  }
0x5c: {  	_ =	shalt  }
0x5d: {  	_ =	shalt  }
0x5e: {  	_ =	shalt  }
0x5f: {  	_ =	shalt  }
0x60: {  	_ =	shalt  }
0x61: {  	_ =	shalt  }
0x62: {  	_ =	shalt  }
0x63: {  	_ =	shalt  }
0x64: {  	_ =	shalt  }
0x65: {  	_ =	shalt  }
0x66: {  	_ =	shalt  }
0x67: {  	_ =	shalt  }
0x68: {  	_ =	shalt  }
0x69: {  	_ =	shalt  }
0x6a: {  	_ =	shalt  }
0x6b: {  	_ =	shalt  }
0x6c: {  	_ =	shalt  }
0x6d: {  	_ =	shalt  }
0x6e: {  	_ =	shalt  }
0x6f: {  	_ =	shalt  }
0x70: {  	_ =	shalt  }
0x71: {  	_ =	shalt  }
0x72: {  	_ =	shalt  }
0x73: {  	_ =	shalt  }
0x74: {  	_ =	shalt  }
0x75: {  	_ =	shalt  }
0x76: {  	_ =	shalt  }
0x77: {  	_ =	shalt  }
0x78: {  	_ =	shalt  }
0x79: {  	_ =	shalt  }
0x7a: {  	_ =	shalt  }
0x7b: {  	_ =	shalt  }
0x7c: {  	_ =	shalt  }
0x7d: {  	_ =	shalt  }
0x7e: {  	_ =	shalt  }
0x7f: {  	_ =	shalt  }
0x80: {  	_ =	shalt  }
0x81: {  	_ =	shalt  }
0x82: {  	_ =	shalt  }
0x83: {  	_ =	shalt  }
0x84: {  	_ =	shalt  }
0x85: {  	_ =	shalt  }
0x86: {  	_ =	shalt  }
0x87: {  	_ =	shalt  }
.Lfunc_end0:
.L_simem_size_0:
called_computation_lowered:
.L_overlay_start_0:
0x88: {  	s2 =	sld [smem:$0x3FD9]  }
0x89: {  	s3 =	sld [smem:$0x3FFE];
	_ =	sdelay $0x1  }
0x8a: {  	s1 =	srdreg.scid  }
0x8b: {  	s0 =	sand.u32 $0x1, s1  }
0x8c: {  	s17 =	sshll.u32 s0, $0xA;
	s2 =	sadd.s32 s3, s2  }
0x8d: {  	s2 =	sadd.s32 s2, s17  }
0x8e: {  	[smem:$0x3FC6] =	sst s2  }
0x8f: {  	_ = 	snop  }
0x90: {  	s2 =	sld [smem:$0x3FC8]  }
0x91: {  	s18 =	sld [smem:$0x3FD0];
	(tm) =	ssettm $0x1  }
0x92: {  	s4 =	sld [smem:$0x3FFB];
	_ =	sdelay $0x3  }
0x93: {  	_ =	strace s4  }
0x94: {  	s4 =	sld [smem:$0x3FFC];
	_ =	sdelay $0x3  }
0x95: {  	_ =	strace s4  }
0x96: {  	s4 =	sld [smem:$0x3FFD];
	_ =	sdelay $0x3  }
0x97: {  	_ =	strace s4  }
0x98: {  	_ =	strace $0x8FFFFFFF  }
0x99: {  	s19 =	sld [smem:$0x3FDB];
	_ =	sdelay $0x1  }
0x9a: {  	s5 =	simm.s32 $_scs_section_size  }
0x9b: {  	s6 =	simm.s32 $_size__tile_overlayer_lowered;
	s7 =	simm.s32 $_tile_overlayer_lowered  }
0x9c: {  	s22 =	simm.s32 $0x1BFF;
	s21 =	sshll.u32 s7, $0x1;
	s4 =	sadd.s32 s5, s19  }
0x9d: {  	s8 =	simm.s32 $0x0;
	s20 =	sshll.u32 s6, $0x1;
	s6 =	sadd.s32 s21, s4  }
0x9e: {  	[timem:s8], [sflag:s22] =	dma.local [hbm:s6], s20  }
0x9f: {  	_ =	swait.ge [sflag:s22], s20  }
0xa0: {  	s5 =	ssub.s32 $0x0, s20;
	[sflag:s22] =	ssyncset.done $0x0  }
0xa1: {  	[sflag:s22] =	ssyncadd.s32 s5;
	_ =	sdelay $0x1  }
0xa2: {  	s23 =	simm.s32 $0x1B8B  }
0xa3: {  	_ =	swait.ge [sflag:s23], $0x1  }
0xa4: {  	[sflag:s23] =	ssyncset.done $0x0  }
0xa5: {  	s25 =	simm.s32 $0x1B8E;
	s24 =	sld [smem:$0x3FFE];
	[sflag:s23] =	ssyncadd.s32 $0xFFFFFFFF  }
0xa6: {  	s26 =	simm.s32 $execute0_lowered;
	[smem:$0x3FD2] =	sst s25  }
0xa7: {  	s6 =	sshll.u32 s26, $0x1;
	_ =	strace $0x80000046;
	[dreg:$0x1] =	wrdreg $0xFFFFFFFF  }
0xa8: {  	s28 =	simm.s32 $_size_execute0_lowered;
	s4 =	sadd.s32 s4, s6;
	[dreg:$0x0] =	wrdreg $0x0  }
0xa9: {  	s6 =	sshll.u32 s28, $0x1;
	[dreg:$0x2] =	wrdreg s4  }
0xaa: {  	[dreg:$0x3] =	wrdreg s6  }
0xab: {  	[dreg:$0x4] =	wrdreg $0xC0  }
0xac: {  	_ =	task [dreg:s8], $0x5FFFF  }
0xad: {  	[dreg:$0x1] =	wrdreg $0xFFFFFFFF  }
0xae: {  	[dreg:$0x0] =	wrdreg $0x60  }
0xaf: {  	[dreg:$0x2] =	wrdreg s24  }
0xb0: {  	[dreg:$0x3] =	wrdreg s2  }
0xb1: {  	[dreg:$0x4] =	wrdreg s18  }
0xb2: {  	[dreg:$0x5] =	wrdreg $0x9  }
0xb3: {  	_ =	task.clear_ibuf [dreg:s8], $0x6FFFF;
	_ =	strace $0x90000046  }
0xb4: {  	s29 =	simm.s32 $0x9;
	_ =	strace $0x80000048  }
0xb5: {  	_ =	swait.ge [sflag:s29], $0x1  }
0xb6: {  	[sflag:s29] =	ssyncadd.s32 $0xFFFFFFFF  }
0xb7: {  	_ =	strace $0x90000048  }
0xb8: {  	_ =	sfence  }
0xb9: {  	s30 =	sld [smem:$0x0];
	_ =	sdelay $0x2  }
0xba: {  	s31 =	sshll.u32 s1, $0xD;
	s1 =	sshrl.u32 s1, $0x2  }
0xbb: {  	s3 =	sand.u32 $0x4000, s31;
	s1 =	sadd.s32 s1, s30  }
0xbc: {  	s0 =	sor.u32 s3, s0;
	s1 =	sshll.u32 s1, $0x11  }
0xbd: {  	s0 =	sor.u32 s1, s0  }
0xbe: {  	s0 =	sadd.s32 $0x8F2B, s0  }
0xbf: {  	[sflag:s0] =	ssyncadd.remote.s32 $0x1  }
0xc0: {  	_ =	sfence.sel $0xFFFF  }
0xc1: {  	[dreg:$0x0] =	wrdreg $0xFFFFFFFF;
	(pc) =	sbr.abs _section_cstart, $3  }
0xc2: {  	[dreg:$0x1] =	wrdreg $0xFFFFFFFF  }
0xc3: {  	_ =	task.clear_ibuf [dreg:s8], $0x2FFFF;
	_ =	strace $0x9FFFFFFF  }
0xc4: {  	(tm) =	ssettm $0x7FFFFFFF  }
0xc5: {  	_ =	shalt  }
tec
execute0_lowered:
.L_overlay_start_1:
0x0: {  	(tag) =	ssettag $0x1  }
0x1: {  	s1 =	rddreg [dreg:$0x0]  }
0x2: {  	s0 =	srdreg.scid;
	s3 =	stileid.u32  }
0x3: {  	s2 =	rddreg [dreg:$0x1];
	s0 =	sand.u32 $0x1, s0;
	s3 =	sshll.u32 s3, $0x1  }
0x4: {  	s4 =	rddreg [dreg:$0x2];
	s5 =	sor.u32 s0, s3  }
0x5: {  	s3 =	simm.s32 $0x0;
	s6 =	sshll.u32 s5, $0x9;
	s5 =	sshll.u32 s5, $0x10  }
0x6: {  	[smem:$0x7FF] =	sst s3;
	s1 =	sadd.s32 s6, s1;
	s8 =	sadd.s32 s4, s5  }
0x7: {  	_ =	strace $0x80000047;
	s1 =	sadd.s32 $0x400, s1;
	[smem:$0x7FC] =	sst s8  }
0x8: {  	s21 =	sadd.s32 $0x800, s8;
	[dreg:$0x4] =	wrdreg s1  }
0x9: {  	s22 =	sadd.s32 $0x1000, s8;
	[dreg:$0x5] =	wrdreg s21  }
0xa: {  	s23 =	sadd.s32 $0x1800, s8;
	[dreg:$0x6] =	wrdreg s22  }
0xb: {  	s24 =	sadd.s32 $0x2000, s8;
	[dreg:$0x7] =	wrdreg s23  }
0xc: {  	s25 =	sadd.s32 $0x2800, s8;
	[dreg:$0x8] =	wrdreg s24  }
0xd: {  	s26 =	sadd.s32 $0x3000, s8;
	[dreg:$0x9] =	wrdreg s25  }
0xe: {  	s28 =	sadd.s32 $0x3800, s8;
	[dreg:$0xa] =	wrdreg s26  }
0xf: {  	s31 =	sadd.s32 $0x4000, s8;
	[dreg:$0xb] =	wrdreg s28  }
0x10: {  	s4 =	sadd.s32 $0x4800, s8;
	[dreg:$0xc] =	wrdreg s31  }
0x11: {  	s5 =	sadd.s32 $0x5000, s8;
	[dreg:$0xd] =	wrdreg s4  }
0x12: {  	s6 =	sadd.s32 $0x5800, s8;
	[dreg:$0xe] =	wrdreg s5  }
0x13: {  	s7 =	sadd.s32 $0x6000, s8;
	[dreg:$0xf] =	wrdreg s6  }
0x14: {  	s9 =	sadd.s32 $0x6800, s8;
	[dreg:$0x10] =	wrdreg s7  }
0x15: {  	s10 =	sadd.s32 $0x7000, s8;
	[dreg:$0x11] =	wrdreg s9  }
0x16: {  	s11 =	sadd.s32 $0x7800, s8;
	[dreg:$0x12] =	wrdreg s10  }
0x17: {  	s12 =	sadd.s32 $0x8000, s8;
	[dreg:$0x13] =	wrdreg s11  }
0x18: {  	s13 =	sadd.s32 $0x8800, s8;
	[dreg:$0x14] =	wrdreg s12  }
0x19: {  	s14 =	sadd.s32 $0x9000, s8;
	[dreg:$0x15] =	wrdreg s13  }
0x1a: {  	s15 =	sadd.s32 $0x9800, s8;
	[dreg:$0x16] =	wrdreg s14  }
0x1b: {  	s16 =	sadd.s32 $0xA000, s8;
	[dreg:$0x17] =	wrdreg s15  }
0x1c: {  	s17 =	sadd.s32 $0xA800, s8;
	[dreg:$0x18] =	wrdreg s16  }
0x1d: {  	s18 =	sadd.s32 $0xB000, s8;
	[dreg:$0x19] =	wrdreg s17  }
0x1e: {  	s19 =	sadd.s32 $0xB800, s8;
	[dreg:$0x1a] =	wrdreg s18  }
0x1f: {  	s30 =	simm.s32 $0x1;
	s20 =	sadd.s32 $0xC000, s8;
	[dreg:$0x1b] =	wrdreg s19  }
0x20: {  	s29 =	simm.s32 $0x2;
	s0 =	ssub.s32 $0x2, s0;
	[dreg:$0x1c] =	wrdreg s20  }
0x21: {  	s21 =	sadd.s32 $0xC800, s8;
	s22 =	sadd.s32 $0xD000, s8;
	s23 =	sshrl.u32 s0, $0x1  }
0x22: {  	s24 =	sadd.s32 $0xD800, s8;
	s25 =	sadd.s32 $0xE000, s8;
	s5 =	sadd.s32 $0x100, s2  }
0x23: {  	s26 =	sadd.s32 $0xE800, s8;
	s6 =	sadd.s32 $0x200, s2;
	s28 =	sadd.s32 $0xF000, s8  }
0x24: {  	s7 =	sadd.s32 $0x300, s2;
	s31 =	sadd.s32 $0xF800, s8;
	[dreg:$0x1d] =	wrdreg s21  }
0x25: {  	s1 =	simm.s32 $0x7;
	s9 =	simm.s32 $0x8;
	[dreg:$0x1e] =	wrdreg s22  }
0x26: {  	s11 =	simm.s32 $0x4;
	s12 =	simm.s32 $0x9;
	[dreg:$0x1f] =	wrdreg s24  }
0x27: {  	s13 =	simm.s32 $0x5;
	s14 =	simm.s32 $0xA;
	[smem:$0x7F9] =	sst s25  }
0x28: {  	v2 =	vlaneseq.u32;
	s15 =	simm.s32 $0x6;
	s16 =	simm.s32 $0xB;
	[smem:$0x7FA] =	sst s26  }
0x29: {  	vm0 =	vmmov $0xffff;
	v1 =	vshrl.u32 v2, $0x3;
	s17 =	simm.s32 $0xC;
	s0 =	ssub.s32 s0, s23;
	[smem:$0x7FB] =	sst s28  }
0x2a: {  	v0 =	vand.u32 $0x7, v2;
	v2 =	vor.u32 $0x8, v2;
	v1 =	vmul.u32 $0x8, v1;
	[smem:$0x7FD] =	sst s31;
	s23 =	simm.s32 $0x3;
	s4 =	smax.u32 s0, $0x1  }
.LBB2_1:
0x2b: {  	[smem:$0x7F8] =	sst s4  }
0x2c: {  	s19 =	rddreg [dreg:$0x4];
	s25 =	simm.s32 $0xD  }
0x2d: {  	[tilespmem:s3], [sflag:$0xD] =	stream.linear.gather [hbm4b:s19+s3], $0x1000, $0x38;
	[tilespmem:$0x19000] =	vst v63  }
0x2e: {  	_ =	swait.ge [sflag:s25], $0x1000  }
0x2f: {  	[sflag:s25] =	ssyncset.done $0x0  }
0x30: {  	[sflag:s25] =	ssyncadd.s32 $0xFFFFF000  }
0x31: {  	v3 =	vld [tilespmem:$0x0];
	_ =	sdelay $0x4  }
0x32: {  	v4 =	vshll.u32 v3, $0x3  }
0x33: {  	v3 =	vand.u32 $0x7, v3;
	v4 =	vand.u32 $0xFFFFFFC0, v4  }
0x34: {  	v3 =	vor.u32 v3, v4  }
0x35: {  	v4 =	vperm.xlane v3, v0;
	_ =	sdelay $0x1  }
0x36: {  	v4 =	vadd.s32 v1, v4;
	_ =	sdelay $0x3  }
0x37: {  	s26 =	simm.s32 $0x1000  }
0x38: {  	[tilespmem:s26], [sflag:$0x1] =	stream.indirect_vreg.gather [hbm4b:s2+s3], $0x80, v4, vm0, $0xb8;
	[tilespmem:$0x19000] =	vst v63  }
0x39: {  	s28 =	simm.s32 $0x1800;
	v3 =	vperm.xlane v3, v2  }
0x3a: {  	[tilespmem:s28], [sflag:$0x1] =	stream.indirect_vreg.gather [hbm4b:s5+s3], $0x80, v4, vm0, $0xb8;
	[tilespmem:$0x19000] =	vst v63  }
0x3b: {  	s31 =	simm.s32 $0x2000;
	v3 =	vadd.s32 v1, v3  }
0x3c: {  	[tilespmem:s31], [sflag:$0x1] =	stream.indirect_vreg.gather [hbm4b:s6+s3], $0x80, v4, vm0, $0xb8;
	[tilespmem:$0x19000] =	vst v63  }
0x3d: {  	s0 =	simm.s32 $0x2800  }
0x3e: {  	[tilespmem:s0], [sflag:$0x1] =	stream.indirect_vreg.gather [hbm4b:s7+s3], $0x80, v4, vm0, $0xb8;
	[tilespmem:$0x19000] =	vst v63  }
0x3f: {  	s8 =	simm.s32 $0x3000  }
0x40: {  	[tilespmem:s8], [sflag:$0x1] =	stream.indirect_vreg.gather [hbm4b:s2+s3], $0x80, v3, vm0, $0xb8;
	[tilespmem:$0x19000] =	vst v63  }
0x41: {  	s10 =	simm.s32 $0x3800  }
0x42: {  	[tilespmem:s10], [sflag:$0x1] =	stream.indirect_vreg.gather [hbm4b:s5+s3], $0x80, v3, vm0, $0xb8;
	[tilespmem:$0x19000] =	vst v63  }
0x43: {  	s18 =	simm.s32 $0x4000  }
0x44: {  	[tilespmem:s18], [sflag:$0x1] =	stream.indirect_vreg.gather [hbm4b:s6+s3], $0x80, v3, vm0, $0xb8;
	[tilespmem:$0x19000] =	vst v63  }
0x45: {  	s19 =	simm.s32 $0x4800  }
0x46: {  	[tilespmem:s19], [sflag:$0x1] =	stream.indirect_vreg.gather [hbm4b:s7+s3], $0x80, v3, vm0, $0xb8;
	[tilespmem:$0x19000] =	vst v63  }
0x47: {  	v3 =	vld [tilespmem:$0x80];
	_ =	sdelay $0x4  }
0x48: {  	v33 =	vshll.u32 v3, $0x3  }
0x49: {  	v3 =	vand.u32 $0x7, v3;
	v4 =	vand.u32 $0xFFFFFFC0, v33  }
0x4a: {  	v3 =	vor.u32 v3, v4  }
0x4b: {  	v4 =	vperm.xlane v3, v0;
	_ =	sdelay $0x1  }
0x4c: {  	v4 =	vadd.s32 v1, v4;
	_ =	sdelay $0x3  }
0x4d: {  	s0 =	simm.s32 $0x5000  }
0x4e: {  	[tilespmem:s0], [sflag:$0x2] =	stream.indirect_vreg.gather [hbm4b:s2+s3], $0x80, v4, vm0, $0xb8;
	[tilespmem:$0x19000] =	vst v63  }
0x4f: {  	s20 =	simm.s32 $0x5800;
	v3 =	vperm.xlane v3, v2  }
0x50: {  	[tilespmem:s20], [sflag:$0x2] =	stream.indirect_vreg.gather [hbm4b:s5+s3], $0x80, v4, vm0, $0xb8;
	[tilespmem:$0x19000] =	vst v63  }
0x51: {  	s28 =	simm.s32 $0x6000;
	v3 =	vadd.s32 v1, v3  }
0x52: {  	[tilespmem:s28], [sflag:$0x2] =	stream.indirect_vreg.gather [hbm4b:s6+s3], $0x80, v4, vm0, $0xb8;
	[tilespmem:$0x19000] =	vst v63  }
0x53: {  	s31 =	simm.s32 $0x6800  }
0x54: {  	[tilespmem:s31], [sflag:$0x2] =	stream.indirect_vreg.gather [hbm4b:s7+s3], $0x80, v4, vm0, $0xb8;
	[tilespmem:$0x19000] =	vst v63  }
0x55: {  	s0 =	simm.s32 $0x7000  }
0x56: {  	[tilespmem:s0], [sflag:$0x2] =	stream.indirect_vreg.gather [hbm4b:s2+s3], $0x80, v3, vm0, $0xb8;
	[tilespmem:$0x19000] =	vst v63  }
0x57: {  	s4 =	simm.s32 $0x7800  }
0x58: {  	[tilespmem:s4], [sflag:$0x2] =	stream.indirect_vreg.gather [hbm4b:s5+s3], $0x80, v3, vm0, $0xb8;
	[tilespmem:$0x19000] =	vst v63  }
0x59: {  	s10 =	simm.s32 $0x8000  }
0x5a: {  	[tilespmem:s10], [sflag:$0x2] =	stream.indirect_vreg.gather [hbm4b:s6+s3], $0x80, v3, vm0, $0xb8;
	[tilespmem:$0x19000] =	vst v63  }
0x5b: {  	s18 =	simm.s32 $0x8800  }
0x5c: {  	[tilespmem:s18], [sflag:$0x2] =	stream.indirect_vreg.gather [hbm4b:s7+s3], $0x80, v3, vm0, $0xb8;
	[tilespmem:$0x19000] =	vst v63  }
0x5d: {  	v3 =	vld [tilespmem:$0x100];
	_ =	sdelay $0x4  }
0x5e: {  	v34 =	vshll.u32 v3, $0x3  }
0x5f: {  	v3 =	vand.u32 $0x7, v3;
	v4 =	vand.u32 $0xFFFFFFC0, v34  }
0x60: {  	v3 =	vor.u32 v3, v4  }
0x61: {  	v4 =	vperm.xlane v3, v0;
	_ =	sdelay $0x1  }
0x62: {  	v4 =	vadd.s32 v1, v4;
	_ =	sdelay $0x3  }
0x63: {  	s10 =	simm.s32 $0x9000  }
0x64: {  	[tilespmem:s10], [sflag:$0x3] =	stream.indirect_vreg.gather [hbm4b:s2+s3], $0x80, v4, vm0, $0xb8;
	[tilespmem:$0x19000] =	vst v63  }
0x65: {  	s20 =	simm.s32 $0x9800;
	v3 =	vperm.xlane v3, v2  }
0x66: {  	[tilespmem:s20], [sflag:$0x3] =	stream.indirect_vreg.gather [hbm4b:s5+s3], $0x80, v4, vm0, $0xb8;
	[tilespmem:$0x19000] =	vst v63  }
0x67: {  	s28 =	simm.s32 $0xA000;
	v3 =	vadd.s32 v1, v3  }
0x68: {  	[tilespmem:s28], [sflag:$0x3] =	stream.indirect_vreg.gather [hbm4b:s6+s3], $0x80, v4, vm0, $0xb8;
	[tilespmem:$0x19000] =	vst v63  }
0x69: {  	s31 =	simm.s32 $0xA800  }
0x6a: {  	[tilespmem:s31], [sflag:$0x3] =	stream.indirect_vreg.gather [hbm4b:s7+s3], $0x80, v4, vm0, $0xb8;
	[tilespmem:$0x19000] =	vst v63  }
0x6b: {  	s4 =	simm.s32 $0xB000  }
0x6c: {  	[tilespmem:s4], [sflag:$0x3] =	stream.indirect_vreg.gather [hbm4b:s2+s3], $0x80, v3, vm0, $0xb8;
	[tilespmem:$0x19000] =	vst v63  }
0x6d: {  	s10 =	simm.s32 $0xB800  }
0x6e: {  	[tilespmem:s10], [sflag:$0x3] =	stream.indirect_vreg.gather [hbm4b:s5+s3], $0x80, v3, vm0, $0xb8;
	[tilespmem:$0x19000] =	vst v63  }
0x6f: {  	s19 =	simm.s32 $0xC000  }
0x70: {  	[tilespmem:s19], [sflag:$0x3] =	stream.indirect_vreg.gather [hbm4b:s6+s3], $0x80, v3, vm0, $0xb8;
	[tilespmem:$0x19000] =	vst v63  }
0x71: {  	s20 =	simm.s32 $0xC800  }
0x72: {  	[tilespmem:s20], [sflag:$0x3] =	stream.indirect_vreg.gather [hbm4b:s7+s3], $0x80, v3, vm0, $0xb8;
	[tilespmem:$0x19000] =	vst v63  }
0x73: {  	v3 =	vld [tilespmem:$0x180];
	_ =	sdelay $0x4  }
0x74: {  	v35 =	vshll.u32 v3, $0x3  }
0x75: {  	v3 =	vand.u32 $0x7, v3;
	v4 =	vand.u32 $0xFFFFFFC0, v35  }
0x76: {  	v3 =	vor.u32 v3, v4  }
0x77: {  	v4 =	vperm.xlane v3, v0;
	_ =	sdelay $0x1  }
0x78: {  	v4 =	vadd.s32 v1, v4;
	_ =	sdelay $0x3  }
0x79: {  	s4 =	simm.s32 $0xD000  }
0x7a: {  	[tilespmem:s4], [sflag:$0x4] =	stream.indirect_vreg.gather [hbm4b:s2+s3], $0x80, v4, vm0, $0xb8;
	[tilespmem:$0x19000] =	vst v63  }
0x7b: {  	s19 =	simm.s32 $0xD800;
	v3 =	vperm.xlane v3, v2  }
0x7c: {  	[tilespmem:s19], [sflag:$0x4] =	stream.indirect_vreg.gather [hbm4b:s5+s3], $0x80, v4, vm0, $0xb8;
	[tilespmem:$0x19000] =	vst v63  }
0x7d: {  	s0 =	simm.s32 $0xE000;
	v3 =	vadd.s32 v1, v3  }
0x7e: {  	[tilespmem:s0], [sflag:$0x4] =	stream.indirect_vreg.gather [hbm4b:s6+s3], $0x80, v4, vm0, $0xb8;
	[tilespmem:$0x19000] =	vst v63  }
0x7f: {  	s4 =	simm.s32 $0xE800  }
0x80: {  	[tilespmem:s4], [sflag:$0x4] =	stream.indirect_vreg.gather [hbm4b:s7+s3], $0x80, v4, vm0, $0xb8;
	[tilespmem:$0x19000] =	vst v63  }
0x81: {  	s19 =	simm.s32 $0xF000  }
0x82: {  	[tilespmem:s19], [sflag:$0x4] =	stream.indirect_vreg.gather [hbm4b:s2+s3], $0x80, v3, vm0, $0xb8;
	[tilespmem:$0x19000] =	vst v63  }
0x83: {  	s0 =	simm.s32 $0xF800  }
0x84: {  	[tilespmem:s0], [sflag:$0x4] =	stream.indirect_vreg.gather [hbm4b:s5+s3], $0x80, v3, vm0, $0xb8;
	[tilespmem:$0x19000] =	vst v63  }
0x85: {  	s4 =	simm.s32 $0x10000  }
0x86: {  	[tilespmem:s4], [sflag:$0x4] =	stream.indirect_vreg.gather [hbm4b:s6+s3], $0x80, v3, vm0, $0xb8;
	[tilespmem:$0x19000] =	vst v63  }
0x87: {  	s19 =	simm.s32 $0x10800  }
0x88: {  	[tilespmem:s19], [sflag:$0x4] =	stream.indirect_vreg.gather [hbm4b:s7+s3], $0x80, v3, vm0, $0xb8;
	[tilespmem:$0x19000] =	vst v63  }
0x89: {  	v3 =	vld [tilespmem:$0x200];
	_ =	sdelay $0x4  }
0x8a: {  	v36 =	vshll.u32 v3, $0x3  }
0x8b: {  	v3 =	vand.u32 $0x7, v3;
	v4 =	vand.u32 $0xFFFFFFC0, v36  }
0x8c: {  	v3 =	vor.u32 v3, v4  }
0x8d: {  	v4 =	vperm.xlane v3, v0;
	_ =	sdelay $0x1  }
0x8e: {  	v4 =	vadd.s32 v1, v4;
	_ =	sdelay $0x3  }
0x8f: {  	s0 =	simm.s32 $0x11000  }
0x90: {  	[tilespmem:s0], [sflag:$0x5] =	stream.indirect_vreg.gather [hbm4b:s2+s3], $0x80, v4, vm0, $0xb8;
	[tilespmem:$0x19000] =	vst v63  }
0x91: {  	s4 =	simm.s32 $0x11800;
	v3 =	vperm.xlane v3, v2  }
0x92: {  	[tilespmem:s4], [sflag:$0x5] =	stream.indirect_vreg.gather [hbm4b:s5+s3], $0x80, v4, vm0, $0xb8;
	[tilespmem:$0x19000] =	vst v63  }
0x93: {  	s19 =	simm.s32 $0x12000;
	v3 =	vadd.s32 v1, v3  }
0x94: {  	[tilespmem:s19], [sflag:$0x5] =	stream.indirect_vreg.gather [hbm4b:s6+s3], $0x80, v4, vm0, $0xb8;
	[tilespmem:$0x19000] =	vst v63  }
0x95: {  	s0 =	simm.s32 $0x12800  }
0x96: {  	[tilespmem:s0], [sflag:$0x5] =	stream.indirect_vreg.gather [hbm4b:s7+s3], $0x80, v4, vm0, $0xb8;
	[tilespmem:$0x19000] =	vst v63  }
0x97: {  	s4 =	simm.s32 $0x13000  }
0x98: {  	[tilespmem:s4], [sflag:$0x5] =	stream.indirect_vreg.gather [hbm4b:s2+s3], $0x80, v3, vm0, $0xb8;
	[tilespmem:$0x19000] =	vst v63  }
0x99: {  	s19 =	simm.s32 $0x13800  }
0x9a: {  	[tilespmem:s19], [sflag:$0x5] =	stream.indirect_vreg.gather [hbm4b:s5+s3], $0x80, v3, vm0, $0xb8;
	[tilespmem:$0x19000] =	vst v63  }
0x9b: {  	s0 =	simm.s32 $0x14000  }
0x9c: {  	[tilespmem:s0], [sflag:$0x5] =	stream.indirect_vreg.gather [hbm4b:s6+s3], $0x80, v3, vm0, $0xb8;
	[tilespmem:$0x19000] =	vst v63  }
0x9d: {  	s4 =	simm.s32 $0x14800  }
0x9e: {  	[tilespmem:s4], [sflag:$0x5] =	stream.indirect_vreg.gather [hbm4b:s7+s3], $0x80, v3, vm0, $0xb8;
	[tilespmem:$0x19000] =	vst v63  }
0x9f: {  	_ =	swait.ge [sflag:s30], $0x4000  }
0xa0: {  	s10 =	sld [smem:$0x7FC]  }
0xa1: {  	[sflag:s30] =	ssyncset.done $0x0  }
0xa2: {  	s4 =	simm.s32 $0x1000;
	[sflag:s30] =	ssyncadd.s32 $0xFFFFC000  }
0xa3: {  	[hbm4b:s10+s3] =	stream.linear.scatter [tilespmem:s4], [sflag:$0x7], $0x4000, $0x38;
	[tilespmem:$0x19000] =	vst v63  }
0xa4: {  	v3 =	vld [tilespmem:$0x280];
	_ =	sdelay $0x4  }
0xa5: {  	v37 =	vshll.u32 v3, $0x3  }
0xa6: {  	v3 =	vand.u32 $0x7, v3;
	v4 =	vand.u32 $0xFFFFFFC0, v37  }
0xa7: {  	v3 =	vor.u32 v3, v4  }
0xa8: {  	v4 =	vperm.xlane v3, v0;
	_ =	sdelay $0x1  }
0xa9: {  	v4 =	vadd.s32 v1, v4;
	_ =	sdelay $0x3  }
0xaa: {  	s19 =	simm.s32 $0x15000  }
0xab: {  	[tilespmem:s19], [sflag:$0x6] =	stream.indirect_vreg.gather [hbm4b:s2+s3], $0x80, v4, vm0, $0xb8;
	[tilespmem:$0x19000] =	vst v63  }
0xac: {  	s0 =	simm.s32 $0x15800;
	v3 =	vperm.xlane v3, v2  }
0xad: {  	[tilespmem:s0], [sflag:$0x6] =	stream.indirect_vreg.gather [hbm4b:s5+s3], $0x80, v4, vm0, $0xb8;
	[tilespmem:$0x19000] =	vst v63  }
0xae: {  	s10 =	simm.s32 $0x16000;
	v3 =	vadd.s32 v1, v3  }
0xaf: {  	[tilespmem:s10], [sflag:$0x6] =	stream.indirect_vreg.gather [hbm4b:s6+s3], $0x80, v4, vm0, $0xb8;
	[tilespmem:$0x19000] =	vst v63  }
0xb0: {  	s0 =	simm.s32 $0x16800  }
0xb1: {  	[tilespmem:s0], [sflag:$0x6] =	stream.indirect_vreg.gather [hbm4b:s7+s3], $0x80, v4, vm0, $0xb8;
	[tilespmem:$0x19000] =	vst v63  }
0xb2: {  	s0 =	simm.s32 $0x17000  }
0xb3: {  	[tilespmem:s0], [sflag:$0x6] =	stream.indirect_vreg.gather [hbm4b:s2+s3], $0x80, v3, vm0, $0xb8;
	[tilespmem:$0x19000] =	vst v63  }
0xb4: {  	s0 =	simm.s32 $0x17800  }
0xb5: {  	[tilespmem:s0], [sflag:$0x6] =	stream.indirect_vreg.gather [hbm4b:s5+s3], $0x80, v3, vm0, $0xb8;
	[tilespmem:$0x19000] =	vst v63  }
0xb6: {  	s0 =	simm.s32 $0x18000  }
0xb7: {  	[tilespmem:s0], [sflag:$0x6] =	stream.indirect_vreg.gather [hbm4b:s6+s3], $0x80, v3, vm0, $0xb8;
	[tilespmem:$0x19000] =	vst v63  }
0xb8: {  	s0 =	simm.s32 $0x18800  }
0xb9: {  	[tilespmem:s0], [sflag:$0x6] =	stream.indirect_vreg.gather [hbm4b:s7+s3], $0x80, v3, vm0, $0xb8;
	[tilespmem:$0x19000] =	vst v63  }
0xba: {  	_ =	swait.ge [sflag:s29], $0x4000  }
0xbb: {  	[sflag:s29] =	ssyncset.done $0x0  }
0xbc: {  	s0 =	simm.s32 $0x5000;
	s19 =	rddreg [dreg:$0x5];
	[sflag:s29] =	ssyncadd.s32 $0xFFFFC000  }
0xbd: {  	[hbm4b:s19+s3] =	stream.linear.scatter [tilespmem:s0], [sflag:$0x8], $0x4000, $0x38;
	[tilespmem:$0x19000] =	vst v63  }
0xbe: {  	_ =	swait.ge [sflag:s1], $0x4000  }
0xbf: {  	[sflag:s1] =	ssyncset.done $0x0  }
0xc0: {  	[sflag:s1] =	ssyncadd.s32 $0xFFFFC000  }
0xc1: {  	v3 =	vld [tilespmem:$0x300];
	_ =	sdelay $0x4  }
0xc2: {  	v38 =	vshll.u32 v3, $0x3  }
0xc3: {  	v3 =	vand.u32 $0x7, v3;
	v4 =	vand.u32 $0xFFFFFFC0, v38  }
0xc4: {  	v3 =	vor.u32 v3, v4  }
0xc5: {  	v4 =	vperm.xlane v3, v0;
	_ =	sdelay $0x1  }
0xc6: {  	v4 =	vadd.s32 v1, v4;
	_ =	sdelay $0x4  }
0xc7: {  	[tilespmem:s4], [sflag:$0x1] =	stream.indirect_vreg.gather [hbm4b:s2+s3], $0x80, v4, vm0, $0xb8;
	[tilespmem:$0x19000] =	vst v63  }
0xc8: {  	s26 =	simm.s32 $0x1800;
	v3 =	vperm.xlane v3, v2  }
0xc9: {  	[tilespmem:s26], [sflag:$0x1] =	stream.indirect_vreg.gather [hbm4b:s5+s3], $0x80, v4, vm0, $0xb8;
	[tilespmem:$0x19000] =	vst v63  }
0xca: {  	s25 =	simm.s32 $0x2000;
	v3 =	vadd.s32 v1, v3  }
0xcb: {  	[tilespmem:s25], [sflag:$0x1] =	stream.indirect_vreg.gather [hbm4b:s6+s3], $0x80, v4, vm0, $0xb8;
	[tilespmem:$0x19000] =	vst v63  }
0xcc: {  	s19 =	simm.s32 $0x2800  }
0xcd: {  	[tilespmem:s19], [sflag:$0x1] =	stream.indirect_vreg.gather [hbm4b:s7+s3], $0x80, v4, vm0, $0xb8;
	[tilespmem:$0x19000] =	vst v63  }
0xce: {  	s8 =	simm.s32 $0x3000  }
0xcf: {  	[tilespmem:s8], [sflag:$0x1] =	stream.indirect_vreg.gather [hbm4b:s2+s3], $0x80, v3, vm0, $0xb8;
	[tilespmem:$0x19000] =	vst v63  }
0xd0: {  	s22 =	simm.s32 $0x3800  }
0xd1: {  	[tilespmem:s22], [sflag:$0x1] =	stream.indirect_vreg.gather [hbm4b:s5+s3], $0x80, v3, vm0, $0xb8;
	[tilespmem:$0x19000] =	vst v63  }
0xd2: {  	s24 =	simm.s32 $0x4000  }
0xd3: {  	[tilespmem:s24], [sflag:$0x1] =	stream.indirect_vreg.gather [hbm4b:s6+s3], $0x80, v3, vm0, $0xb8;
	[tilespmem:$0x19000] =	vst v63  }
0xd4: {  	s21 =	simm.s32 $0x4800  }
0xd5: {  	[tilespmem:s21], [sflag:$0x1] =	stream.indirect_vreg.gather [hbm4b:s7+s3], $0x80, v3, vm0, $0xb8;
	[tilespmem:$0x19000] =	vst v63  }
0xd6: {  	_ =	swait.ge [sflag:s23], $0x4000  }
0xd7: {  	[sflag:s23] =	ssyncset.done $0x0  }
0xd8: {  	s21 =	simm.s32 $0x9000;
	s22 =	rddreg [dreg:$0x6];
	[sflag:s23] =	ssyncadd.s32 $0xFFFFC000  }
0xd9: {  	[hbm4b:s22+s3] =	stream.linear.scatter [tilespmem:s21], [sflag:$0x9], $0x4000, $0x38;
	[tilespmem:$0x19000] =	vst v63  }
0xda: {  	_ =	swait.ge [sflag:s9], $0x4000  }
0xdb: {  	[sflag:s9] =	ssyncset.done $0x0  }
0xdc: {  	[sflag:s9] =	ssyncadd.s32 $0xFFFFC000  }
0xdd: {  	v3 =	vld [tilespmem:$0x380];
	_ =	sdelay $0x4  }
0xde: {  	v39 =	vshll.u32 v3, $0x3  }
0xdf: {  	v3 =	vand.u32 $0x7, v3;
	v4 =	vand.u32 $0xFFFFFFC0, v39  }
0xe0: {  	v3 =	vor.u32 v3, v4  }
0xe1: {  	v4 =	vperm.xlane v3, v0;
	_ =	sdelay $0x1  }
0xe2: {  	v4 =	vadd.s32 v1, v4;
	_ =	sdelay $0x4  }
0xe3: {  	[tilespmem:s0], [sflag:$0x2] =	stream.indirect_vreg.gather [hbm4b:s2+s3], $0x80, v4, vm0, $0xb8;
	[tilespmem:$0x19000] =	vst v63  }
0xe4: {  	s24 =	simm.s32 $0x5800;
	v3 =	vperm.xlane v3, v2  }
0xe5: {  	[tilespmem:s24], [sflag:$0x2] =	stream.indirect_vreg.gather [hbm4b:s5+s3], $0x80, v4, vm0, $0xb8;
	[tilespmem:$0x19000] =	vst v63  }
0xe6: {  	s25 =	simm.s32 $0x6000;
	v3 =	vadd.s32 v1, v3  }
0xe7: {  	[tilespmem:s25], [sflag:$0x2] =	stream.indirect_vreg.gather [hbm4b:s6+s3], $0x80, v4, vm0, $0xb8;
	[tilespmem:$0x19000] =	vst v63  }
0xe8: {  	s26 =	simm.s32 $0x6800  }
0xe9: {  	[tilespmem:s26], [sflag:$0x2] =	stream.indirect_vreg.gather [hbm4b:s7+s3], $0x80, v4, vm0, $0xb8;
	[tilespmem:$0x19000] =	vst v63  }
0xea: {  	s4 =	simm.s32 $0x7000  }
0xeb: {  	[tilespmem:s4], [sflag:$0x2] =	stream.indirect_vreg.gather [hbm4b:s2+s3], $0x80, v3, vm0, $0xb8;
	[tilespmem:$0x19000] =	vst v63  }
0xec: {  	s8 =	simm.s32 $0x7800  }
0xed: {  	[tilespmem:s8], [sflag:$0x2] =	stream.indirect_vreg.gather [hbm4b:s5+s3], $0x80, v3, vm0, $0xb8;
	[tilespmem:$0x19000] =	vst v63  }
0xee: {  	s19 =	simm.s32 $0x8000  }
0xef: {  	[tilespmem:s19], [sflag:$0x2] =	stream.indirect_vreg.gather [hbm4b:s6+s3], $0x80, v3, vm0, $0xb8;
	[tilespmem:$0x19000] =	vst v63  }
0xf0: {  	s22 =	simm.s32 $0x8800  }
0xf1: {  	[tilespmem:s22], [sflag:$0x2] =	stream.indirect_vreg.gather [hbm4b:s7+s3], $0x80, v3, vm0, $0xb8;
	[tilespmem:$0x19000] =	vst v63  }
0xf2: {  	_ =	swait.ge [sflag:s11], $0x4000  }
0xf3: {  	[sflag:s11] =	ssyncset.done $0x0  }
0xf4: {  	s25 =	simm.s32 $0xD000;
	s24 =	rddreg [dreg:$0x7];
	[sflag:s11] =	ssyncadd.s32 $0xFFFFC000  }
0xf5: {  	[hbm4b:s24+s3] =	stream.linear.scatter [tilespmem:s25], [sflag:$0xA], $0x4000, $0x38;
	[tilespmem:$0x19000] =	vst v63  }
0xf6: {  	_ =	swait.ge [sflag:s12], $0x4000  }
0xf7: {  	[sflag:s12] =	ssyncset.done $0x0  }
0xf8: {  	[sflag:s12] =	ssyncadd.s32 $0xFFFFC000  }
0xf9: {  	v3 =	vld [tilespmem:$0x400];
	_ =	sdelay $0x4  }
0xfa: {  	v40 =	vshll.u32 v3, $0x3  }
0xfb: {  	v3 =	vand.u32 $0x7, v3;
	v4 =	vand.u32 $0xFFFFFFC0, v40  }
0xfc: {  	v3 =	vor.u32 v3, v4  }
0xfd: {  	v4 =	vperm.xlane v3, v0;
	_ =	sdelay $0x1  }
0xfe: {  	v4 =	vadd.s32 v1, v4;
	_ =	sdelay $0x4  }
0xff: {  	[tilespmem:s21], [sflag:$0x3] =	stream.indirect_vreg.gather [hbm4b:s2+s3], $0x80, v4, vm0, $0xb8;
	[tilespmem:$0x19000] =	vst v63  }
0x100: {  	s18 =	simm.s32 $0x9800;
	v3 =	vperm.xlane v3, v2  }
0x101: {  	[tilespmem:s18], [sflag:$0x3] =	stream.indirect_vreg.gather [hbm4b:s5+s3], $0x80, v4, vm0, $0xb8;
	[tilespmem:$0x19000] =	vst v63  }
0x102: {  	s26 =	simm.s32 $0xA000;
	v3 =	vadd.s32 v1, v3  }
0x103: {  	[tilespmem:s26], [sflag:$0x3] =	stream.indirect_vreg.gather [hbm4b:s6+s3], $0x80, v4, vm0, $0xb8;
	[tilespmem:$0x19000] =	vst v63  }
0x104: {  	s28 =	simm.s32 $0xA800  }
0x105: {  	[tilespmem:s28], [sflag:$0x3] =	stream.indirect_vreg.gather [hbm4b:s7+s3], $0x80, v4, vm0, $0xb8;
	[tilespmem:$0x19000] =	vst v63  }
0x106: {  	s31 =	simm.s32 $0xB000  }
0x107: {  	[tilespmem:s31], [sflag:$0x3] =	stream.indirect_vreg.gather [hbm4b:s2+s3], $0x80, v3, vm0, $0xb8;
	[tilespmem:$0x19000] =	vst v63  }
0x108: {  	s31 =	simm.s32 $0xB800  }
0x109: {  	[tilespmem:s31], [sflag:$0x3] =	stream.indirect_vreg.gather [hbm4b:s5+s3], $0x80, v3, vm0, $0xb8;
	[tilespmem:$0x19000] =	vst v63  }
0x10a: {  	s4 =	simm.s32 $0xC000  }
0x10b: {  	[tilespmem:s4], [sflag:$0x3] =	stream.indirect_vreg.gather [hbm4b:s6+s3], $0x80, v3, vm0, $0xb8;
	[tilespmem:$0x19000] =	vst v63  }
0x10c: {  	s20 =	simm.s32 $0xC800  }
0x10d: {  	[tilespmem:s20], [sflag:$0x3] =	stream.indirect_vreg.gather [hbm4b:s7+s3], $0x80, v3, vm0, $0xb8;
	[tilespmem:$0x19000] =	vst v63  }
0x10e: {  	_ =	swait.ge [sflag:s13], $0x4000  }
0x10f: {  	[sflag:s13] =	ssyncset.done $0x0  }
0x110: {  	s21 =	simm.s32 $0x11000;
	s18 =	rddreg [dreg:$0x8];
	[sflag:s13] =	ssyncadd.s32 $0xFFFFC000  }
0x111: {  	[hbm4b:s18+s3] =	stream.linear.scatter [tilespmem:s21], [sflag:$0xB], $0x4000, $0x38;
	[tilespmem:$0x19000] =	vst v63  }
0x112: {  	_ =	swait.ge [sflag:s14], $0x4000  }
0x113: {  	[sflag:s14] =	ssyncset.done $0x0  }
0x114: {  	[sflag:s14] =	ssyncadd.s32 $0xFFFFC000  }
0x115: {  	v3 =	vld [tilespmem:$0x480];
	_ =	sdelay $0x4  }
0x116: {  	v41 =	vshll.u32 v3, $0x3  }
0x117: {  	v3 =	vand.u32 $0x7, v3;
	v4 =	vand.u32 $0xFFFFFFC0, v41  }
0x118: {  	v3 =	vor.u32 v3, v4  }
0x119: {  	v4 =	vperm.xlane v3, v0;
	_ =	sdelay $0x1  }
0x11a: {  	v4 =	vadd.s32 v1, v4;
	_ =	sdelay $0x4  }
0x11b: {  	[tilespmem:s25], [sflag:$0x4] =	stream.indirect_vreg.gather [hbm4b:s2+s3], $0x80, v4, vm0, $0xb8;
	[tilespmem:$0x19000] =	vst v63  }
0x11c: {  	s19 =	simm.s32 $0xD800;
	v3 =	vperm.xlane v3, v2  }
0x11d: {  	[tilespmem:s19], [sflag:$0x4] =	stream.indirect_vreg.gather [hbm4b:s5+s3], $0x80, v4, vm0, $0xb8;
	[tilespmem:$0x19000] =	vst v63  }
0x11e: {  	s20 =	simm.s32 $0xE000;
	v3 =	vadd.s32 v1, v3  }
0x11f: {  	[tilespmem:s20], [sflag:$0x4] =	stream.indirect_vreg.gather [hbm4b:s6+s3], $0x80, v4, vm0, $0xb8;
	[tilespmem:$0x19000] =	vst v63  }
0x120: {  	s28 =	simm.s32 $0xE800  }
0x121: {  	[tilespmem:s28], [sflag:$0x4] =	stream.indirect_vreg.gather [hbm4b:s7+s3], $0x80, v4, vm0, $0xb8;
	[tilespmem:$0x19000] =	vst v63  }
0x122: {  	s24 =	simm.s32 $0xF000  }
0x123: {  	[tilespmem:s24], [sflag:$0x4] =	stream.indirect_vreg.gather [hbm4b:s2+s3], $0x80, v3, vm0, $0xb8;
	[tilespmem:$0x19000] =	vst v63  }
0x124: {  	s31 =	simm.s32 $0xF800  }
0x125: {  	[tilespmem:s31], [sflag:$0x4] =	stream.indirect_vreg.gather [hbm4b:s5+s3], $0x80, v3, vm0, $0xb8;
	[tilespmem:$0x19000] =	vst v63  }
0x126: {  	s25 =	simm.s32 $0x10000  }
0x127: {  	[tilespmem:s25], [sflag:$0x4] =	stream.indirect_vreg.gather [hbm4b:s6+s3], $0x80, v3, vm0, $0xb8;
	[tilespmem:$0x19000] =	vst v63  }
0x128: {  	s26 =	simm.s32 $0x10800  }
0x129: {  	[tilespmem:s26], [sflag:$0x4] =	stream.indirect_vreg.gather [hbm4b:s7+s3], $0x80, v3, vm0, $0xb8;
	[tilespmem:$0x19000] =	vst v63  }
0x12a: {  	_ =	swait.ge [sflag:s15], $0x4000  }
0x12b: {  	[sflag:s15] =	ssyncset.done $0x0  }
0x12c: {  	s18 =	simm.s32 $0x15000;
	s4 =	rddreg [dreg:$0x9];
	[sflag:s15] =	ssyncadd.s32 $0xFFFFC000  }
0x12d: {  	[hbm4b:s4+s3] =	stream.linear.scatter [tilespmem:s18], [sflag:$0xC], $0x4000, $0x38;
	[tilespmem:$0x19000] =	vst v63  }
0x12e: {  	_ =	swait.ge [sflag:s16], $0x4000  }
0x12f: {  	[sflag:s16] =	ssyncset.done $0x0  }
0x130: {  	[sflag:s16] =	ssyncadd.s32 $0xFFFFC000  }
0x131: {  	v3 =	vld [tilespmem:$0x500];
	_ =	sdelay $0x4  }
0x132: {  	v42 =	vshll.u32 v3, $0x3  }
0x133: {  	v3 =	vand.u32 $0x7, v3;
	v4 =	vand.u32 $0xFFFFFFC0, v42  }
0x134: {  	v3 =	vor.u32 v3, v4  }
0x135: {  	v4 =	vperm.xlane v3, v0;
	_ =	sdelay $0x1  }
0x136: {  	v4 =	vadd.s32 v1, v4;
	_ =	sdelay $0x4  }
0x137: {  	[tilespmem:s21], [sflag:$0x5] =	stream.indirect_vreg.gather [hbm4b:s2+s3], $0x80, v4, vm0, $0xb8;
	[tilespmem:$0x19000] =	vst v63  }
0x138: {  	v3 =	vperm.xlane v3, v2;
	s21 =	simm.s32 $0x11800  }
0x139: {  	[tilespmem:s21], [sflag:$0x5] =	stream.indirect_vreg.gather [hbm4b:s5+s3], $0x80, v4, vm0, $0xb8;
	[tilespmem:$0x19000] =	vst v63  }
0x13a: {  	s8 =	simm.s32 $0x12000;
	v3 =	vadd.s32 v1, v3  }
0x13b: {  	[tilespmem:s8], [sflag:$0x5] =	stream.indirect_vreg.gather [hbm4b:s6+s3], $0x80, v4, vm0, $0xb8;
	[tilespmem:$0x19000] =	vst v63  }
0x13c: {  	s19 =	simm.s32 $0x12800  }
0x13d: {  	[tilespmem:s19], [sflag:$0x5] =	stream.indirect_vreg.gather [hbm4b:s7+s3], $0x80, v4, vm0, $0xb8;
	[tilespmem:$0x19000] =	vst v63  }
0x13e: {  	s24 =	simm.s32 $0x13000  }
0x13f: {  	[tilespmem:s24], [sflag:$0x5] =	stream.indirect_vreg.gather [hbm4b:s2+s3], $0x80, v3, vm0, $0xb8;
	[tilespmem:$0x19000] =	vst v63  }
0x140: {  	s25 =	simm.s32 $0x13800  }
0x141: {  	[tilespmem:s25], [sflag:$0x5] =	stream.indirect_vreg.gather [hbm4b:s5+s3], $0x80, v3, vm0, $0xb8;
	[tilespmem:$0x19000] =	vst v63  }
0x142: {  	s26 =	simm.s32 $0x14000  }
0x143: {  	[tilespmem:s26], [sflag:$0x5] =	stream.indirect_vreg.gather [hbm4b:s6+s3], $0x80, v3, vm0, $0xb8;
	[tilespmem:$0x19000] =	vst v63  }
0x144: {  	s20 =	simm.s32 $0x14800  }
0x145: {  	[tilespmem:s20], [sflag:$0x5] =	stream.indirect_vreg.gather [hbm4b:s7+s3], $0x80, v3, vm0, $0xb8;
	[tilespmem:$0x19000] =	vst v63  }
0x146: {  	_ =	swait.ge [sflag:s30], $0x4000  }
0x147: {  	[sflag:s30] =	ssyncset.done $0x0  }
0x148: {  	s0 =	simm.s32 $0x1000;
	s4 =	rddreg [dreg:$0xa];
	[sflag:s30] =	ssyncadd.s32 $0xFFFFC000  }
0x149: {  	[hbm4b:s4+s3] =	stream.linear.scatter [tilespmem:s0], [sflag:$0x7], $0x4000, $0x38;
	[tilespmem:$0x19000] =	vst v63  }
0x14a: {  	_ =	swait.ge [sflag:s17], $0x4000  }
0x14b: {  	[sflag:s17] =	ssyncset.done $0x0  }
0x14c: {  	[sflag:s17] =	ssyncadd.s32 $0xFFFFC000  }
0x14d: {  	v3 =	vld [tilespmem:$0x580];
	_ =	sdelay $0x4  }
0x14e: {  	v43 =	vshll.u32 v3, $0x3  }
0x14f: {  	v3 =	vand.u32 $0x7, v3;
	v4 =	vand.u32 $0xFFFFFFC0, v43  }
0x150: {  	v3 =	vor.u32 v3, v4  }
0x151: {  	v4 =	vperm.xlane v3, v0;
	_ =	sdelay $0x1  }
0x152: {  	v4 =	vadd.s32 v1, v4;
	_ =	sdelay $0x4  }
0x153: {  	[tilespmem:s18], [sflag:$0x6] =	stream.indirect_vreg.gather [hbm4b:s2+s3], $0x80, v4, vm0, $0xb8;
	[tilespmem:$0x19000] =	vst v63  }
0x154: {  	s8 =	simm.s32 $0x15800;
	v3 =	vperm.xlane v3, v2  }
0x155: {  	[tilespmem:s8], [sflag:$0x6] =	stream.indirect_vreg.gather [hbm4b:s5+s3], $0x80, v4, vm0, $0xb8;
	[tilespmem:$0x19000] =	vst v63  }
0x156: {  	s10 =	simm.s32 $0x16000;
	v3 =	vadd.s32 v1, v3  }
0x157: {  	[tilespmem:s10], [sflag:$0x6] =	stream.indirect_vreg.gather [hbm4b:s6+s3], $0x80, v4, vm0, $0xb8;
	[tilespmem:$0x19000] =	vst v63  }
0x158: {  	s10 =	simm.s32 $0x16800  }
0x159: {  	[tilespmem:s10], [sflag:$0x6] =	stream.indirect_vreg.gather [hbm4b:s7+s3], $0x80, v4, vm0, $0xb8;
	[tilespmem:$0x19000] =	vst v63  }
0x15a: {  	s18 =	simm.s32 $0x17000  }
0x15b: {  	[tilespmem:s18], [sflag:$0x6] =	stream.indirect_vreg.gather [hbm4b:s2+s3], $0x80, v3, vm0, $0xb8;
	[tilespmem:$0x19000] =	vst v63  }
0x15c: {  	s19 =	simm.s32 $0x17800  }
0x15d: {  	[tilespmem:s19], [sflag:$0x6] =	stream.indirect_vreg.gather [hbm4b:s5+s3], $0x80, v3, vm0, $0xb8;
	[tilespmem:$0x19000] =	vst v63  }
0x15e: {  	s20 =	simm.s32 $0x18000  }
0x15f: {  	[tilespmem:s20], [sflag:$0x6] =	stream.indirect_vreg.gather [hbm4b:s6+s3], $0x80, v3, vm0, $0xb8;
	[tilespmem:$0x19000] =	vst v63  }
0x160: {  	s8 =	simm.s32 $0x18800  }
0x161: {  	[tilespmem:s8], [sflag:$0x6] =	stream.indirect_vreg.gather [hbm4b:s7+s3], $0x80, v3, vm0, $0xb8;
	[tilespmem:$0x19000] =	vst v63  }
0x162: {  	_ =	swait.ge [sflag:s29], $0x4000  }
0x163: {  	[sflag:s29] =	ssyncset.done $0x0  }
0x164: {  	s18 =	simm.s32 $0x5000;
	s10 =	rddreg [dreg:$0xb];
	[sflag:s29] =	ssyncadd.s32 $0xFFFFC000  }
0x165: {  	[hbm4b:s10+s3] =	stream.linear.scatter [tilespmem:s18], [sflag:$0x8], $0x4000, $0x38;
	[tilespmem:$0x19000] =	vst v63  }
0x166: {  	_ =	swait.ge [sflag:s1], $0x4000  }
0x167: {  	[sflag:s1] =	ssyncset.done $0x0  }
0x168: {  	[sflag:s1] =	ssyncadd.s32 $0xFFFFC000  }
0x169: {  	v3 =	vld [tilespmem:$0x600];
	_ =	sdelay $0x4  }
0x16a: {  	v44 =	vshll.u32 v3, $0x3  }
0x16b: {  	v3 =	vand.u32 $0x7, v3;
	v4 =	vand.u32 $0xFFFFFFC0, v44  }
0x16c: {  	v3 =	vor.u32 v3, v4  }
0x16d: {  	v4 =	vperm.xlane v3, v0;
	_ =	sdelay $0x1  }
0x16e: {  	v4 =	vadd.s32 v1, v4;
	_ =	sdelay $0x4  }
0x16f: {  	[tilespmem:s0], [sflag:$0x1] =	stream.indirect_vreg.gather [hbm4b:s2+s3], $0x80, v4, vm0, $0xb8;
	[tilespmem:$0x19000] =	vst v63  }
0x170: {  	s19 =	simm.s32 $0x1800;
	v3 =	vperm.xlane v3, v2  }
0x171: {  	[tilespmem:s19], [sflag:$0x1] =	stream.indirect_vreg.gather [hbm4b:s5+s3], $0x80, v4, vm0, $0xb8;
	[tilespmem:$0x19000] =	vst v63  }
0x172: {  	s20 =	simm.s32 $0x2000;
	v3 =	vadd.s32 v1, v3  }
0x173: {  	[tilespmem:s20], [sflag:$0x1] =	stream.indirect_vreg.gather [hbm4b:s6+s3], $0x80, v4, vm0, $0xb8;
	[tilespmem:$0x19000] =	vst v63  }
0x174: {  	s4 =	simm.s32 $0x2800  }
0x175: {  	[tilespmem:s4], [sflag:$0x1] =	stream.indirect_vreg.gather [hbm4b:s7+s3], $0x80, v4, vm0, $0xb8;
	[tilespmem:$0x19000] =	vst v63  }
0x176: {  	s8 =	simm.s32 $0x3000  }
0x177: {  	[tilespmem:s8], [sflag:$0x1] =	stream.indirect_vreg.gather [hbm4b:s2+s3], $0x80, v3, vm0, $0xb8;
	[tilespmem:$0x19000] =	vst v63  }
0x178: {  	s10 =	simm.s32 $0x3800  }
0x179: {  	[tilespmem:s10], [sflag:$0x1] =	stream.indirect_vreg.gather [hbm4b:s5+s3], $0x80, v3, vm0, $0xb8;
	[tilespmem:$0x19000] =	vst v63  }
0x17a: {  	s19 =	simm.s32 $0x4000  }
0x17b: {  	[tilespmem:s19], [sflag:$0x1] =	stream.indirect_vreg.gather [hbm4b:s6+s3], $0x80, v3, vm0, $0xb8;
	[tilespmem:$0x19000] =	vst v63  }
0x17c: {  	s20 =	simm.s32 $0x4800  }
0x17d: {  	[tilespmem:s20], [sflag:$0x1] =	stream.indirect_vreg.gather [hbm4b:s7+s3], $0x80, v3, vm0, $0xb8;
	[tilespmem:$0x19000] =	vst v63  }
0x17e: {  	_ =	swait.ge [sflag:s23], $0x4000  }
0x17f: {  	[sflag:s23] =	ssyncset.done $0x0  }
0x180: {  	s20 =	simm.s32 $0x9000;
	s4 =	rddreg [dreg:$0xc];
	[sflag:s23] =	ssyncadd.s32 $0xFFFFC000  }
0x181: {  	[hbm4b:s4+s3] =	stream.linear.scatter [tilespmem:s20], [sflag:$0x9], $0x4000, $0x38;
	[tilespmem:$0x19000] =	vst v63  }
0x182: {  	_ =	swait.ge [sflag:s9], $0x4000  }
0x183: {  	[sflag:s9] =	ssyncset.done $0x0  }
0x184: {  	[sflag:s9] =	ssyncadd.s32 $0xFFFFC000  }
0x185: {  	v3 =	vld [tilespmem:$0x680];
	_ =	sdelay $0x4  }
0x186: {  	v45 =	vshll.u32 v3, $0x3  }
0x187: {  	v3 =	vand.u32 $0x7, v3;
	v4 =	vand.u32 $0xFFFFFFC0, v45  }
0x188: {  	v3 =	vor.u32 v3, v4  }
0x189: {  	v4 =	vperm.xlane v3, v0;
	_ =	sdelay $0x1  }
0x18a: {  	v4 =	vadd.s32 v1, v4;
	_ =	sdelay $0x4  }
0x18b: {  	[tilespmem:s18], [sflag:$0x2] =	stream.indirect_vreg.gather [hbm4b:s2+s3], $0x80, v4, vm0, $0xb8;
	[tilespmem:$0x19000] =	vst v63  }
0x18c: {  	s8 =	simm.s32 $0x5800;
	v3 =	vperm.xlane v3, v2  }
0x18d: {  	[tilespmem:s8], [sflag:$0x2] =	stream.indirect_vreg.gather [hbm4b:s5+s3], $0x80, v4, vm0, $0xb8;
	[tilespmem:$0x19000] =	vst v63  }
0x18e: {  	s10 =	simm.s32 $0x6000;
	v3 =	vadd.s32 v1, v3  }
0x18f: {  	[tilespmem:s10], [sflag:$0x2] =	stream.indirect_vreg.gather [hbm4b:s6+s3], $0x80, v4, vm0, $0xb8;
	[tilespmem:$0x19000] =	vst v63  }
0x190: {  	s18 =	simm.s32 $0x6800  }
0x191: {  	[tilespmem:s18], [sflag:$0x2] =	stream.indirect_vreg.gather [hbm4b:s7+s3], $0x80, v4, vm0, $0xb8;
	[tilespmem:$0x19000] =	vst v63  }
0x192: {  	s19 =	simm.s32 $0x7000  }
0x193: {  	[tilespmem:s19], [sflag:$0x2] =	stream.indirect_vreg.gather [hbm4b:s2+s3], $0x80, v3, vm0, $0xb8;
	[tilespmem:$0x19000] =	vst v63  }
0x194: {  	s4 =	simm.s32 $0x7800  }
0x195: {  	[tilespmem:s4], [sflag:$0x2] =	stream.indirect_vreg.gather [hbm4b:s5+s3], $0x80, v3, vm0, $0xb8;
	[tilespmem:$0x19000] =	vst v63  }
0x196: {  	s8 =	simm.s32 $0x8000  }
0x197: {  	[tilespmem:s8], [sflag:$0x2] =	stream.indirect_vreg.gather [hbm4b:s6+s3], $0x80, v3, vm0, $0xb8;
	[tilespmem:$0x19000] =	vst v63  }
0x198: {  	s10 =	simm.s32 $0x8800  }
0x199: {  	[tilespmem:s10], [sflag:$0x2] =	stream.indirect_vreg.gather [hbm4b:s7+s3], $0x80, v3, vm0, $0xb8;
	[tilespmem:$0x19000] =	vst v63  }
0x19a: {  	_ =	swait.ge [sflag:s11], $0x4000  }
0x19b: {  	[sflag:s11] =	ssyncset.done $0x0  }
0x19c: {  	s0 =	simm.s32 $0xD000;
	s18 =	rddreg [dreg:$0xd];
	[sflag:s11] =	ssyncadd.s32 $0xFFFFC000  }
0x19d: {  	[hbm4b:s18+s3] =	stream.linear.scatter [tilespmem:s0], [sflag:$0xA], $0x4000, $0x38;
	[tilespmem:$0x19000] =	vst v63  }
0x19e: {  	_ =	swait.ge [sflag:s12], $0x4000  }
0x19f: {  	[sflag:s12] =	ssyncset.done $0x0  }
0x1a0: {  	[sflag:s12] =	ssyncadd.s32 $0xFFFFC000  }
0x1a1: {  	v3 =	vld [tilespmem:$0x700];
	_ =	sdelay $0x4  }
0x1a2: {  	v46 =	vshll.u32 v3, $0x3  }
0x1a3: {  	v3 =	vand.u32 $0x7, v3;
	v4 =	vand.u32 $0xFFFFFFC0, v46  }
0x1a4: {  	v3 =	vor.u32 v3, v4  }
0x1a5: {  	v4 =	vperm.xlane v3, v0;
	_ =	sdelay $0x1  }
0x1a6: {  	v4 =	vadd.s32 v1, v4;
	_ =	sdelay $0x4  }
0x1a7: {  	[tilespmem:s20], [sflag:$0x3] =	stream.indirect_vreg.gather [hbm4b:s2+s3], $0x80, v4, vm0, $0xb8;
	[tilespmem:$0x19000] =	vst v63  }
0x1a8: {  	v3 =	vperm.xlane v3, v2;
	s20 =	simm.s32 $0x9800  }
0x1a9: {  	[tilespmem:s20], [sflag:$0x3] =	stream.indirect_vreg.gather [hbm4b:s5+s3], $0x80, v4, vm0, $0xb8;
	[tilespmem:$0x19000] =	vst v63  }
0x1aa: {  	s22 =	simm.s32 $0xA000;
	v3 =	vadd.s32 v1, v3  }
0x1ab: {  	[tilespmem:s22], [sflag:$0x3] =	stream.indirect_vreg.gather [hbm4b:s6+s3], $0x80, v4, vm0, $0xb8;
	[tilespmem:$0x19000] =	vst v63  }
0x1ac: {  	s10 =	simm.s32 $0xA800  }
0x1ad: {  	[tilespmem:s10], [sflag:$0x3] =	stream.indirect_vreg.gather [hbm4b:s7+s3], $0x80, v4, vm0, $0xb8;
	[tilespmem:$0x19000] =	vst v63  }
0x1ae: {  	s4 =	simm.s32 $0xB000  }
0x1af: {  	[tilespmem:s4], [sflag:$0x3] =	stream.indirect_vreg.gather [hbm4b:s2+s3], $0x80, v3, vm0, $0xb8;
	[tilespmem:$0x19000] =	vst v63  }
0x1b0: {  	s19 =	simm.s32 $0xB800  }
0x1b1: {  	[tilespmem:s19], [sflag:$0x3] =	stream.indirect_vreg.gather [hbm4b:s5+s3], $0x80, v3, vm0, $0xb8;
	[tilespmem:$0x19000] =	vst v63  }
0x1b2: {  	s20 =	simm.s32 $0xC000  }
0x1b3: {  	[tilespmem:s20], [sflag:$0x3] =	stream.indirect_vreg.gather [hbm4b:s6+s3], $0x80, v3, vm0, $0xb8;
	[tilespmem:$0x19000] =	vst v63  }
0x1b4: {  	s22 =	simm.s32 $0xC800  }
0x1b5: {  	[tilespmem:s22], [sflag:$0x3] =	stream.indirect_vreg.gather [hbm4b:s7+s3], $0x80, v3, vm0, $0xb8;
	[tilespmem:$0x19000] =	vst v63  }
0x1b6: {  	_ =	swait.ge [sflag:s13], $0x4000  }
0x1b7: {  	[sflag:s13] =	ssyncset.done $0x0  }
0x1b8: {  	s22 =	simm.s32 $0x11000;
	s18 =	rddreg [dreg:$0xe];
	[sflag:s13] =	ssyncadd.s32 $0xFFFFC000  }
0x1b9: {  	[hbm4b:s18+s3] =	stream.linear.scatter [tilespmem:s22], [sflag:$0xB], $0x4000, $0x38;
	[tilespmem:$0x19000] =	vst v63  }
0x1ba: {  	_ =	swait.ge [sflag:s14], $0x4000  }
0x1bb: {  	[sflag:s14] =	ssyncset.done $0x0  }
0x1bc: {  	[sflag:s14] =	ssyncadd.s32 $0xFFFFC000  }
0x1bd: {  	v3 =	vld [tilespmem:$0x780];
	_ =	sdelay $0x4  }
0x1be: {  	v47 =	vshll.u32 v3, $0x3  }
0x1bf: {  	v3 =	vand.u32 $0x7, v3;
	v4 =	vand.u32 $0xFFFFFFC0, v47  }
0x1c0: {  	v3 =	vor.u32 v3, v4  }
0x1c1: {  	v4 =	vperm.xlane v3, v0;
	_ =	sdelay $0x1  }
0x1c2: {  	v4 =	vadd.s32 v1, v4;
	_ =	sdelay $0x4  }
0x1c3: {  	[tilespmem:s0], [sflag:$0x4] =	stream.indirect_vreg.gather [hbm4b:s2+s3], $0x80, v4, vm0, $0xb8;
	[tilespmem:$0x19000] =	vst v63  }
0x1c4: {  	s19 =	simm.s32 $0xD800;
	v3 =	vperm.xlane v3, v2  }
0x1c5: {  	[tilespmem:s19], [sflag:$0x4] =	stream.indirect_vreg.gather [hbm4b:s5+s3], $0x80, v4, vm0, $0xb8;
	[tilespmem:$0x19000] =	vst v63  }
0x1c6: {  	s20 =	simm.s32 $0xE000;
	v3 =	vadd.s32 v1, v3  }
0x1c7: {  	[tilespmem:s20], [sflag:$0x4] =	stream.indirect_vreg.gather [hbm4b:s6+s3], $0x80, v4, vm0, $0xb8;
	[tilespmem:$0x19000] =	vst v63  }
0x1c8: {  	_ = 	snop  }
0x1c9: {  	[tilespmem:s28], [sflag:$0x4] =	stream.indirect_vreg.gather [hbm4b:s7+s3], $0x80, v4, vm0, $0xb8;
	[tilespmem:$0x19000] =	vst v63  }
0x1ca: {  	s18 =	simm.s32 $0xF000  }
0x1cb: {  	[tilespmem:s18], [sflag:$0x4] =	stream.indirect_vreg.gather [hbm4b:s2+s3], $0x80, v3, vm0, $0xb8;
	[tilespmem:$0x19000] =	vst v63  }
0x1cc: {  	_ = 	snop  }
0x1cd: {  	[tilespmem:s31], [sflag:$0x4] =	stream.indirect_vreg.gather [hbm4b:s5+s3], $0x80, v3, vm0, $0xb8;
	[tilespmem:$0x19000] =	vst v63  }
0x1ce: {  	s19 =	simm.s32 $0x10000  }
0x1cf: {  	[tilespmem:s19], [sflag:$0x4] =	stream.indirect_vreg.gather [hbm4b:s6+s3], $0x80, v3, vm0, $0xb8;
	[tilespmem:$0x19000] =	vst v63  }
0x1d0: {  	s18 =	simm.s32 $0x10800  }
0x1d1: {  	[tilespmem:s18], [sflag:$0x4] =	stream.indirect_vreg.gather [hbm4b:s7+s3], $0x80, v3, vm0, $0xb8;
	[tilespmem:$0x19000] =	vst v63  }
0x1d2: {  	_ =	swait.ge [sflag:s15], $0x4000  }
0x1d3: {  	[sflag:s15] =	ssyncset.done $0x0  }
0x1d4: {  	s0 =	simm.s32 $0x15000;
	s20 =	rddreg [dreg:$0xf];
	[sflag:s15] =	ssyncadd.s32 $0xFFFFC000  }
0x1d5: {  	[hbm4b:s20+s3] =	stream.linear.scatter [tilespmem:s0], [sflag:$0xC], $0x4000, $0x38;
	[tilespmem:$0x19000] =	vst v63  }
0x1d6: {  	_ =	swait.ge [sflag:s16], $0x4000  }
0x1d7: {  	[sflag:s16] =	ssyncset.done $0x0  }
0x1d8: {  	[sflag:s16] =	ssyncadd.s32 $0xFFFFC000  }
0x1d9: {  	v3 =	vld [tilespmem:$0x800];
	_ =	sdelay $0x4  }
0x1da: {  	v48 =	vshll.u32 v3, $0x3  }
0x1db: {  	v3 =	vand.u32 $0x7, v3;
	v4 =	vand.u32 $0xFFFFFFC0, v48  }
0x1dc: {  	v3 =	vor.u32 v3, v4  }
0x1dd: {  	v4 =	vperm.xlane v3, v0;
	_ =	sdelay $0x1  }
0x1de: {  	v4 =	vadd.s32 v1, v4;
	_ =	sdelay $0x4  }
0x1df: {  	[tilespmem:s22], [sflag:$0x5] =	stream.indirect_vreg.gather [hbm4b:s2+s3], $0x80, v4, vm0, $0xb8;
	[tilespmem:$0x19000] =	vst v63  }
0x1e0: {  	v3 =	vperm.xlane v3, v2  }
0x1e1: {  	[tilespmem:s21], [sflag:$0x5] =	stream.indirect_vreg.gather [hbm4b:s5+s3], $0x80, v4, vm0, $0xb8;
	[tilespmem:$0x19000] =	vst v63  }
0x1e2: {  	v3 =	vadd.s32 v1, v3;
	s22 =	simm.s32 $0x12000  }
0x1e3: {  	[tilespmem:s22], [sflag:$0x5] =	stream.indirect_vreg.gather [hbm4b:s6+s3], $0x80, v4, vm0, $0xb8;
	[tilespmem:$0x19000] =	vst v63  }
0x1e4: {  	s28 =	simm.s32 $0x12800  }
0x1e5: {  	[tilespmem:s28], [sflag:$0x5] =	stream.indirect_vreg.gather [hbm4b:s7+s3], $0x80, v4, vm0, $0xb8;
	[tilespmem:$0x19000] =	vst v63  }
0x1e6: {  	_ = 	snop  }
0x1e7: {  	[tilespmem:s24], [sflag:$0x5] =	stream.indirect_vreg.gather [hbm4b:s2+s3], $0x80, v3, vm0, $0xb8;
	[tilespmem:$0x19000] =	vst v63  }
0x1e8: {  	_ = 	snop  }
0x1e9: {  	[tilespmem:s25], [sflag:$0x5] =	stream.indirect_vreg.gather [hbm4b:s5+s3], $0x80, v3, vm0, $0xb8;
	[tilespmem:$0x19000] =	vst v63  }
0x1ea: {  	_ = 	snop  }
0x1eb: {  	[tilespmem:s26], [sflag:$0x5] =	stream.indirect_vreg.gather [hbm4b:s6+s3], $0x80, v3, vm0, $0xb8;
	[tilespmem:$0x19000] =	vst v63  }
0x1ec: {  	s21 =	simm.s32 $0x14800  }
0x1ed: {  	[tilespmem:s21], [sflag:$0x5] =	stream.indirect_vreg.gather [hbm4b:s7+s3], $0x80, v3, vm0, $0xb8;
	[tilespmem:$0x19000] =	vst v63  }
0x1ee: {  	_ =	swait.ge [sflag:s30], $0x4000  }
0x1ef: {  	[sflag:s30] =	ssyncset.done $0x0  }
0x1f0: {  	s20 =	simm.s32 $0x1000;
	s31 =	rddreg [dreg:$0x10];
	[sflag:s30] =	ssyncadd.s32 $0xFFFFC000  }
0x1f1: {  	[hbm4b:s31+s3] =	stream.linear.scatter [tilespmem:s20], [sflag:$0x7], $0x4000, $0x38;
	[tilespmem:$0x19000] =	vst v63  }
0x1f2: {  	_ =	swait.ge [sflag:s17], $0x4000  }
0x1f3: {  	[sflag:s17] =	ssyncset.done $0x0  }
0x1f4: {  	[sflag:s17] =	ssyncadd.s32 $0xFFFFC000  }
0x1f5: {  	v3 =	vld [tilespmem:$0x880];
	_ =	sdelay $0x4  }
0x1f6: {  	v49 =	vshll.u32 v3, $0x3  }
0x1f7: {  	v3 =	vand.u32 $0x7, v3;
	v4 =	vand.u32 $0xFFFFFFC0, v49  }
0x1f8: {  	v3 =	vor.u32 v3, v4  }
0x1f9: {  	v4 =	vperm.xlane v3, v0;
	_ =	sdelay $0x1  }
0x1fa: {  	v4 =	vadd.s32 v1, v4;
	_ =	sdelay $0x4  }
0x1fb: {  	[tilespmem:s0], [sflag:$0x6] =	stream.indirect_vreg.gather [hbm4b:s2+s3], $0x80, v4, vm0, $0xb8;
	[tilespmem:$0x19000] =	vst v63  }
0x1fc: {  	s22 =	simm.s32 $0x15800;
	v3 =	vperm.xlane v3, v2  }
0x1fd: {  	[tilespmem:s22], [sflag:$0x6] =	stream.indirect_vreg.gather [hbm4b:s5+s3], $0x80, v4, vm0, $0xb8;
	[tilespmem:$0x19000] =	vst v63  }
0x1fe: {  	s24 =	simm.s32 $0x16000;
	v3 =	vadd.s32 v1, v3  }
0x1ff: {  	[tilespmem:s24], [sflag:$0x6] =	stream.indirect_vreg.gather [hbm4b:s6+s3], $0x80, v4, vm0, $0xb8;
	[tilespmem:$0x19000] =	vst v63  }
0x200: {  	s25 =	simm.s32 $0x16800  }
0x201: {  	[tilespmem:s25], [sflag:$0x6] =	stream.indirect_vreg.gather [hbm4b:s7+s3], $0x80, v4, vm0, $0xb8;
	[tilespmem:$0x19000] =	vst v63  }
0x202: {  	s26 =	simm.s32 $0x17000  }
0x203: {  	[tilespmem:s26], [sflag:$0x6] =	stream.indirect_vreg.gather [hbm4b:s2+s3], $0x80, v3, vm0, $0xb8;
	[tilespmem:$0x19000] =	vst v63  }
0x204: {  	s22 =	simm.s32 $0x17800  }
0x205: {  	[tilespmem:s22], [sflag:$0x6] =	stream.indirect_vreg.gather [hbm4b:s5+s3], $0x80, v3, vm0, $0xb8;
	[tilespmem:$0x19000] =	vst v63  }
0x206: {  	s24 =	simm.s32 $0x18000  }
0x207: {  	[tilespmem:s24], [sflag:$0x6] =	stream.indirect_vreg.gather [hbm4b:s6+s3], $0x80, v3, vm0, $0xb8;
	[tilespmem:$0x19000] =	vst v63  }
0x208: {  	s28 =	simm.s32 $0x18800  }
0x209: {  	[tilespmem:s28], [sflag:$0x6] =	stream.indirect_vreg.gather [hbm4b:s7+s3], $0x80, v3, vm0, $0xb8;
	[tilespmem:$0x19000] =	vst v63  }
0x20a: {  	_ =	swait.ge [sflag:s29], $0x4000  }
0x20b: {  	[sflag:s29] =	ssyncset.done $0x0  }
0x20c: {  	s0 =	simm.s32 $0x5000;
	s31 =	rddreg [dreg:$0x11];
	[sflag:s29] =	ssyncadd.s32 $0xFFFFC000  }
0x20d: {  	[hbm4b:s31+s3] =	stream.linear.scatter [tilespmem:s0], [sflag:$0x8], $0x4000, $0x38;
	[tilespmem:$0x19000] =	vst v63  }
0x20e: {  	_ =	swait.ge [sflag:s1], $0x4000  }
0x20f: {  	[sflag:s1] =	ssyncset.done $0x0  }
0x210: {  	[sflag:s1] =	ssyncadd.s32 $0xFFFFC000  }
0x211: {  	v3 =	vld [tilespmem:$0x900];
	_ =	sdelay $0x4  }
0x212: {  	v50 =	vshll.u32 v3, $0x3  }
0x213: {  	v3 =	vand.u32 $0x7, v3;
	v4 =	vand.u32 $0xFFFFFFC0, v50  }
0x214: {  	v3 =	vor.u32 v3, v4  }
0x215: {  	v4 =	vperm.xlane v3, v0;
	_ =	sdelay $0x1  }
0x216: {  	v4 =	vadd.s32 v1, v4;
	_ =	sdelay $0x4  }
0x217: {  	[tilespmem:s20], [sflag:$0x1] =	stream.indirect_vreg.gather [hbm4b:s2+s3], $0x80, v4, vm0, $0xb8;
	[tilespmem:$0x19000] =	vst v63  }
0x218: {  	v3 =	vperm.xlane v3, v2;
	s20 =	simm.s32 $0x1800  }
0x219: {  	[tilespmem:s20], [sflag:$0x1] =	stream.indirect_vreg.gather [hbm4b:s5+s3], $0x80, v4, vm0, $0xb8;
	[tilespmem:$0x19000] =	vst v63  }
0x21a: {  	s25 =	simm.s32 $0x2000;
	v3 =	vadd.s32 v1, v3  }
0x21b: {  	[tilespmem:s25], [sflag:$0x1] =	stream.indirect_vreg.gather [hbm4b:s6+s3], $0x80, v4, vm0, $0xb8;
	[tilespmem:$0x19000] =	vst v63  }
0x21c: {  	s26 =	simm.s32 $0x2800  }
0x21d: {  	[tilespmem:s26], [sflag:$0x1] =	stream.indirect_vreg.gather [hbm4b:s7+s3], $0x80, v4, vm0, $0xb8;
	[tilespmem:$0x19000] =	vst v63  }
0x21e: {  	s28 =	simm.s32 $0x3000  }
0x21f: {  	[tilespmem:s28], [sflag:$0x1] =	stream.indirect_vreg.gather [hbm4b:s2+s3], $0x80, v3, vm0, $0xb8;
	[tilespmem:$0x19000] =	vst v63  }
0x220: {  	s31 =	simm.s32 $0x3800  }
0x221: {  	[tilespmem:s31], [sflag:$0x1] =	stream.indirect_vreg.gather [hbm4b:s5+s3], $0x80, v3, vm0, $0xb8;
	[tilespmem:$0x19000] =	vst v63  }
0x222: {  	s20 =	simm.s32 $0x4000  }
0x223: {  	[tilespmem:s20], [sflag:$0x1] =	stream.indirect_vreg.gather [hbm4b:s6+s3], $0x80, v3, vm0, $0xb8;
	[tilespmem:$0x19000] =	vst v63  }
0x224: {  	s25 =	simm.s32 $0x4800  }
0x225: {  	[tilespmem:s25], [sflag:$0x1] =	stream.indirect_vreg.gather [hbm4b:s7+s3], $0x80, v3, vm0, $0xb8;
	[tilespmem:$0x19000] =	vst v63  }
0x226: {  	_ =	swait.ge [sflag:s23], $0x4000  }
0x227: {  	[sflag:s23] =	ssyncset.done $0x0  }
0x228: {  	s8 =	simm.s32 $0x9000;
	s26 =	rddreg [dreg:$0x12];
	[sflag:s23] =	ssyncadd.s32 $0xFFFFC000  }
0x229: {  	[hbm4b:s26+s3] =	stream.linear.scatter [tilespmem:s8], [sflag:$0x9], $0x4000, $0x38;
	[tilespmem:$0x19000] =	vst v63  }
0x22a: {  	_ =	swait.ge [sflag:s9], $0x4000  }
0x22b: {  	[sflag:s9] =	ssyncset.done $0x0  }
0x22c: {  	[sflag:s9] =	ssyncadd.s32 $0xFFFFC000  }
0x22d: {  	v3 =	vld [tilespmem:$0x980];
	_ =	sdelay $0x4  }
0x22e: {  	v51 =	vshll.u32 v3, $0x3  }
0x22f: {  	v3 =	vand.u32 $0x7, v3;
	v4 =	vand.u32 $0xFFFFFFC0, v51  }
0x230: {  	v3 =	vor.u32 v3, v4  }
0x231: {  	v4 =	vperm.xlane v3, v0;
	_ =	sdelay $0x1  }
0x232: {  	v4 =	vadd.s32 v1, v4;
	_ =	sdelay $0x4  }
0x233: {  	[tilespmem:s0], [sflag:$0x2] =	stream.indirect_vreg.gather [hbm4b:s2+s3], $0x80, v4, vm0, $0xb8;
	[tilespmem:$0x19000] =	vst v63  }
0x234: {  	s31 =	simm.s32 $0x5800;
	v3 =	vperm.xlane v3, v2  }
0x235: {  	[tilespmem:s31], [sflag:$0x2] =	stream.indirect_vreg.gather [hbm4b:s5+s3], $0x80, v4, vm0, $0xb8;
	[tilespmem:$0x19000] =	vst v63  }
0x236: {  	s28 =	simm.s32 $0x6000;
	v3 =	vadd.s32 v1, v3  }
0x237: {  	[tilespmem:s28], [sflag:$0x2] =	stream.indirect_vreg.gather [hbm4b:s6+s3], $0x80, v4, vm0, $0xb8;
	[tilespmem:$0x19000] =	vst v63  }
0x238: {  	s20 =	simm.s32 $0x6800  }
0x239: {  	[tilespmem:s20], [sflag:$0x2] =	stream.indirect_vreg.gather [hbm4b:s7+s3], $0x80, v4, vm0, $0xb8;
	[tilespmem:$0x19000] =	vst v63  }
0x23a: {  	s25 =	simm.s32 $0x7000  }
0x23b: {  	[tilespmem:s25], [sflag:$0x2] =	stream.indirect_vreg.gather [hbm4b:s2+s3], $0x80, v3, vm0, $0xb8;
	[tilespmem:$0x19000] =	vst v63  }
0x23c: {  	s26 =	simm.s32 $0x7800  }
0x23d: {  	[tilespmem:s26], [sflag:$0x2] =	stream.indirect_vreg.gather [hbm4b:s5+s3], $0x80, v3, vm0, $0xb8;
	[tilespmem:$0x19000] =	vst v63  }
0x23e: {  	s28 =	simm.s32 $0x8000  }
0x23f: {  	[tilespmem:s28], [sflag:$0x2] =	stream.indirect_vreg.gather [hbm4b:s6+s3], $0x80, v3, vm0, $0xb8;
	[tilespmem:$0x19000] =	vst v63  }
0x240: {  	s0 =	simm.s32 $0x8800  }
0x241: {  	[tilespmem:s0], [sflag:$0x2] =	stream.indirect_vreg.gather [hbm4b:s7+s3], $0x80, v3, vm0, $0xb8;
	[tilespmem:$0x19000] =	vst v63  }
0x242: {  	_ =	swait.ge [sflag:s11], $0x4000  }
0x243: {  	[sflag:s11] =	ssyncset.done $0x0  }
0x244: {  	s4 =	simm.s32 $0xD000;
	s0 =	rddreg [dreg:$0x13];
	[sflag:s11] =	ssyncadd.s32 $0xFFFFC000  }
0x245: {  	[hbm4b:s0+s3] =	stream.linear.scatter [tilespmem:s4], [sflag:$0xA], $0x4000, $0x38;
	[tilespmem:$0x19000] =	vst v63  }
0x246: {  	_ =	swait.ge [sflag:s12], $0x4000  }
0x247: {  	[sflag:s12] =	ssyncset.done $0x0  }
0x248: {  	[sflag:s12] =	ssyncadd.s32 $0xFFFFC000  }
0x249: {  	v3 =	vld [tilespmem:$0xA00];
	_ =	sdelay $0x4  }
0x24a: {  	v52 =	vshll.u32 v3, $0x3  }
0x24b: {  	v3 =	vand.u32 $0x7, v3;
	v4 =	vand.u32 $0xFFFFFFC0, v52  }
0x24c: {  	v3 =	vor.u32 v3, v4  }
0x24d: {  	v4 =	vperm.xlane v3, v0;
	_ =	sdelay $0x1  }
0x24e: {  	v4 =	vadd.s32 v1, v4;
	_ =	sdelay $0x4  }
0x24f: {  	[tilespmem:s8], [sflag:$0x3] =	stream.indirect_vreg.gather [hbm4b:s2+s3], $0x80, v4, vm0, $0xb8;
	[tilespmem:$0x19000] =	vst v63  }
0x250: {  	v3 =	vperm.xlane v3, v2;
	s8 =	simm.s32 $0x9800  }
0x251: {  	[tilespmem:s8], [sflag:$0x3] =	stream.indirect_vreg.gather [hbm4b:s5+s3], $0x80, v4, vm0, $0xb8;
	[tilespmem:$0x19000] =	vst v63  }
0x252: {  	s19 =	simm.s32 $0xA000;
	v3 =	vadd.s32 v1, v3  }
0x253: {  	[tilespmem:s19], [sflag:$0x3] =	stream.indirect_vreg.gather [hbm4b:s6+s3], $0x80, v4, vm0, $0xb8;
	[tilespmem:$0x19000] =	vst v63  }
0x254: {  	_ = 	snop  }
0x255: {  	[tilespmem:s10], [sflag:$0x3] =	stream.indirect_vreg.gather [hbm4b:s7+s3], $0x80, v4, vm0, $0xb8;
	[tilespmem:$0x19000] =	vst v63  }
0x256: {  	s0 =	simm.s32 $0xB000  }
0x257: {  	[tilespmem:s0], [sflag:$0x3] =	stream.indirect_vreg.gather [hbm4b:s2+s3], $0x80, v3, vm0, $0xb8;
	[tilespmem:$0x19000] =	vst v63  }
0x258: {  	s8 =	simm.s32 $0xB800  }
0x259: {  	[tilespmem:s8], [sflag:$0x3] =	stream.indirect_vreg.gather [hbm4b:s5+s3], $0x80, v3, vm0, $0xb8;
	[tilespmem:$0x19000] =	vst v63  }
0x25a: {  	s10 =	simm.s32 $0xC000  }
0x25b: {  	[tilespmem:s10], [sflag:$0x3] =	stream.indirect_vreg.gather [hbm4b:s6+s3], $0x80, v3, vm0, $0xb8;
	[tilespmem:$0x19000] =	vst v63  }
0x25c: {  	s19 =	simm.s32 $0xC800  }
0x25d: {  	[tilespmem:s19], [sflag:$0x3] =	stream.indirect_vreg.gather [hbm4b:s7+s3], $0x80, v3, vm0, $0xb8;
	[tilespmem:$0x19000] =	vst v63  }
0x25e: {  	_ =	swait.ge [sflag:s13], $0x4000  }
0x25f: {  	[sflag:s13] =	ssyncset.done $0x0  }
0x260: {  	s0 =	simm.s32 $0x11000;
	s8 =	rddreg [dreg:$0x14];
	[sflag:s13] =	ssyncadd.s32 $0xFFFFC000  }
0x261: {  	[hbm4b:s8+s3] =	stream.linear.scatter [tilespmem:s0], [sflag:$0xB], $0x4000, $0x38;
	[tilespmem:$0x19000] =	vst v63  }
0x262: {  	_ =	swait.ge [sflag:s14], $0x4000  }
0x263: {  	[sflag:s14] =	ssyncset.done $0x0  }
0x264: {  	[sflag:s14] =	ssyncadd.s32 $0xFFFFC000  }
0x265: {  	v3 =	vld [tilespmem:$0xA80];
	_ =	sdelay $0x4  }
0x266: {  	v53 =	vshll.u32 v3, $0x3  }
0x267: {  	v3 =	vand.u32 $0x7, v3;
	v4 =	vand.u32 $0xFFFFFFC0, v53  }
0x268: {  	v3 =	vor.u32 v3, v4  }
0x269: {  	v4 =	vperm.xlane v3, v0;
	_ =	sdelay $0x1  }
0x26a: {  	v4 =	vadd.s32 v1, v4;
	_ =	sdelay $0x4  }
0x26b: {  	[tilespmem:s4], [sflag:$0x4] =	stream.indirect_vreg.gather [hbm4b:s2+s3], $0x80, v4, vm0, $0xb8;
	[tilespmem:$0x19000] =	vst v63  }
0x26c: {  	s10 =	simm.s32 $0xD800;
	v3 =	vperm.xlane v3, v2  }
0x26d: {  	[tilespmem:s10], [sflag:$0x4] =	stream.indirect_vreg.gather [hbm4b:s5+s3], $0x80, v4, vm0, $0xb8;
	[tilespmem:$0x19000] =	vst v63  }
0x26e: {  	s19 =	simm.s32 $0xE000;
	v3 =	vadd.s32 v1, v3  }
0x26f: {  	[tilespmem:s19], [sflag:$0x4] =	stream.indirect_vreg.gather [hbm4b:s6+s3], $0x80, v4, vm0, $0xb8;
	[tilespmem:$0x19000] =	vst v63  }
0x270: {  	s8 =	simm.s32 $0xE800  }
0x271: {  	[tilespmem:s8], [sflag:$0x4] =	stream.indirect_vreg.gather [hbm4b:s7+s3], $0x80, v4, vm0, $0xb8;
	[tilespmem:$0x19000] =	vst v63  }
0x272: {  	s10 =	simm.s32 $0xF000  }
0x273: {  	[tilespmem:s10], [sflag:$0x4] =	stream.indirect_vreg.gather [hbm4b:s2+s3], $0x80, v3, vm0, $0xb8;
	[tilespmem:$0x19000] =	vst v63  }
0x274: {  	s19 =	simm.s32 $0xF800  }
0x275: {  	[tilespmem:s19], [sflag:$0x4] =	stream.indirect_vreg.gather [hbm4b:s5+s3], $0x80, v3, vm0, $0xb8;
	[tilespmem:$0x19000] =	vst v63  }
0x276: {  	s8 =	simm.s32 $0x10000  }
0x277: {  	[tilespmem:s8], [sflag:$0x4] =	stream.indirect_vreg.gather [hbm4b:s6+s3], $0x80, v3, vm0, $0xb8;
	[tilespmem:$0x19000] =	vst v63  }
0x278: {  	_ = 	snop  }
0x279: {  	[tilespmem:s18], [sflag:$0x4] =	stream.indirect_vreg.gather [hbm4b:s7+s3], $0x80, v3, vm0, $0xb8;
	[tilespmem:$0x19000] =	vst v63  }
0x27a: {  	_ =	swait.ge [sflag:s15], $0x4000  }
0x27b: {  	[sflag:s15] =	ssyncset.done $0x0  }
0x27c: {  	s4 =	simm.s32 $0x15000;
	s10 =	rddreg [dreg:$0x15];
	[sflag:s15] =	ssyncadd.s32 $0xFFFFC000  }
0x27d: {  	[hbm4b:s10+s3] =	stream.linear.scatter [tilespmem:s4], [sflag:$0xC], $0x4000, $0x38;
	[tilespmem:$0x19000] =	vst v63  }
0x27e: {  	_ =	swait.ge [sflag:s16], $0x4000  }
0x27f: {  	[sflag:s16] =	ssyncset.done $0x0  }
0x280: {  	[sflag:s16] =	ssyncadd.s32 $0xFFFFC000  }
0x281: {  	v3 =	vld [tilespmem:$0xB00];
	_ =	sdelay $0x4  }
0x282: {  	v54 =	vshll.u32 v3, $0x3  }
0x283: {  	v3 =	vand.u32 $0x7, v3;
	v4 =	vand.u32 $0xFFFFFFC0, v54  }
0x284: {  	v3 =	vor.u32 v3, v4  }
0x285: {  	v4 =	vperm.xlane v3, v0;
	_ =	sdelay $0x1  }
0x286: {  	v4 =	vadd.s32 v1, v4;
	_ =	sdelay $0x4  }
0x287: {  	[tilespmem:s0], [sflag:$0x5] =	stream.indirect_vreg.gather [hbm4b:s2+s3], $0x80, v4, vm0, $0xb8;
	[tilespmem:$0x19000] =	vst v63  }
0x288: {  	s18 =	simm.s32 $0x11800;
	v3 =	vperm.xlane v3, v2  }
0x289: {  	[tilespmem:s18], [sflag:$0x5] =	stream.indirect_vreg.gather [hbm4b:s5+s3], $0x80, v4, vm0, $0xb8;
	[tilespmem:$0x19000] =	vst v63  }
0x28a: {  	s19 =	simm.s32 $0x12000;
	v3 =	vadd.s32 v1, v3  }
0x28b: {  	[tilespmem:s19], [sflag:$0x5] =	stream.indirect_vreg.gather [hbm4b:s6+s3], $0x80, v4, vm0, $0xb8;
	[tilespmem:$0x19000] =	vst v63  }
0x28c: {  	s8 =	simm.s32 $0x12800  }
0x28d: {  	[tilespmem:s8], [sflag:$0x5] =	stream.indirect_vreg.gather [hbm4b:s7+s3], $0x80, v4, vm0, $0xb8;
	[tilespmem:$0x19000] =	vst v63  }
0x28e: {  	s10 =	simm.s32 $0x13000  }
0x28f: {  	[tilespmem:s10], [sflag:$0x5] =	stream.indirect_vreg.gather [hbm4b:s2+s3], $0x80, v3, vm0, $0xb8;
	[tilespmem:$0x19000] =	vst v63  }
0x290: {  	s18 =	simm.s32 $0x13800  }
0x291: {  	[tilespmem:s18], [sflag:$0x5] =	stream.indirect_vreg.gather [hbm4b:s5+s3], $0x80, v3, vm0, $0xb8;
	[tilespmem:$0x19000] =	vst v63  }
0x292: {  	s19 =	simm.s32 $0x14000  }
0x293: {  	[tilespmem:s19], [sflag:$0x5] =	stream.indirect_vreg.gather [hbm4b:s6+s3], $0x80, v3, vm0, $0xb8;
	[tilespmem:$0x19000] =	vst v63  }
0x294: {  	_ = 	snop  }
0x295: {  	[tilespmem:s21], [sflag:$0x5] =	stream.indirect_vreg.gather [hbm4b:s7+s3], $0x80, v3, vm0, $0xb8;
	[tilespmem:$0x19000] =	vst v63  }
0x296: {  	_ =	swait.ge [sflag:s30], $0x4000  }
0x297: {  	[sflag:s30] =	ssyncset.done $0x0  }
0x298: {  	s0 =	simm.s32 $0x1000;
	s21 =	rddreg [dreg:$0x16];
	[sflag:s30] =	ssyncadd.s32 $0xFFFFC000  }
0x299: {  	[hbm4b:s21+s3] =	stream.linear.scatter [tilespmem:s0], [sflag:$0x7], $0x4000, $0x38;
	[tilespmem:$0x19000] =	vst v63  }
0x29a: {  	_ =	swait.ge [sflag:s17], $0x4000  }
0x29b: {  	[sflag:s17] =	ssyncset.done $0x0  }
0x29c: {  	[sflag:s17] =	ssyncadd.s32 $0xFFFFC000  }
0x29d: {  	v3 =	vld [tilespmem:$0xB80];
	_ =	sdelay $0x4  }
0x29e: {  	v55 =	vshll.u32 v3, $0x3  }
0x29f: {  	v3 =	vand.u32 $0x7, v3;
	v4 =	vand.u32 $0xFFFFFFC0, v55  }
0x2a0: {  	v3 =	vor.u32 v3, v4  }
0x2a1: {  	v4 =	vperm.xlane v3, v0;
	_ =	sdelay $0x1  }
0x2a2: {  	v4 =	vadd.s32 v1, v4;
	_ =	sdelay $0x4  }
0x2a3: {  	[tilespmem:s4], [sflag:$0x6] =	stream.indirect_vreg.gather [hbm4b:s2+s3], $0x80, v4, vm0, $0xb8;
	[tilespmem:$0x19000] =	vst v63  }
0x2a4: {  	s8 =	simm.s32 $0x15800;
	v3 =	vperm.xlane v3, v2  }
0x2a5: {  	[tilespmem:s8], [sflag:$0x6] =	stream.indirect_vreg.gather [hbm4b:s5+s3], $0x80, v4, vm0, $0xb8;
	[tilespmem:$0x19000] =	vst v63  }
0x2a6: {  	s10 =	simm.s32 $0x16000;
	v3 =	vadd.s32 v1, v3  }
0x2a7: {  	[tilespmem:s10], [sflag:$0x6] =	stream.indirect_vreg.gather [hbm4b:s6+s3], $0x80, v4, vm0, $0xb8;
	[tilespmem:$0x19000] =	vst v63  }
0x2a8: {  	s18 =	simm.s32 $0x16800  }
0x2a9: {  	[tilespmem:s18], [sflag:$0x6] =	stream.indirect_vreg.gather [hbm4b:s7+s3], $0x80, v4, vm0, $0xb8;
	[tilespmem:$0x19000] =	vst v63  }
0x2aa: {  	s19 =	simm.s32 $0x17000  }
0x2ab: {  	[tilespmem:s19], [sflag:$0x6] =	stream.indirect_vreg.gather [hbm4b:s2+s3], $0x80, v3, vm0, $0xb8;
	[tilespmem:$0x19000] =	vst v63  }
0x2ac: {  	_ = 	snop  }
0x2ad: {  	[tilespmem:s22], [sflag:$0x6] =	stream.indirect_vreg.gather [hbm4b:s5+s3], $0x80, v3, vm0, $0xb8;
	[tilespmem:$0x19000] =	vst v63  }
0x2ae: {  	_ = 	snop  }
0x2af: {  	[tilespmem:s24], [sflag:$0x6] =	stream.indirect_vreg.gather [hbm4b:s6+s3], $0x80, v3, vm0, $0xb8;
	[tilespmem:$0x19000] =	vst v63  }
0x2b0: {  	s4 =	simm.s32 $0x18800  }
0x2b1: {  	[tilespmem:s4], [sflag:$0x6] =	stream.indirect_vreg.gather [hbm4b:s7+s3], $0x80, v3, vm0, $0xb8;
	[tilespmem:$0x19000] =	vst v63  }
0x2b2: {  	_ =	swait.ge [sflag:s29], $0x4000  }
0x2b3: {  	[sflag:s29] =	ssyncset.done $0x0  }
0x2b4: {  	s4 =	simm.s32 $0x5000;
	s8 =	rddreg [dreg:$0x17];
	[sflag:s29] =	ssyncadd.s32 $0xFFFFC000  }
0x2b5: {  	[hbm4b:s8+s3] =	stream.linear.scatter [tilespmem:s4], [sflag:$0x8], $0x4000, $0x38;
	[tilespmem:$0x19000] =	vst v63  }
0x2b6: {  	_ =	swait.ge [sflag:s1], $0x4000  }
0x2b7: {  	[sflag:s1] =	ssyncset.done $0x0  }
0x2b8: {  	[sflag:s1] =	ssyncadd.s32 $0xFFFFC000  }
0x2b9: {  	v3 =	vld [tilespmem:$0xC00];
	_ =	sdelay $0x4  }
0x2ba: {  	v56 =	vshll.u32 v3, $0x3  }
0x2bb: {  	v3 =	vand.u32 $0x7, v3;
	v4 =	vand.u32 $0xFFFFFFC0, v56  }
0x2bc: {  	v3 =	vor.u32 v3, v4  }
0x2bd: {  	v4 =	vperm.xlane v3, v0;
	_ =	sdelay $0x1  }
0x2be: {  	v4 =	vadd.s32 v1, v4;
	_ =	sdelay $0x4  }
0x2bf: {  	[tilespmem:s0], [sflag:$0x1] =	stream.indirect_vreg.gather [hbm4b:s2+s3], $0x80, v4, vm0, $0xb8;
	[tilespmem:$0x19000] =	vst v63  }
0x2c0: {  	s10 =	simm.s32 $0x1800;
	v3 =	vperm.xlane v3, v2  }
0x2c1: {  	[tilespmem:s10], [sflag:$0x1] =	stream.indirect_vreg.gather [hbm4b:s5+s3], $0x80, v4, vm0, $0xb8;
	[tilespmem:$0x19000] =	vst v63  }
0x2c2: {  	s18 =	simm.s32 $0x2000;
	v3 =	vadd.s32 v1, v3  }
0x2c3: {  	[tilespmem:s18], [sflag:$0x1] =	stream.indirect_vreg.gather [hbm4b:s6+s3], $0x80, v4, vm0, $0xb8;
	[tilespmem:$0x19000] =	vst v63  }
0x2c4: {  	s0 =	simm.s32 $0x2800  }
0x2c5: {  	[tilespmem:s0], [sflag:$0x1] =	stream.indirect_vreg.gather [hbm4b:s7+s3], $0x80, v4, vm0, $0xb8;
	[tilespmem:$0x19000] =	vst v63  }
0x2c6: {  	s10 =	simm.s32 $0x3000  }
0x2c7: {  	[tilespmem:s10], [sflag:$0x1] =	stream.indirect_vreg.gather [hbm4b:s2+s3], $0x80, v3, vm0, $0xb8;
	[tilespmem:$0x19000] =	vst v63  }
0x2c8: {  	s18 =	simm.s32 $0x3800  }
0x2c9: {  	[tilespmem:s18], [sflag:$0x1] =	stream.indirect_vreg.gather [hbm4b:s5+s3], $0x80, v3, vm0, $0xb8;
	[tilespmem:$0x19000] =	vst v63  }
0x2ca: {  	s0 =	simm.s32 $0x4000  }
0x2cb: {  	[tilespmem:s0], [sflag:$0x1] =	stream.indirect_vreg.gather [hbm4b:s6+s3], $0x80, v3, vm0, $0xb8;
	[tilespmem:$0x19000] =	vst v63  }
0x2cc: {  	s10 =	simm.s32 $0x4800  }
0x2cd: {  	[tilespmem:s10], [sflag:$0x1] =	stream.indirect_vreg.gather [hbm4b:s7+s3], $0x80, v3, vm0, $0xb8;
	[tilespmem:$0x19000] =	vst v63  }
0x2ce: {  	_ =	swait.ge [sflag:s23], $0x4000  }
0x2cf: {  	[sflag:s23] =	ssyncset.done $0x0  }
0x2d0: {  	s0 =	simm.s32 $0x9000;
	s18 =	rddreg [dreg:$0x18];
	[sflag:s23] =	ssyncadd.s32 $0xFFFFC000  }
0x2d1: {  	[hbm4b:s18+s3] =	stream.linear.scatter [tilespmem:s0], [sflag:$0x9], $0x4000, $0x38;
	[tilespmem:$0x19000] =	vst v63  }
0x2d2: {  	_ =	swait.ge [sflag:s9], $0x4000  }
0x2d3: {  	[sflag:s9] =	ssyncset.done $0x0  }
0x2d4: {  	[sflag:s9] =	ssyncadd.s32 $0xFFFFC000  }
0x2d5: {  	v3 =	vld [tilespmem:$0xC80];
	_ =	sdelay $0x4  }
0x2d6: {  	v57 =	vshll.u32 v3, $0x3  }
0x2d7: {  	v3 =	vand.u32 $0x7, v3;
	v4 =	vand.u32 $0xFFFFFFC0, v57  }
0x2d8: {  	v3 =	vor.u32 v3, v4  }
0x2d9: {  	v4 =	vperm.xlane v3, v0;
	_ =	sdelay $0x1  }
0x2da: {  	v4 =	vadd.s32 v1, v4;
	_ =	sdelay $0x4  }
0x2db: {  	[tilespmem:s4], [sflag:$0x2] =	stream.indirect_vreg.gather [hbm4b:s2+s3], $0x80, v4, vm0, $0xb8;
	[tilespmem:$0x19000] =	vst v63  }
0x2dc: {  	v3 =	vperm.xlane v3, v2  }
0x2dd: {  	[tilespmem:s31], [sflag:$0x2] =	stream.indirect_vreg.gather [hbm4b:s5+s3], $0x80, v4, vm0, $0xb8;
	[tilespmem:$0x19000] =	vst v63  }
0x2de: {  	s10 =	simm.s32 $0x6000;
	v3 =	vadd.s32 v1, v3  }
0x2df: {  	[tilespmem:s10], [sflag:$0x2] =	stream.indirect_vreg.gather [hbm4b:s6+s3], $0x80, v4, vm0, $0xb8;
	[tilespmem:$0x19000] =	vst v63  }
0x2e0: {  	_ = 	snop  }
0x2e1: {  	[tilespmem:s20], [sflag:$0x2] =	stream.indirect_vreg.gather [hbm4b:s7+s3], $0x80, v4, vm0, $0xb8;
	[tilespmem:$0x19000] =	vst v63  }
0x2e2: {  	_ = 	snop  }
0x2e3: {  	[tilespmem:s25], [sflag:$0x2] =	stream.indirect_vreg.gather [hbm4b:s2+s3], $0x80, v3, vm0, $0xb8;
	[tilespmem:$0x19000] =	vst v63  }
0x2e4: {  	_ = 	snop  }
0x2e5: {  	[tilespmem:s26], [sflag:$0x2] =	stream.indirect_vreg.gather [hbm4b:s5+s3], $0x80, v3, vm0, $0xb8;
	[tilespmem:$0x19000] =	vst v63  }
0x2e6: {  	_ = 	snop  }
0x2e7: {  	[tilespmem:s28], [sflag:$0x2] =	stream.indirect_vreg.gather [hbm4b:s6+s3], $0x80, v3, vm0, $0xb8;
	[tilespmem:$0x19000] =	vst v63  }
0x2e8: {  	s18 =	simm.s32 $0x8800  }
0x2e9: {  	[tilespmem:s18], [sflag:$0x2] =	stream.indirect_vreg.gather [hbm4b:s7+s3], $0x80, v3, vm0, $0xb8;
	[tilespmem:$0x19000] =	vst v63  }
0x2ea: {  	_ =	swait.ge [sflag:s11], $0x4000  }
0x2eb: {  	[sflag:s11] =	ssyncset.done $0x0  }
0x2ec: {  	s18 =	simm.s32 $0xD000;
	s10 =	rddreg [dreg:$0x19];
	[sflag:s11] =	ssyncadd.s32 $0xFFFFC000  }
0x2ed: {  	[hbm4b:s10+s3] =	stream.linear.scatter [tilespmem:s18], [sflag:$0xA], $0x4000, $0x38;
	[tilespmem:$0x19000] =	vst v63  }
0x2ee: {  	_ =	swait.ge [sflag:s12], $0x4000  }
0x2ef: {  	[sflag:s12] =	ssyncset.done $0x0  }
0x2f0: {  	[sflag:s12] =	ssyncadd.s32 $0xFFFFC000  }
0x2f1: {  	v3 =	vld [tilespmem:$0xD00];
	_ =	sdelay $0x4  }
0x2f2: {  	v58 =	vshll.u32 v3, $0x3  }
0x2f3: {  	v3 =	vand.u32 $0x7, v3;
	v4 =	vand.u32 $0xFFFFFFC0, v58  }
0x2f4: {  	v3 =	vor.u32 v3, v4  }
0x2f5: {  	v4 =	vperm.xlane v3, v0;
	_ =	sdelay $0x1  }
0x2f6: {  	v4 =	vadd.s32 v1, v4;
	_ =	sdelay $0x4  }
0x2f7: {  	[tilespmem:s0], [sflag:$0x3] =	stream.indirect_vreg.gather [hbm4b:s2+s3], $0x80, v4, vm0, $0xb8;
	[tilespmem:$0x19000] =	vst v63  }
0x2f8: {  	s19 =	simm.s32 $0x9800;
	v3 =	vperm.xlane v3, v2  }
0x2f9: {  	[tilespmem:s19], [sflag:$0x3] =	stream.indirect_vreg.gather [hbm4b:s5+s3], $0x80, v4, vm0, $0xb8;
	[tilespmem:$0x19000] =	vst v63  }
0x2fa: {  	v3 =	vadd.s32 v1, v3;
	s19 =	simm.s32 $0xA000  }
0x2fb: {  	[tilespmem:s19], [sflag:$0x3] =	stream.indirect_vreg.gather [hbm4b:s6+s3], $0x80, v4, vm0, $0xb8;
	[tilespmem:$0x19000] =	vst v63  }
0x2fc: {  	s19 =	simm.s32 $0xA800  }
0x2fd: {  	[tilespmem:s19], [sflag:$0x3] =	stream.indirect_vreg.gather [hbm4b:s7+s3], $0x80, v4, vm0, $0xb8;
	[tilespmem:$0x19000] =	vst v63  }
0x2fe: {  	s19 =	simm.s32 $0xB000  }
0x2ff: {  	[tilespmem:s19], [sflag:$0x3] =	stream.indirect_vreg.gather [hbm4b:s2+s3], $0x80, v3, vm0, $0xb8;
	[tilespmem:$0x19000] =	vst v63  }
0x300: {  	s19 =	simm.s32 $0xB800  }
0x301: {  	[tilespmem:s19], [sflag:$0x3] =	stream.indirect_vreg.gather [hbm4b:s5+s3], $0x80, v3, vm0, $0xb8;
	[tilespmem:$0x19000] =	vst v63  }
0x302: {  	s19 =	simm.s32 $0xC000  }
0x303: {  	[tilespmem:s19], [sflag:$0x3] =	stream.indirect_vreg.gather [hbm4b:s6+s3], $0x80, v3, vm0, $0xb8;
	[tilespmem:$0x19000] =	vst v63  }
0x304: {  	s19 =	simm.s32 $0xC800  }
0x305: {  	[tilespmem:s19], [sflag:$0x3] =	stream.indirect_vreg.gather [hbm4b:s7+s3], $0x80, v3, vm0, $0xb8;
	[tilespmem:$0x19000] =	vst v63  }
0x306: {  	_ =	swait.ge [sflag:s13], $0x4000  }
0x307: {  	[sflag:s13] =	ssyncset.done $0x0  }
0x308: {  	s0 =	simm.s32 $0x11000;
	s19 =	rddreg [dreg:$0x1a];
	[sflag:s13] =	ssyncadd.s32 $0xFFFFC000  }
0x309: {  	[hbm4b:s19+s3] =	stream.linear.scatter [tilespmem:s0], [sflag:$0xB], $0x4000, $0x38;
	[tilespmem:$0x19000] =	vst v63  }
0x30a: {  	_ =	swait.ge [sflag:s14], $0x4000  }
0x30b: {  	[sflag:s14] =	ssyncset.done $0x0  }
0x30c: {  	[sflag:s14] =	ssyncadd.s32 $0xFFFFC000  }
0x30d: {  	v3 =	vld [tilespmem:$0xD80];
	_ =	sdelay $0x4  }
0x30e: {  	v59 =	vshll.u32 v3, $0x3  }
0x30f: {  	v3 =	vand.u32 $0x7, v3;
	v4 =	vand.u32 $0xFFFFFFC0, v59  }
0x310: {  	v3 =	vor.u32 v3, v4  }
0x311: {  	v4 =	vperm.xlane v3, v0;
	_ =	sdelay $0x1  }
0x312: {  	v4 =	vadd.s32 v1, v4;
	_ =	sdelay $0x4  }
0x313: {  	[tilespmem:s18], [sflag:$0x4] =	stream.indirect_vreg.gather [hbm4b:s2+s3], $0x80, v4, vm0, $0xb8;
	[tilespmem:$0x19000] =	vst v63  }
0x314: {  	s19 =	simm.s32 $0xD800;
	v3 =	vperm.xlane v3, v2  }
0x315: {  	[tilespmem:s19], [sflag:$0x4] =	stream.indirect_vreg.gather [hbm4b:s5+s3], $0x80, v4, vm0, $0xb8;
	[tilespmem:$0x19000] =	vst v63  }
0x316: {  	v3 =	vadd.s32 v1, v3;
	s19 =	simm.s32 $0xE000  }
0x317: {  	[tilespmem:s19], [sflag:$0x4] =	stream.indirect_vreg.gather [hbm4b:s6+s3], $0x80, v4, vm0, $0xb8;
	[tilespmem:$0x19000] =	vst v63  }
0x318: {  	s19 =	simm.s32 $0xE800  }
0x319: {  	[tilespmem:s19], [sflag:$0x4] =	stream.indirect_vreg.gather [hbm4b:s7+s3], $0x80, v4, vm0, $0xb8;
	[tilespmem:$0x19000] =	vst v63  }
0x31a: {  	s19 =	simm.s32 $0xF000  }
0x31b: {  	[tilespmem:s19], [sflag:$0x4] =	stream.indirect_vreg.gather [hbm4b:s2+s3], $0x80, v3, vm0, $0xb8;
	[tilespmem:$0x19000] =	vst v63  }
0x31c: {  	s19 =	simm.s32 $0xF800  }
0x31d: {  	[tilespmem:s19], [sflag:$0x4] =	stream.indirect_vreg.gather [hbm4b:s5+s3], $0x80, v3, vm0, $0xb8;
	[tilespmem:$0x19000] =	vst v63  }
0x31e: {  	s19 =	simm.s32 $0x10000  }
0x31f: {  	[tilespmem:s19], [sflag:$0x4] =	stream.indirect_vreg.gather [hbm4b:s6+s3], $0x80, v3, vm0, $0xb8;
	[tilespmem:$0x19000] =	vst v63  }
0x320: {  	s19 =	simm.s32 $0x10800  }
0x321: {  	[tilespmem:s19], [sflag:$0x4] =	stream.indirect_vreg.gather [hbm4b:s7+s3], $0x80, v3, vm0, $0xb8;
	[tilespmem:$0x19000] =	vst v63  }
0x322: {  	_ =	swait.ge [sflag:s15], $0x4000  }
0x323: {  	[sflag:s15] =	ssyncset.done $0x0  }
0x324: {  	s21 =	simm.s32 $0x15000;
	s19 =	rddreg [dreg:$0x1b];
	[sflag:s15] =	ssyncadd.s32 $0xFFFFC000  }
0x325: {  	[hbm4b:s19+s3] =	stream.linear.scatter [tilespmem:s21], [sflag:$0xC], $0x4000, $0x38;
	[tilespmem:$0x19000] =	vst v63  }
0x326: {  	_ =	swait.ge [sflag:s16], $0x4000  }
0x327: {  	[sflag:s16] =	ssyncset.done $0x0  }
0x328: {  	[sflag:s16] =	ssyncadd.s32 $0xFFFFC000  }
0x329: {  	v3 =	vld [tilespmem:$0xE00];
	_ =	sdelay $0x4  }
0x32a: {  	v60 =	vshll.u32 v3, $0x3  }
0x32b: {  	v3 =	vand.u32 $0x7, v3;
	v4 =	vand.u32 $0xFFFFFFC0, v60  }
0x32c: {  	v3 =	vor.u32 v3, v4  }
0x32d: {  	v4 =	vperm.xlane v3, v0;
	_ =	sdelay $0x1  }
0x32e: {  	v4 =	vadd.s32 v1, v4;
	_ =	sdelay $0x4  }
0x32f: {  	[tilespmem:s0], [sflag:$0x5] =	stream.indirect_vreg.gather [hbm4b:s2+s3], $0x80, v4, vm0, $0xb8;
	[tilespmem:$0x19000] =	vst v63  }
0x330: {  	s19 =	simm.s32 $0x11800;
	v3 =	vperm.xlane v3, v2  }
0x331: {  	[tilespmem:s19], [sflag:$0x5] =	stream.indirect_vreg.gather [hbm4b:s5+s3], $0x80, v4, vm0, $0xb8;
	[tilespmem:$0x19000] =	vst v63  }
0x332: {  	v3 =	vadd.s32 v1, v3;
	s19 =	simm.s32 $0x12000  }
0x333: {  	[tilespmem:s19], [sflag:$0x5] =	stream.indirect_vreg.gather [hbm4b:s6+s3], $0x80, v4, vm0, $0xb8;
	[tilespmem:$0x19000] =	vst v63  }
0x334: {  	s19 =	simm.s32 $0x12800  }
0x335: {  	[tilespmem:s19], [sflag:$0x5] =	stream.indirect_vreg.gather [hbm4b:s7+s3], $0x80, v4, vm0, $0xb8;
	[tilespmem:$0x19000] =	vst v63  }
0x336: {  	s19 =	simm.s32 $0x13000  }
0x337: {  	[tilespmem:s19], [sflag:$0x5] =	stream.indirect_vreg.gather [hbm4b:s2+s3], $0x80, v3, vm0, $0xb8;
	[tilespmem:$0x19000] =	vst v63  }
0x338: {  	s19 =	simm.s32 $0x13800  }
0x339: {  	[tilespmem:s19], [sflag:$0x5] =	stream.indirect_vreg.gather [hbm4b:s5+s3], $0x80, v3, vm0, $0xb8;
	[tilespmem:$0x19000] =	vst v63  }
0x33a: {  	s19 =	simm.s32 $0x14000  }
0x33b: {  	[tilespmem:s19], [sflag:$0x5] =	stream.indirect_vreg.gather [hbm4b:s6+s3], $0x80, v3, vm0, $0xb8;
	[tilespmem:$0x19000] =	vst v63  }
0x33c: {  	s19 =	simm.s32 $0x14800  }
0x33d: {  	[tilespmem:s19], [sflag:$0x5] =	stream.indirect_vreg.gather [hbm4b:s7+s3], $0x80, v3, vm0, $0xb8;
	[tilespmem:$0x19000] =	vst v63  }
0x33e: {  	_ =	swait.ge [sflag:s30], $0x4000  }
0x33f: {  	[sflag:s30] =	ssyncset.done $0x0  }
0x340: {  	s8 =	simm.s32 $0x1000;
	s19 =	rddreg [dreg:$0x1c];
	[sflag:s30] =	ssyncadd.s32 $0xFFFFC000  }
0x341: {  	[hbm4b:s19+s3] =	stream.linear.scatter [tilespmem:s8], [sflag:$0x7], $0x4000, $0x38;
	[tilespmem:$0x19000] =	vst v63  }
0x342: {  	_ =	swait.ge [sflag:s17], $0x4000  }
0x343: {  	[sflag:s17] =	ssyncset.done $0x0  }
0x344: {  	[sflag:s17] =	ssyncadd.s32 $0xFFFFC000  }
0x345: {  	v3 =	vld [tilespmem:$0xE80];
	_ =	sdelay $0x4  }
0x346: {  	v61 =	vshll.u32 v3, $0x3  }
0x347: {  	v3 =	vand.u32 $0x7, v3;
	v4 =	vand.u32 $0xFFFFFFC0, v61  }
0x348: {  	v3 =	vor.u32 v3, v4  }
0x349: {  	v4 =	vperm.xlane v3, v0;
	_ =	sdelay $0x1  }
0x34a: {  	v4 =	vadd.s32 v1, v4;
	_ =	sdelay $0x4  }
0x34b: {  	[tilespmem:s21], [sflag:$0x6] =	stream.indirect_vreg.gather [hbm4b:s2+s3], $0x80, v4, vm0, $0xb8;
	[tilespmem:$0x19000] =	vst v63  }
0x34c: {  	s19 =	simm.s32 $0x15800;
	v3 =	vperm.xlane v3, v2  }
0x34d: {  	[tilespmem:s19], [sflag:$0x6] =	stream.indirect_vreg.gather [hbm4b:s5+s3], $0x80, v4, vm0, $0xb8;
	[tilespmem:$0x19000] =	vst v63  }
0x34e: {  	v3 =	vadd.s32 v1, v3;
	s19 =	simm.s32 $0x16000  }
0x34f: {  	[tilespmem:s19], [sflag:$0x6] =	stream.indirect_vreg.gather [hbm4b:s6+s3], $0x80, v4, vm0, $0xb8;
	[tilespmem:$0x19000] =	vst v63  }
0x350: {  	s19 =	simm.s32 $0x16800  }
0x351: {  	[tilespmem:s19], [sflag:$0x6] =	stream.indirect_vreg.gather [hbm4b:s7+s3], $0x80, v4, vm0, $0xb8;
	[tilespmem:$0x19000] =	vst v63  }
0x352: {  	s19 =	simm.s32 $0x17000  }
0x353: {  	[tilespmem:s19], [sflag:$0x6] =	stream.indirect_vreg.gather [hbm4b:s2+s3], $0x80, v3, vm0, $0xb8;
	[tilespmem:$0x19000] =	vst v63  }
0x354: {  	s22 =	simm.s32 $0x17800  }
0x355: {  	[tilespmem:s22], [sflag:$0x6] =	stream.indirect_vreg.gather [hbm4b:s5+s3], $0x80, v3, vm0, $0xb8;
	[tilespmem:$0x19000] =	vst v63  }
0x356: {  	s24 =	simm.s32 $0x18000  }
0x357: {  	[tilespmem:s24], [sflag:$0x6] =	stream.indirect_vreg.gather [hbm4b:s6+s3], $0x80, v3, vm0, $0xb8;
	[tilespmem:$0x19000] =	vst v63  }
0x358: {  	s22 =	simm.s32 $0x18800  }
0x359: {  	[tilespmem:s22], [sflag:$0x6] =	stream.indirect_vreg.gather [hbm4b:s7+s3], $0x80, v3, vm0, $0xb8;
	[tilespmem:$0x19000] =	vst v63  }
0x35a: {  	_ =	swait.ge [sflag:s29], $0x4000  }
0x35b: {  	[sflag:s29] =	ssyncset.done $0x0  }
0x35c: {  	s4 =	simm.s32 $0x5000;
	s24 =	rddreg [dreg:$0x1d];
	[sflag:s29] =	ssyncadd.s32 $0xFFFFC000  }
0x35d: {  	[hbm4b:s24+s3] =	stream.linear.scatter [tilespmem:s4], [sflag:$0x8], $0x4000, $0x38;
	[tilespmem:$0x19000] =	vst v63  }
0x35e: {  	_ =	swait.ge [sflag:s1], $0x4000  }
0x35f: {  	[sflag:s1] =	ssyncset.done $0x0  }
0x360: {  	[sflag:s1] =	ssyncadd.s32 $0xFFFFC000  }
0x361: {  	v3 =	vld [tilespmem:$0xF00];
	_ =	sdelay $0x4  }
0x362: {  	v62 =	vshll.u32 v3, $0x3  }
0x363: {  	v3 =	vand.u32 $0x7, v3;
	v4 =	vand.u32 $0xFFFFFFC0, v62  }
0x364: {  	v3 =	vor.u32 v3, v4  }
0x365: {  	v4 =	vperm.xlane v3, v0;
	_ =	sdelay $0x1  }
0x366: {  	v4 =	vadd.s32 v1, v4;
	_ =	sdelay $0x4  }
0x367: {  	[tilespmem:s8], [sflag:$0x1] =	stream.indirect_vreg.gather [hbm4b:s2+s3], $0x80, v4, vm0, $0xb8;
	[tilespmem:$0x19000] =	vst v63  }
0x368: {  	s22 =	simm.s32 $0x1800;
	v3 =	vperm.xlane v3, v2  }
0x369: {  	[tilespmem:s22], [sflag:$0x1] =	stream.indirect_vreg.gather [hbm4b:s5+s3], $0x80, v4, vm0, $0xb8;
	[tilespmem:$0x19000] =	vst v63  }
0x36a: {  	s24 =	simm.s32 $0x2000;
	v3 =	vadd.s32 v1, v3  }
0x36b: {  	[tilespmem:s24], [sflag:$0x1] =	stream.indirect_vreg.gather [hbm4b:s6+s3], $0x80, v4, vm0, $0xb8;
	[tilespmem:$0x19000] =	vst v63  }
0x36c: {  	s22 =	simm.s32 $0x2800  }
0x36d: {  	[tilespmem:s22], [sflag:$0x1] =	stream.indirect_vreg.gather [hbm4b:s7+s3], $0x80, v4, vm0, $0xb8;
	[tilespmem:$0x19000] =	vst v63  }
0x36e: {  	s24 =	simm.s32 $0x3000  }
0x36f: {  	[tilespmem:s24], [sflag:$0x1] =	stream.indirect_vreg.gather [hbm4b:s2+s3], $0x80, v3, vm0, $0xb8;
	[tilespmem:$0x19000] =	vst v63  }
0x370: {  	s22 =	simm.s32 $0x3800  }
0x371: {  	[tilespmem:s22], [sflag:$0x1] =	stream.indirect_vreg.gather [hbm4b:s5+s3], $0x80, v3, vm0, $0xb8;
	[tilespmem:$0x19000] =	vst v63  }
0x372: {  	s24 =	simm.s32 $0x4000  }
0x373: {  	[tilespmem:s24], [sflag:$0x1] =	stream.indirect_vreg.gather [hbm4b:s6+s3], $0x80, v3, vm0, $0xb8;
	[tilespmem:$0x19000] =	vst v63  }
0x374: {  	s22 =	simm.s32 $0x4800  }
0x375: {  	[tilespmem:s22], [sflag:$0x1] =	stream.indirect_vreg.gather [hbm4b:s7+s3], $0x80, v3, vm0, $0xb8;
	[tilespmem:$0x19000] =	vst v63  }
0x376: {  	_ =	swait.ge [sflag:s23], $0x4000  }
0x377: {  	[sflag:s23] =	ssyncset.done $0x0  }
0x378: {  	s10 =	simm.s32 $0x9000;
	s24 =	rddreg [dreg:$0x1e];
	[sflag:s23] =	ssyncadd.s32 $0xFFFFC000  }
0x379: {  	[hbm4b:s24+s3] =	stream.linear.scatter [tilespmem:s10], [sflag:$0x9], $0x4000, $0x38;
	[tilespmem:$0x19000] =	vst v63  }
0x37a: {  	_ =	swait.ge [sflag:s9], $0x4000  }
0x37b: {  	[sflag:s9] =	ssyncset.done $0x0  }
0x37c: {  	[sflag:s9] =	ssyncadd.s32 $0xFFFFC000  }
0x37d: {  	v3 =	vld [tilespmem:$0xF80];
	_ =	sdelay $0x4  }
0x37e: {  	v63 =	vshll.u32 v3, $0x3  }
0x37f: {  	v3 =	vand.u32 $0x7, v3;
	v4 =	vand.u32 $0xFFFFFFC0, v63  }
0x380: {  	v3 =	vor.u32 v3, v4  }
0x381: {  	v4 =	vperm.xlane v3, v0;
	_ =	sdelay $0x1  }
0x382: {  	v4 =	vadd.s32 v1, v4;
	_ =	sdelay $0x4  }
0x383: {  	[tilespmem:s4], [sflag:$0x2] =	stream.indirect_vreg.gather [hbm4b:s2+s3], $0x80, v4, vm0, $0xb8;
	[tilespmem:$0x19000] =	vst v63  }
0x384: {  	s31 =	simm.s32 $0x5800;
	v3 =	vperm.xlane v3, v2  }
0x385: {  	[tilespmem:s31], [sflag:$0x2] =	stream.indirect_vreg.gather [hbm4b:s5+s3], $0x80, v4, vm0, $0xb8;
	[tilespmem:$0x19000] =	vst v63  }
0x386: {  	s19 =	simm.s32 $0x6000;
	v3 =	vadd.s32 v1, v3  }
0x387: {  	[tilespmem:s19], [sflag:$0x2] =	stream.indirect_vreg.gather [hbm4b:s6+s3], $0x80, v4, vm0, $0xb8;
	[tilespmem:$0x19000] =	vst v63  }
0x388: {  	s20 =	simm.s32 $0x6800  }
0x389: {  	[tilespmem:s20], [sflag:$0x2] =	stream.indirect_vreg.gather [hbm4b:s7+s3], $0x80, v4, vm0, $0xb8;
	[tilespmem:$0x19000] =	vst v63  }
0x38a: {  	s25 =	simm.s32 $0x7000  }
0x38b: {  	[tilespmem:s25], [sflag:$0x2] =	stream.indirect_vreg.gather [hbm4b:s2+s3], $0x80, v3, vm0, $0xb8;
	[tilespmem:$0x19000] =	vst v63  }
0x38c: {  	s26 =	simm.s32 $0x7800  }
0x38d: {  	[tilespmem:s26], [sflag:$0x2] =	stream.indirect_vreg.gather [hbm4b:s5+s3], $0x80, v3, vm0, $0xb8;
	[tilespmem:$0x19000] =	vst v63  }
0x38e: {  	s28 =	simm.s32 $0x8000  }
0x38f: {  	[tilespmem:s28], [sflag:$0x2] =	stream.indirect_vreg.gather [hbm4b:s6+s3], $0x80, v3, vm0, $0xb8;
	[tilespmem:$0x19000] =	vst v63  }
0x390: {  	s20 =	simm.s32 $0x8800  }
0x391: {  	[tilespmem:s20], [sflag:$0x2] =	stream.indirect_vreg.gather [hbm4b:s7+s3], $0x80, v3, vm0, $0xb8;
	[tilespmem:$0x19000] =	vst v63  }
0x392: {  	_ =	swait.ge [sflag:s11], $0x4000  }
0x393: {  	[sflag:s11] =	ssyncset.done $0x0  }
0x394: {  	s18 =	simm.s32 $0xD000;
	s22 =	rddreg [dreg:$0x1f];
	[sflag:s11] =	ssyncadd.s32 $0xFFFFC000  }
0x395: {  	[hbm4b:s22+s3] =	stream.linear.scatter [tilespmem:s18], [sflag:$0xA], $0x4000, $0x38;
	[tilespmem:$0x19000] =	vst v63  }
0x396: {  	_ =	swait.ge [sflag:s13], $0x4000  }
0x397: {  	s24 =	sld [smem:$0x7F9]  }
0x398: {  	[sflag:s13] =	ssyncset.done $0x0  }
0x399: {  	s0 =	simm.s32 $0x11000;
	[sflag:s13] =	ssyncadd.s32 $0xFFFFC000  }
0x39a: {  	[hbm4b:s24+s3] =	stream.linear.scatter [tilespmem:s0], [sflag:$0xB], $0x4000, $0x38;
	[tilespmem:$0x19000] =	vst v63  }
0x39b: {  	_ =	swait.ge [sflag:s15], $0x4000  }
0x39c: {  	s25 =	sld [smem:$0x7FA]  }
0x39d: {  	[sflag:s15] =	ssyncset.done $0x0  }
0x39e: {  	[sflag:s15] =	ssyncadd.s32 $0xFFFFC000  }
0x39f: {  	[hbm4b:s25+s3] =	stream.linear.scatter [tilespmem:s21], [sflag:$0xC], $0x4000, $0x38;
	[tilespmem:$0x19000] =	vst v63  }
0x3a0: {  	_ =	swait.ge [sflag:s30], $0x4000  }
0x3a1: {  	s26 =	sld [smem:$0x7FB]  }
0x3a2: {  	[sflag:s30] =	ssyncset.done $0x0  }
0x3a3: {  	[sflag:s30] =	ssyncadd.s32 $0xFFFFC000  }
0x3a4: {  	[hbm4b:s26+s3] =	stream.linear.scatter [tilespmem:s8], [sflag:$0x7], $0x4000, $0x38;
	[tilespmem:$0x19000] =	vst v63  }
0x3a5: {  	_ =	swait.ge [sflag:s29], $0x4000  }
0x3a6: {  	s28 =	sld [smem:$0x7FD]  }
0x3a7: {  	[sflag:s29] =	ssyncset.done $0x0  }
0x3a8: {  	[sflag:s29] =	ssyncadd.s32 $0xFFFFC000  }
0x3a9: {  	[hbm4b:s28+s3] =	stream.linear.scatter [tilespmem:s4], [sflag:$0x8], $0x4000, $0x38;
	[tilespmem:$0x19000] =	vst v63  }
0x3aa: {  	s31 =	sld [smem:$0x7F8];
	_ =	swait.ge [sflag:s12], $0x4000  }
0x3ab: {  	[sflag:s12] =	ssyncset.done $0x0  }
0x3ac: {  	[sflag:s12] =	ssyncadd.s32 $0xFFFFC000  }
0x3ad: {  	_ =	swait.ge [sflag:s14], $0x4000  }
0x3ae: {  	[sflag:s14] =	ssyncset.done $0x0  }
0x3af: {  	[sflag:s14] =	ssyncadd.s32 $0xFFFFC000  }
0x3b0: {  	_ =	swait.ge [sflag:s16], $0x4000  }
0x3b1: {  	[sflag:s16] =	ssyncset.done $0x0  }
0x3b2: {  	[sflag:s16] =	ssyncadd.s32 $0xFFFFC000  }
0x3b3: {  	_ =	swait.ge [sflag:s17], $0x4000  }
0x3b4: {  	[sflag:s17] =	ssyncset.done $0x0  }
0x3b5: {  	[sflag:s17] =	ssyncadd.s32 $0xFFFFC000  }
0x3b6: {  	p0 =	sne.s32 s31, $0x1;
	_ =	swait.ge [sflag:s1], $0x4000  }
.Ltmp0:
0x3b7: {  	[sflag:s1] =	ssyncset.done $0x0;
	(pc) =	sbr.rel @p0 .LBB2_1-.Ltmp0, $4  }
0x3b8: {  	[sflag:s1] =	ssyncadd.s32 $0xFFFFC000  }
0x3b9: {  	_ =	swait.ge [sflag:s9], $0x4000  }
0x3ba: {  	[sflag:s9] =	ssyncset.done $0x0  }
0x3bb: {  	s4 =	sadd.s32 $0xFFFFFFFF, s31;
	[sflag:s9] =	ssyncadd.s32 $0xFFFFC000  }
0x3bc: {  	_ =	sfence.sel $0x180000  }
0x3bd: {  	[bflag:$0x0] =	sbarrier.arrive $0xFFFF  }
0x3be: {  	_ =	strace $0x90000047  }
0x3bf: {  	s0 =	stileid.u32;
	[bflag:$0x2] =	sbarrier.arrive $0xFFFF  }
0x3c0: {  	p0 =	sne.s32 s0, $0x0;
	s0 =	rddreg [dreg:$0x3]  }
0x3c1: {  	s0 =	sadd.s32 @!p0 $0x100000, s0  }
0x3c2: {  	[sflag:s0] =	ssyncadd.tile.s32 @!p0 $0x1;
	_ =	shalt  }
.Lfunc_end2:
_tile_overlayer_lowered:
.L_overlay_start_2:
0x3c3: {  	(tag) =	ssettag $0x2  }
0x3c4: {  	s0 =	rddreg [dreg:$0x0];
	s2 =	stileid.u32  }
0x3c5: {  	s1 =	rddreg [dreg:$0x1];
	p0 =	sne.s32 s2, $0x0  }
0x3c6: {  	s3 =	rddreg [dreg:$0x2];
	[bflag:$0x3] =	sbarrier.arrive $0xFFFF;
	s2 =	simm.s32 @!p0 $0x1C0D  }
0x3c7: {  	[timem:s3], [sflag:s2] =	dma.local @!p0 [hbm:s0], s1  }
0x3c8: {  	s0 =	simm.s32 @!p0 $0xD  }
0x3c9: {  	_ =	swait.ge @!p0 [sflag:s0], s1  }
0x3ca: {  	s1 =	ssub.s32 @!p0 $0x0, s1;
	[sflag:s0] =	ssyncset.done @!p0 $0x0  }
0x3cb: {  	[sflag:s0] =	ssyncadd.s32 @!p0 s1  }
0x3cc: {  	[bflag:$0x3] =	sbarrier.arrive $0xFFFF  }
0x3cd: {  	_ =	shalt  }

</sc_bundles>
